<compile_context>
chip_gen: v7x
topology: tpu7x:2x2x1
jax: 0.10.2.dev20260603
libtpu: 0.0.44.dev20260713+nightly
codegen_flags: <defaults>
</compile_context>

<pallas_src>
import functools

import jax
import jax.numpy as jnp
from jax import lax
from jax.experimental import pallas as pl
from jax.experimental.pallas import tpu as pltpu
from jax.experimental.pallas import tpu_sc as plsc

NCLS = 8192
DIM = 256
BATCH = 16384
LANES = 16

_info = plsc.get_sparse_core_info()
NC = _info.num_cores
NS = _info.num_subcores
NW = NC * NS
B_PER_W = BATCH // NW

_mesh = plsc.VectorSubcoreMesh(core_axis_name="c", subcore_axis_name="s")


@functools.partial(
    pl.kernel,
    out_type=jax.ShapeDtypeStruct((NW, NCLS), jnp.float32),
    mesh=_mesh,
    compiler_params=pltpu.CompilerParams(needs_layout_passes=False),
    scratch_types=[
        pltpu.VMEM((B_PER_W,), jnp.int32),
        pltpu.VMEM((NCLS,), jnp.float32),
    ],
)
def _sc_observed_partials(labels_hbm, out_hbm, idx_v, mask_v):
    wid = lax.axis_index("s") * NC + lax.axis_index("c")
    base = wid * B_PER_W
    pltpu.sync_copy(labels_hbm.at[pl.ds(base, B_PER_W)], idx_v)

    zero16 = jnp.zeros((LANES,), jnp.float32)
    one16 = jnp.ones((LANES,), jnp.float32)

    for i in range(NCLS // LANES):
        mask_v[pl.ds(i * LANES, LANES)] = zero16

    for j in range(B_PER_W // LANES):
        idx = idx_v[pl.ds(j * LANES, LANES)]
        plsc.store_scatter(mask_v, [idx], one16)

    pltpu.sync_copy(mask_v, out_hbm.at[wid])


ROWS_BLK = 2048


def _tc_body(ctrl_ref, cls_ref, part_ref, out_ref):
    pid = pl.program_id(0)
    x = cls_ref[:]
    rid = lax.broadcasted_iota(jnp.int32, (ROWS_BLK, 1), 0) + pid * ROWS_BLK
    x = jnp.where(rid == 0, ctrl_ref[:], x)
    cnt = jnp.sum(part_ref[:], axis=0)
    obs = (cnt > 0.0).astype(jnp.float32)
    ssq = jnp.sum(x * x, axis=1)
    scale = obs * lax.rsqrt(jnp.maximum(ssq, 1e-24))
    out_ref[:] = x * scale[:, None]


def _copy_body(cls_ref, out_ref):
    out_ref[:] = cls_ref[:] * 2.0


@jax.jit
def _copy_only(cls_emb):
    return pl.pallas_call(
        _copy_body,
        grid=(NCLS // ROWS_BLK,),
        in_specs=[pl.BlockSpec((ROWS_BLK, DIM), lambda i: (i, 0))],
        out_specs=pl.BlockSpec((ROWS_BLK, DIM), lambda i: (i, 0)),
        out_shape=jax.ShapeDtypeStruct((NCLS, DIM), jnp.float32),
    )(cls_emb)


@jax.jit
def _impl(cls_emb, control_emb, labels):
    labels32 = labels.astype(jnp.int32)
    partials = _sc_observed_partials(labels32)
    grid = NCLS // ROWS_BLK
    out = pl.pallas_call(
        _tc_body,
        grid=(grid,),
        in_specs=[
            pl.BlockSpec((1, DIM), lambda i: (0, 0)),
            pl.BlockSpec((ROWS_BLK, DIM), lambda i: (i, 0)),
            pl.BlockSpec((NW, ROWS_BLK), lambda i: (0, i)),
        ],
        out_specs=pl.BlockSpec((ROWS_BLK, DIM), lambda i: (i, 0)),
        out_shape=jax.ShapeDtypeStruct((NCLS, DIM), jnp.float32),
    )(control_emb, cls_emb, partials)
    return out


def kernel(cls_emb, control_emb, labels, n_negatives):
    return _impl(cls_emb, control_emb, labels)

# --- scband reference (transcript-rebuilt; emitter-appended) ---
"""Pipeline reference for scband-external-class-embedding-61100204752999 (READ-ONLY COPY).

The authoritative reference and input builder live on the scoring server;
editing this copy changes nothing except your own understanding.
"""

import jax, jax.numpy as jnp
import numpy as np

NCLS = 8192
DIM = 256
BATCH = 16384
CTRL_IDX = 0
EPS = 1e-12

def _l2_normalize(x):
    n = jnp.linalg.norm(x, axis=-1, keepdims=True)
    return x / jnp.maximum(n, EPS)

def setup_inputs(seed: int = 0) -> dict:
    key = jax.random.key(seed)
    k1, k2, k3 = jax.random.split(key, 3)
    # pre-trained class embedding, normalized in __init__
    cls_emb = _l2_normalize(jax.random.normal(k1, (NCLS, DIM), dtype=jnp.float32))
    # learnable control embedding parameter
    control_emb = jax.random.normal(k2, (1, DIM), dtype=jnp.float32) * 0.02
    labels = jax.random.randint(k3, (BATCH,), 0, NCLS, dtype=jnp.int64)
    return {"cls_emb": cls_emb, "control_emb": control_emb, "labels": labels, "n_negatives": 0}

def reference(cls_emb, control_emb, labels, n_negatives=0):
    # forward: overwrite control row with learnable control embedding
    emb = cls_emb.at[CTRL_IDX].set(control_emb[0])
    # is_observed_mask = isin(arange(ncls), labels.unique()) via scatter-set
    is_observed = jnp.zeros((NCLS,), dtype=bool).at[labels].set(True)
    # n_negatives == 0 -> negative-sampling branch skipped (matches torch path)
    emb = _l2_normalize(emb)
    emb = emb * is_observed.astype(jnp.float32)[:, None]
    return emb

if False:  # reference __main__ guard neutralized (emitter)
    out = reference(**setup_inputs())
    print(out.shape, out.dtype)

if __name__ == "__main__":
    import jax
    _d = setup_inputs()
    print(jax.jit(kernel)(*tuple(_d.values())))

</pallas_src>

<mosaic_0001>
#map = affine_map<(d0, d1) -> (0)>
#map1 = affine_map<(d0, d1) -> (0, 0)>
module attributes {stable_mosaic.version = 14 : i64} {
  func.func @_sc_observed_partials(%arg0: i32, %arg1: i32, %arg2: memref<16384xi32, #tpu.memory_space<hbm>>, %arg3: memref<32x8192xf32, #tpu.memory_space<hbm>>, %arg4: memref<512xi32, #tpu.memory_space<vmem>>, %arg5: memref<8192xf32, #tpu.memory_space<vmem>>) attributes {dimension_semantics = [#tpu.dimension_semantics<core_parallel>, #tpu.dimension_semantics<subcore_parallel>], iteration_bounds = array<i64: 2, 16>, scalar_prefetch = 0 : i64, scratch_operands = 2 : i64, tpu.core_type = #tpu.core_type<sc_vector_subcore>, window_params = [{transform_indices = #map}, {transform_indices = #map1}]} {
    %mul3A = arith.constant 2 : i32
    %mul3A_0 = arith.muli %arg1, %mul3A : i32
    %add3A = arith.addi %mul3A_0, %arg0 : i32
    %mul3A_1 = arith.constant 512 : i32
    %mul3A_2 = arith.muli %add3A, %mul3A_1 : i32
    "tpu.region"() ({
      %run_scoped3A = tpu.sem_alloc : memref<!tpu.dma_semaphore, #tpu.memory_space<semaphore_mem>>
      %dma_start3A = tpu.memref_slice %arg2[%mul3A_2] : memref<16384xi32, #tpu.memory_space<hbm>> -> memref<512xi32, #tpu.memory_space<hbm>>
      %dma_start3A_1092 = tpu.memref_slice %arg2[%mul3A_2] : memref<16384xi32, #tpu.memory_space<hbm>> -> memref<512xi32, #tpu.memory_space<hbm>>
      tpu.enqueue_dma source(%dma_start3A_1092 : memref<512xi32, #tpu.memory_space<hbm>>) target(%arg4 : memref<512xi32, #tpu.memory_space<vmem>>) target_semaphore(%run_scoped3A : memref<!tpu.dma_semaphore, #tpu.memory_space<semaphore_mem>>)
      %dma_wait3A = tpu.memref_slice %arg2[%mul3A_2] : memref<16384xi32, #tpu.memory_space<hbm>> -> memref<512xi32, #tpu.memory_space<hbm>>
      %dma_wait3A_1093 = tpu.memref_slice %arg2[%mul3A_2] : memref<16384xi32, #tpu.memory_space<hbm>> -> memref<512xi32, #tpu.memory_space<hbm>>
      tpu.wait_dma2 semaphore(%run_scoped3A : memref<!tpu.dma_semaphore, #tpu.memory_space<semaphore_mem>>) src(%dma_wait3A_1093 : memref<512xi32, #tpu.memory_space<hbm>>) dst(%arg4 : memref<512xi32, #tpu.memory_space<vmem>>)
      tpu.yield
    }) : () -> ()
    %broadcast_in_dim3A = arith.constant 0.000000e+00 : f32
    %broadcast_in_dim3A_3 = vector.broadcast %broadcast_in_dim3A : f32 to vector<16xf32>
    %broadcast_in_dim3A_4 = arith.constant 1.000000e+00 : f32
    %broadcast_in_dim3A_5 = vector.broadcast %broadcast_in_dim3A_4 : f32 to vector<16xf32>
    %swap3A = arith.constant 0 : index
    %swap3A_6 = tpu.vector_load %arg5[%swap3A] {strides = array<i32>} : memref<8192xf32, #tpu.memory_space<vmem>>, vector<16xf32>,
    tpu.vector_store %arg5[%swap3A], %broadcast_in_dim3A_3 {strides = array<i32>} : memref<8192xf32, #tpu.memory_space<vmem>>, vector<16xf32>,
    %swap3A_7 = arith.constant 16 : index
    %swap3A_8 = tpu.vector_load %arg5[%swap3A_7] {strides = array<i32>} : memref<8192xf32, #tpu.memory_space<vmem>>, vector<16xf32>,
    tpu.vector_store %arg5[%swap3A_7], %broadcast_in_dim3A_3 {strides = array<i32>} : memref<8192xf32, #tpu.memory_space<vmem>>, vector<16xf32>,
    %swap3A_9 = arith.constant 32 : index
    %swap3A_10 = tpu.vector_load %arg5[%swap3A_9] {strides = array<i32>} : memref<8192xf32, #tpu.memory_space<vmem>>, vector<16xf32>,
    tpu.vector_store %arg5[%swap3A_9], %broadcast_in_dim3A_3 {strides = array<i32>} : memref<8192xf32, #tpu.memory_space<vmem>>, vector<16xf32>,
    %swap3A_11 = arith.constant 48 : index
    %swap3A_12 = tpu.vector_load %arg5[%swap3A_11] {strides = array<i32>} : memref<8192xf32, #tpu.memory_space<vmem>>, vector<16xf32>,
    tpu.vector_store %arg5[%swap3A_11], %broadcast_in_dim3A_3 {strides = array<i32>} : memref<8192xf32, #tpu.memory_space<vmem>>, vector<16xf32>,
    %swap3A_13 = arith.constant 64 : index
    %swap3A_14 = tpu.vector_load %arg5[%swap3A_13] {strides = array<i32>} : memref<8192xf32, #tpu.memory_space<vmem>>, vector<16xf32>,
    tpu.vector_store %arg5[%swap3A_13], %broadcast_in_dim3A_3 {strides = array<i32>} : memref<8192xf32, #tpu.memory_space<vmem>>, vector<16xf32>,
    %swap3A_15 = arith.constant 80 : index
    %swap3A_16 = tpu.vector_load %arg5[%swap3A_15] {strides = array<i32>} : memref<8192xf32, #tpu.memory_space<vmem>>, vector<16xf32>,
    tpu.vector_store %arg5[%swap3A_15], %broadcast_in_dim3A_3 {strides = array<i32>} : memref<8192xf32, #tpu.memory_space<vmem>>, vector<16xf32>,
    %swap3A_17 = arith.constant 96 : index
    %swap3A_18 = tpu.vector_load %arg5[%swap3A_17] {strides = array<i32>} : memref<8192xf32, #tpu.memory_space<vmem>>, vector<16xf32>,
    tpu.vector_store %arg5[%swap3A_17], %broadcast_in_dim3A_3 {strides = array<i32>} : memref<8192xf32, #tpu.memory_space<vmem>>, vector<16xf32>,
    %swap3A_19 = arith.constant 112 : index
    %swap3A_20 = tpu.vector_load %arg5[%swap3A_19] {strides = array<i32>} : memref<8192xf32, #tpu.memory_space<vmem>>, vector<16xf32>,
    tpu.vector_store %arg5[%swap3A_19], %broadcast_in_dim3A_3 {strides = array<i32>} : memref<8192xf32, #tpu.memory_space<vmem>>, vector<16xf32>,
    %swap3A_21 = arith.constant 128 : index
    %swap3A_22 = tpu.vector_load %arg5[%swap3A_21] {strides = array<i32>} : memref<8192xf32, #tpu.memory_space<vmem>>, vector<16xf32>,
    tpu.vector_store %arg5[%swap3A_21], %broadcast_in_dim3A_3 {strides = array<i32>} : memref<8192xf32, #tpu.memory_space<vmem>>, vector<16xf32>,
    %swap3A_23 = arith.constant 144 : index
    %swap3A_24 = tpu.vector_load %arg5[%swap3A_23] {strides = array<i32>} : memref<8192xf32, #tpu.memory_space<vmem>>, vector<16xf32>,
    tpu.vector_store %arg5[%swap3A_23], %broadcast_in_dim3A_3 {strides = array<i32>} : memref<8192xf32, #tpu.memory_space<vmem>>, vector<16xf32>,
    %swap3A_25 = arith.constant 160 : index
    %swap3A_26 = tpu.vector_load %arg5[%swap3A_25] {strides = array<i32>} : memref<8192xf32, #tpu.memory_space<vmem>>, vector<16xf32>,
    tpu.vector_store %arg5[%swap3A_25], %broadcast_in_dim3A_3 {strides = array<i32>} : memref<8192xf32, #tpu.memory_space<vmem>>, vector<16xf32>,
    %swap3A_27 = arith.constant 176 : index
    %swap3A_28 = tpu.vector_load %arg5[%swap3A_27] {strides = array<i32>} : memref<8192xf32, #tpu.memory_space<vmem>>, vector<16xf32>,
    tpu.vector_store %arg5[%swap3A_27], %broadcast_in_dim3A_3 {strides = array<i32>} : memref<8192xf32, #tpu.memory_space<vmem>>, vector<16xf32>,
    %swap3A_29 = arith.constant 192 : index
    %swap3A_30 = tpu.vector_load %arg5[%swap3A_29] {strides = array<i32>} : memref<8192xf32, #tpu.memory_space<vmem>>, vector<16xf32>,
    tpu.vector_store %arg5[%swap3A_29], %broadcast_in_dim3A_3 {strides = array<i32>} : memref<8192xf32, #tpu.memory_space<vmem>>, vector<16xf32>,
    %swap3A_31 = arith.constant 208 : index
    %swap3A_32 = tpu.vector_load %arg5[%swap3A_31] {strides = array<i32>} : memref<8192xf32, #tpu.memory_space<vmem>>, vector<16xf32>,
    tpu.vector_store %arg5[%swap3A_31], %broadcast_in_dim3A_3 {strides = array<i32>} : memref<8192xf32, #tpu.memory_space<vmem>>, vector<16xf32>,
    %swap3A_33 = arith.constant 224 : index
    %swap3A_34 = tpu.vector_load %arg5[%swap3A_33] {strides = array<i32>} : memref<8192xf32, #tpu.memory_space<vmem>>, vector<16xf32>,
    tpu.vector_store %arg5[%swap3A_33], %broadcast_in_dim3A_3 {strides = array<i32>} : memref<8192xf32, #tpu.memory_space<vmem>>, vector<16xf32>,
    %swap3A_35 = arith.constant 240 : index
    %swap3A_36 = tpu.vector_load %arg5[%swap3A_35] {strides = array<i32>} : memref<8192xf32, #tpu.memory_space<vmem>>, vector<16xf32>,
    tpu.vector_store %arg5[%swap3A_35], %broadcast_in_dim3A_3 {strides = array<i32>} : memref<8192xf32, #tpu.memory_space<vmem>>, vector<16xf32>,
    %swap3A_37 = arith.constant 256 : index
    %swap3A_38 = tpu.vector_load %arg5[%swap3A_37] {strides = array<i32>} : memref<8192xf32, #tpu.memory_space<vmem>>, vector<16xf32>,
    tpu.vector_store %arg5[%swap3A_37], %broadcast_in_dim3A_3 {strides = array<i32>} : memref<8192xf32, #tpu.memory_space<vmem>>, vector<16xf32>,
    %swap3A_39 = arith.constant 272 : index
    %swap3A_40 = tpu.vector_load %arg5[%swap3A_39] {strides = array<i32>} : memref<8192xf32, #tpu.memory_space<vmem>>, vector<16xf32>,
    tpu.vector_store %arg5[%swap3A_39], %broadcast_in_dim3A_3 {strides = array<i32>} : memref<8192xf32, #tpu.memory_space<vmem>>, vector<16xf32>,
    %swap3A_41 = arith.constant 288 : index
    %swap3A_42 = tpu.vector_load %arg5[%swap3A_41] {strides = array<i32>} : memref<8192xf32, #tpu.memory_space<vmem>>, vector<16xf32>,
    tpu.vector_store %arg5[%swap3A_41], %broadcast_in_dim3A_3 {strides = array<i32>} : memref<8192xf32, #tpu.memory_space<vmem>>, vector<16xf32>,
    %swap3A_43 = arith.constant 304 : index
    %swap3A_44 = tpu.vector_load %arg5[%swap3A_43] {strides = array<i32>} : memref<8192xf32, #tpu.memory_space<vmem>>, vector<16xf32>,
    tpu.vector_store %arg5[%swap3A_43], %broadcast_in_dim3A_3 {strides = array<i32>} : memref<8192xf32, #tpu.memory_space<vmem>>, vector<16xf32>,
    %swap3A_45 = arith.constant 320 : index
    %swap3A_46 = tpu.vector_load %arg5[%swap3A_45] {strides = array<i32>} : memref<8192xf32, #tpu.memory_space<vmem>>, vector<16xf32>,
    tpu.vector_store %arg5[%swap3A_45], %broadcast_in_dim3A_3 {strides = array<i32>} : memref<8192xf32, #tpu.memory_space<vmem>>, vector<16xf32>,
    %swap3A_47 = arith.constant 336 : index
    %swap3A_48 = tpu.vector_load %arg5[%swap3A_47] {strides = array<i32>} : memref<8192xf32, #tpu.memory_space<vmem>>, vector<16xf32>,
    tpu.vector_store %arg5[%swap3A_47], %broadcast_in_dim3A_3 {strides = array<i32>} : memref<8192xf32, #tpu.memory_space<vmem>>, vector<16xf32>,
    %swap3A_49 = arith.constant 352 : index
    %swap3A_50 = tpu.vector_load %arg5[%swap3A_49] {strides = array<i32>} : memref<8192xf32, #tpu.memory_space<vmem>>, vector<16xf32>,
    tpu.vector_store %arg5[%swap3A_49], %broadcast_in_dim3A_3 {strides = array<i32>} : memref<8192xf32, #tpu.memory_space<vmem>>, vector<16xf32>,
    %swap3A_51 = arith.constant 368 : index
    %swap3A_52 = tpu.vector_load %arg5[%swap3A_51] {strides = array<i32>} : memref<8192xf32, #tpu.memory_space<vmem>>, vector<16xf32>,
    tpu.vector_store %arg5[%swap3A_51], %broadcast_in_dim3A_3 {strides = array<i32>} : memref<8192xf32, #tpu.memory_space<vmem>>, vector<16xf32>,
    %swap3A_53 = arith.constant 384 : index
    %swap3A_54 = tpu.vector_load %arg5[%swap3A_53] {strides = array<i32>} : memref<8192xf32, #tpu.memory_space<vmem>>, vector<16xf32>,
    tpu.vector_store %arg5[%swap3A_53], %broadcast_in_dim3A_3 {strides = array<i32>} : memref<8192xf32, #tpu.memory_space<vmem>>, vector<16xf32>,
    %swap3A_55 = arith.constant 400 : index
    %swap3A_56 = tpu.vector_load %arg5[%swap3A_55] {strides = array<i32>} : memref<8192xf32, #tpu.memory_space<vmem>>, vector<16xf32>,
    tpu.vector_store %arg5[%swap3A_55], %broadcast_in_dim3A_3 {strides = array<i32>} : memref<8192xf32, #tpu.memory_space<vmem>>, vector<16xf32>,
    %swap3A_57 = arith.constant 416 : index
    %swap3A_58 = tpu.vector_load %arg5[%swap3A_57] {strides = array<i32>} : memref<8192xf32, #tpu.memory_space<vmem>>, vector<16xf32>,
    tpu.vector_store %arg5[%swap3A_57], %broadcast_in_dim3A_3 {strides = array<i32>} : memref<8192xf32, #tpu.memory_space<vmem>>, vector<16xf32>,
    %swap3A_59 = arith.constant 432 : index
    %swap3A_60 = tpu.vector_load %arg5[%swap3A_59] {strides = array<i32>} : memref<8192xf32, #tpu.memory_space<vmem>>, vector<16xf32>,
    tpu.vector_store %arg5[%swap3A_59], %broadcast_in_dim3A_3 {strides = array<i32>} : memref<8192xf32, #tpu.memory_space<vmem>>, vector<16xf32>,
    %swap3A_61 = arith.constant 448 : index
    %swap3A_62 = tpu.vector_load %arg5[%swap3A_61] {strides = array<i32>} : memref<8192xf32, #tpu.memory_space<vmem>>, vector<16xf32>,
    tpu.vector_store %arg5[%swap3A_61], %broadcast_in_dim3A_3 {strides = array<i32>} : memref<8192xf32, #tpu.memory_space<vmem>>, vector<16xf32>,
    %swap3A_63 = arith.constant 464 : index
    %swap3A_64 = tpu.vector_load %arg5[%swap3A_63] {strides = array<i32>} : memref<8192xf32, #tpu.memory_space<vmem>>, vector<16xf32>,
    tpu.vector_store %arg5[%swap3A_63], %broadcast_in_dim3A_3 {strides = array<i32>} : memref<8192xf32, #tpu.memory_space<vmem>>, vector<16xf32>,
    %swap3A_65 = arith.constant 480 : index
    %swap3A_66 = tpu.vector_load %arg5[%swap3A_65] {strides = array<i32>} : memref<8192xf32, #tpu.memory_space<vmem>>, vector<16xf32>,
    tpu.vector_store %arg5[%swap3A_65], %broadcast_in_dim3A_3 {strides = array<i32>} : memref<8192xf32, #tpu.memory_space<vmem>>, vector<16xf32>,
    %swap3A_67 = arith.constant 496 : index
    %swap3A_68 = tpu.vector_load %arg5[%swap3A_67] {strides = array<i32>} : memref<8192xf32, #tpu.memory_space<vmem>>, vector<16xf32>,
    tpu.vector_store %arg5[%swap3A_67], %broadcast_in_dim3A_3 {strides = array<i32>} : memref<8192xf32, #tpu.memory_space<vmem>>, vector<16xf32>,
    %swap3A_69 = arith.constant 512 : index
    %swap3A_70 = tpu.vector_load %arg5[%swap3A_69] {strides = array<i32>} : memref<8192xf32, #tpu.memory_space<vmem>>, vector<16xf32>,
    tpu.vector_store %arg5[%swap3A_69], %broadcast_in_dim3A_3 {strides = array<i32>} : memref<8192xf32, #tpu.memory_space<vmem>>, vector<16xf32>,
    %swap3A_71 = arith.constant 528 : index
    %swap3A_72 = tpu.vector_load %arg5[%swap3A_71] {strides = array<i32>} : memref<8192xf32, #tpu.memory_space<vmem>>, vector<16xf32>,
    tpu.vector_store %arg5[%swap3A_71], %broadcast_in_dim3A_3 {strides = array<i32>} : memref<8192xf32, #tpu.memory_space<vmem>>, vector<16xf32>,
    %swap3A_73 = arith.constant 544 : index
    %swap3A_74 = tpu.vector_load %arg5[%swap3A_73] {strides = array<i32>} : memref<8192xf32, #tpu.memory_space<vmem>>, vector<16xf32>,
    tpu.vector_store %arg5[%swap3A_73], %broadcast_in_dim3A_3 {strides = array<i32>} : memref<8192xf32, #tpu.memory_space<vmem>>, vector<16xf32>,
    %swap3A_75 = arith.constant 560 : index
    %swap3A_76 = tpu.vector_load %arg5[%swap3A_75] {strides = array<i32>} : memref<8192xf32, #tpu.memory_space<vmem>>, vector<16xf32>,
    tpu.vector_store %arg5[%swap3A_75], %broadcast_in_dim3A_3 {strides = array<i32>} : memref<8192xf32, #tpu.memory_space<vmem>>, vector<16xf32>,
    %swap3A_77 = arith.constant 576 : index
    %swap3A_78 = tpu.vector_load %arg5[%swap3A_77] {strides = array<i32>} : memref<8192xf32, #tpu.memory_space<vmem>>, vector<16xf32>,
    tpu.vector_store %arg5[%swap3A_77], %broadcast_in_dim3A_3 {strides = array<i32>} : memref<8192xf32, #tpu.memory_space<vmem>>, vector<16xf32>,
    %swap3A_79 = arith.constant 592 : index
    %swap3A_80 = tpu.vector_load %arg5[%swap3A_79] {strides = array<i32>} : memref<8192xf32, #tpu.memory_space<vmem>>, vector<16xf32>,
    tpu.vector_store %arg5[%swap3A_79], %broadcast_in_dim3A_3 {strides = array<i32>} : memref<8192xf32, #tpu.memory_space<vmem>>, vector<16xf32>,
    %swap3A_81 = arith.constant 608 : index
    %swap3A_82 = tpu.vector_load %arg5[%swap3A_81] {strides = array<i32>} : memref<8192xf32, #tpu.memory_space<vmem>>, vector<16xf32>,
    tpu.vector_store %arg5[%swap3A_81], %broadcast_in_dim3A_3 {strides = array<i32>} : memref<8192xf32, #tpu.memory_space<vmem>>, vector<16xf32>,
    %swap3A_83 = arith.constant 624 : index
    %swap3A_84 = tpu.vector_load %arg5[%swap3A_83] {strides = array<i32>} : memref<8192xf32, #tpu.memory_space<vmem>>, vector<16xf32>,
    tpu.vector_store %arg5[%swap3A_83], %broadcast_in_dim3A_3 {strides = array<i32>} : memref<8192xf32, #tpu.memory_space<vmem>>, vector<16xf32>,
    %swap3A_85 = arith.constant 640 : index
    %swap3A_86 = tpu.vector_load %arg5[%swap3A_85] {strides = array<i32>} : memref<8192xf32, #tpu.memory_space<vmem>>, vector<16xf32>,
    tpu.vector_store %arg5[%swap3A_85], %broadcast_in_dim3A_3 {strides = array<i32>} : memref<8192xf32, #tpu.memory_space<vmem>>, vector<16xf32>,
    %swap3A_87 = arith.constant 656 : index
    %swap3A_88 = tpu.vector_load %arg5[%swap3A_87] {strides = array<i32>} : memref<8192xf32, #tpu.memory_space<vmem>>, vector<16xf32>,
    tpu.vector_store %arg5[%swap3A_87], %broadcast_in_dim3A_3 {strides = array<i32>} : memref<8192xf32, #tpu.memory_space<vmem>>, vector<16xf32>,
    %swap3A_89 = arith.constant 672 : index
    %swap3A_90 = tpu.vector_load %arg5[%swap3A_89] {strides = array<i32>} : memref<8192xf32, #tpu.memory_space<vmem>>, vector<16xf32>,
    tpu.vector_store %arg5[%swap3A_89], %broadcast_in_dim3A_3 {strides = array<i32>} : memref<8192xf32, #tpu.memory_space<vmem>>, vector<16xf32>,
    %swap3A_91 = arith.constant 688 : index
    %swap3A_92 = tpu.vector_load %arg5[%swap3A_91] {strides = array<i32>} : memref<8192xf32, #tpu.memory_space<vmem>>, vector<16xf32>,
    tpu.vector_store %arg5[%swap3A_91], %broadcast_in_dim3A_3 {strides = array<i32>} : memref<8192xf32, #tpu.memory_space<vmem>>, vector<16xf32>,
    %swap3A_93 = arith.constant 704 : index
    %swap3A_94 = tpu.vector_load %arg5[%swap3A_93] {strides = array<i32>} : memref<8192xf32, #tpu.memory_space<vmem>>, vector<16xf32>,
    tpu.vector_store %arg5[%swap3A_93], %broadcast_in_dim3A_3 {strides = array<i32>} : memref<8192xf32, #tpu.memory_space<vmem>>, vector<16xf32>,
    %swap3A_95 = arith.constant 720 : index
    %swap3A_96 = tpu.vector_load %arg5[%swap3A_95] {strides = array<i32>} : memref<8192xf32, #tpu.memory_space<vmem>>, vector<16xf32>,
    tpu.vector_store %arg5[%swap3A_95], %broadcast_in_dim3A_3 {strides = array<i32>} : memref<8192xf32, #tpu.memory_space<vmem>>, vector<16xf32>,
    %swap3A_97 = arith.constant 736 : index
    %swap3A_98 = tpu.vector_load %arg5[%swap3A_97] {strides = array<i32>} : memref<8192xf32, #tpu.memory_space<vmem>>, vector<16xf32>,
    tpu.vector_store %arg5[%swap3A_97], %broadcast_in_dim3A_3 {strides = array<i32>} : memref<8192xf32, #tpu.memory_space<vmem>>, vector<16xf32>,
    %swap3A_99 = arith.constant 752 : index
    %swap3A_100 = tpu.vector_load %arg5[%swap3A_99] {strides = array<i32>} : memref<8192xf32, #tpu.memory_space<vmem>>, vector<16xf32>,
    tpu.vector_store %arg5[%swap3A_99], %broadcast_in_dim3A_3 {strides = array<i32>} : memref<8192xf32, #tpu.memory_space<vmem>>, vector<16xf32>,
    %swap3A_101 = arith.constant 768 : index
    %swap3A_102 = tpu.vector_load %arg5[%swap3A_101] {strides = array<i32>} : memref<8192xf32, #tpu.memory_space<vmem>>, vector<16xf32>,
    tpu.vector_store %arg5[%swap3A_101], %broadcast_in_dim3A_3 {strides = array<i32>} : memref<8192xf32, #tpu.memory_space<vmem>>, vector<16xf32>,
    %swap3A_103 = arith.constant 784 : index
    %swap3A_104 = tpu.vector_load %arg5[%swap3A_103] {strides = array<i32>} : memref<8192xf32, #tpu.memory_space<vmem>>, vector<16xf32>,
    tpu.vector_store %arg5[%swap3A_103], %broadcast_in_dim3A_3 {strides = array<i32>} : memref<8192xf32, #tpu.memory_space<vmem>>, vector<16xf32>,
    %swap3A_105 = arith.constant 800 : index
    %swap3A_106 = tpu.vector_load %arg5[%swap3A_105] {strides = array<i32>} : memref<8192xf32, #tpu.memory_space<vmem>>, vector<16xf32>,
    tpu.vector_store %arg5[%swap3A_105], %broadcast_in_dim3A_3 {strides = array<i32>} : memref<8192xf32, #tpu.memory_space<vmem>>, vector<16xf32>,
    %swap3A_107 = arith.constant 816 : index
    %swap3A_108 = tpu.vector_load %arg5[%swap3A_107] {strides = array<i32>} : memref<8192xf32, #tpu.memory_space<vmem>>, vector<16xf32>,
    tpu.vector_store %arg5[%swap3A_107], %broadcast_in_dim3A_3 {strides = array<i32>} : memref<8192xf32, #tpu.memory_space<vmem>>, vector<16xf32>,
    %swap3A_109 = arith.constant 832 : index
    %swap3A_110 = tpu.vector_load %arg5[%swap3A_109] {strides = array<i32>} : memref<8192xf32, #tpu.memory_space<vmem>>, vector<16xf32>,
    tpu.vector_store %arg5[%swap3A_109], %broadcast_in_dim3A_3 {strides = array<i32>} : memref<8192xf32, #tpu.memory_space<vmem>>, vector<16xf32>,
    %swap3A_111 = arith.constant 848 : index
    %swap3A_112 = tpu.vector_load %arg5[%swap3A_111] {strides = array<i32>} : memref<8192xf32, #tpu.memory_space<vmem>>, vector<16xf32>,
    tpu.vector_store %arg5[%swap3A_111], %broadcast_in_dim3A_3 {strides = array<i32>} : memref<8192xf32, #tpu.memory_space<vmem>>, vector<16xf32>,
    %swap3A_113 = arith.constant 864 : index
    %swap3A_114 = tpu.vector_load %arg5[%swap3A_113] {strides = array<i32>} : memref<8192xf32, #tpu.memory_space<vmem>>, vector<16xf32>,
    tpu.vector_store %arg5[%swap3A_113], %broadcast_in_dim3A_3 {strides = array<i32>} : memref<8192xf32, #tpu.memory_space<vmem>>, vector<16xf32>,
    %swap3A_115 = arith.constant 880 : index
    %swap3A_116 = tpu.vector_load %arg5[%swap3A_115] {strides = array<i32>} : memref<8192xf32, #tpu.memory_space<vmem>>, vector<16xf32>,
    tpu.vector_store %arg5[%swap3A_115], %broadcast_in_dim3A_3 {strides = array<i32>} : memref<8192xf32, #tpu.memory_space<vmem>>, vector<16xf32>,
    %swap3A_117 = arith.constant 896 : index
    %swap3A_118 = tpu.vector_load %arg5[%swap3A_117] {strides = array<i32>} : memref<8192xf32, #tpu.memory_space<vmem>>, vector<16xf32>,
    tpu.vector_store %arg5[%swap3A_117], %broadcast_in_dim3A_3 {strides = array<i32>} : memref<8192xf32, #tpu.memory_space<vmem>>, vector<16xf32>,
    %swap3A_119 = arith.constant 912 : index
    %swap3A_120 = tpu.vector_load %arg5[%swap3A_119] {strides = array<i32>} : memref<8192xf32, #tpu.memory_space<vmem>>, vector<16xf32>,
    tpu.vector_store %arg5[%swap3A_119], %broadcast_in_dim3A_3 {strides = array<i32>} : memref<8192xf32, #tpu.memory_space<vmem>>, vector<16xf32>,
    %swap3A_121 = arith.constant 928 : index
    %swap3A_122 = tpu.vector_load %arg5[%swap3A_121] {strides = array<i32>} : memref<8192xf32, #tpu.memory_space<vmem>>, vector<16xf32>,
    tpu.vector_store %arg5[%swap3A_121], %broadcast_in_dim3A_3 {strides = array<i32>} : memref<8192xf32, #tpu.memory_space<vmem>>, vector<16xf32>,
    %swap3A_123 = arith.constant 944 : index
    %swap3A_124 = tpu.vector_load %arg5[%swap3A_123] {strides = array<i32>} : memref<8192xf32, #tpu.memory_space<vmem>>, vector<16xf32>,
    tpu.vector_store %arg5[%swap3A_123], %broadcast_in_dim3A_3 {strides = array<i32>} : memref<8192xf32, #tpu.memory_space<vmem>>, vector<16xf32>,
    %swap3A_125 = arith.constant 960 : index
    %swap3A_126 = tpu.vector_load %arg5[%swap3A_125] {strides = array<i32>} : memref<8192xf32, #tpu.memory_space<vmem>>, vector<16xf32>,
    tpu.vector_store %arg5[%swap3A_125], %broadcast_in_dim3A_3 {strides = array<i32>} : memref<8192xf32, #tpu.memory_space<vmem>>, vector<16xf32>,
    %swap3A_127 = arith.constant 976 : index
    %swap3A_128 = tpu.vector_load %arg5[%swap3A_127] {strides = array<i32>} : memref<8192xf32, #tpu.memory_space<vmem>>, vector<16xf32>,
    tpu.vector_store %arg5[%swap3A_127], %broadcast_in_dim3A_3 {strides = array<i32>} : memref<8192xf32, #tpu.memory_space<vmem>>, vector<16xf32>,
    %swap3A_129 = arith.constant 992 : index
    %swap3A_130 = tpu.vector_load %arg5[%swap3A_129] {strides = array<i32>} : memref<8192xf32, #tpu.memory_space<vmem>>, vector<16xf32>,
    tpu.vector_store %arg5[%swap3A_129], %broadcast_in_dim3A_3 {strides = array<i32>} : memref<8192xf32, #tpu.memory_space<vmem>>, vector<16xf32>,
    %swap3A_131 = arith.constant 1008 : index
    %swap3A_132 = tpu.vector_load %arg5[%swap3A_131] {strides = array<i32>} : memref<8192xf32, #tpu.memory_space<vmem>>, vector<16xf32>,
    tpu.vector_store %arg5[%swap3A_131], %broadcast_in_dim3A_3 {strides = array<i32>} : memref<8192xf32, #tpu.memory_space<vmem>>, vector<16xf32>,
    %swap3A_133 = arith.constant 1024 : index
    %swap3A_134 = tpu.vector_load %arg5[%swap3A_133] {strides = array<i32>} : memref<8192xf32, #tpu.memory_space<vmem>>, vector<16xf32>,
    tpu.vector_store %arg5[%swap3A_133], %broadcast_in_dim3A_3 {strides = array<i32>} : memref<8192xf32, #tpu.memory_space<vmem>>, vector<16xf32>,
    %swap3A_135 = arith.constant 1040 : index
    %swap3A_136 = tpu.vector_load %arg5[%swap3A_135] {strides = array<i32>} : memref<8192xf32, #tpu.memory_space<vmem>>, vector<16xf32>,
    tpu.vector_store %arg5[%swap3A_135], %broadcast_in_dim3A_3 {strides = array<i32>} : memref<8192xf32, #tpu.memory_space<vmem>>, vector<16xf32>,
    %swap3A_137 = arith.constant 1056 : index
    %swap3A_138 = tpu.vector_load %arg5[%swap3A_137] {strides = array<i32>} : memref<8192xf32, #tpu.memory_space<vmem>>, vector<16xf32>,
    tpu.vector_store %arg5[%swap3A_137], %broadcast_in_dim3A_3 {strides = array<i32>} : memref<8192xf32, #tpu.memory_space<vmem>>, vector<16xf32>,
    %swap3A_139 = arith.constant 1072 : index
    %swap3A_140 = tpu.vector_load %arg5[%swap3A_139] {strides = array<i32>} : memref<8192xf32, #tpu.memory_space<vmem>>, vector<16xf32>,
    tpu.vector_store %arg5[%swap3A_139], %broadcast_in_dim3A_3 {strides = array<i32>} : memref<8192xf32, #tpu.memory_space<vmem>>, vector<16xf32>,
    %swap3A_141 = arith.constant 1088 : index
    %swap3A_142 = tpu.vector_load %arg5[%swap3A_141] {strides = array<i32>} : memref<8192xf32, #tpu.memory_space<vmem>>, vector<16xf32>,
    tpu.vector_store %arg5[%swap3A_141], %broadcast_in_dim3A_3 {strides = array<i32>} : memref<8192xf32, #tpu.memory_space<vmem>>, vector<16xf32>,
    %swap3A_143 = arith.constant 1104 : index
    %swap3A_144 = tpu.vector_load %arg5[%swap3A_143] {strides = array<i32>} : memref<8192xf32, #tpu.memory_space<vmem>>, vector<16xf32>,
    tpu.vector_store %arg5[%swap3A_143], %broadcast_in_dim3A_3 {strides = array<i32>} : memref<8192xf32, #tpu.memory_space<vmem>>, vector<16xf32>,
    %swap3A_145 = arith.constant 1120 : index
    %swap3A_146 = tpu.vector_load %arg5[%swap3A_145] {strides = array<i32>} : memref<8192xf32, #tpu.memory_space<vmem>>, vector<16xf32>,
    tpu.vector_store %arg5[%swap3A_145], %broadcast_in_dim3A_3 {strides = array<i32>} : memref<8192xf32, #tpu.memory_space<vmem>>, vector<16xf32>,
    %swap3A_147 = arith.constant 1136 : index
    %swap3A_148 = tpu.vector_load %arg5[%swap3A_147] {strides = array<i32>} : memref<8192xf32, #tpu.memory_space<vmem>>, vector<16xf32>,
    tpu.vector_store %arg5[%swap3A_147], %broadcast_in_dim3A_3 {strides = array<i32>} : memref<8192xf32, #tpu.memory_space<vmem>>, vector<16xf32>,
    %swap3A_149 = arith.constant 1152 : index
    %swap3A_150 = tpu.vector_load %arg5[%swap3A_149] {strides = array<i32>} : memref<8192xf32, #tpu.memory_space<vmem>>, vector<16xf32>,
    tpu.vector_store %arg5[%swap3A_149], %broadcast_in_dim3A_3 {strides = array<i32>} : memref<8192xf32, #tpu.memory_space<vmem>>, vector<16xf32>,
    %swap3A_151 = arith.constant 1168 : index
    %swap3A_152 = tpu.vector_load %arg5[%swap3A_151] {strides = array<i32>} : memref<8192xf32, #tpu.memory_space<vmem>>, vector<16xf32>,
    tpu.vector_store %arg5[%swap3A_151], %broadcast_in_dim3A_3 {strides = array<i32>} : memref<8192xf32, #tpu.memory_space<vmem>>, vector<16xf32>,
    %swap3A_153 = arith.constant 1184 : index
    %swap3A_154 = tpu.vector_load %arg5[%swap3A_153] {strides = array<i32>} : memref<8192xf32, #tpu.memory_space<vmem>>, vector<16xf32>,
    tpu.vector_store %arg5[%swap3A_153], %broadcast_in_dim3A_3 {strides = array<i32>} : memref<8192xf32, #tpu.memory_space<vmem>>, vector<16xf32>,
    %swap3A_155 = arith.constant 1200 : index
    %swap3A_156 = tpu.vector_load %arg5[%swap3A_155] {strides = array<i32>} : memref<8192xf32, #tpu.memory_space<vmem>>, vector<16xf32>,
    tpu.vector_store %arg5[%swap3A_155], %broadcast_in_dim3A_3 {strides = array<i32>} : memref<8192xf32, #tpu.memory_space<vmem>>, vector<16xf32>,
    %swap3A_157 = arith.constant 1216 : index
    %swap3A_158 = tpu.vector_load %arg5[%swap3A_157] {strides = array<i32>} : memref<8192xf32, #tpu.memory_space<vmem>>, vector<16xf32>,
    tpu.vector_store %arg5[%swap3A_157], %broadcast_in_dim3A_3 {strides = array<i32>} : memref<8192xf32, #tpu.memory_space<vmem>>, vector<16xf32>,
    %swap3A_159 = arith.constant 1232 : index
    %swap3A_160 = tpu.vector_load %arg5[%swap3A_159] {strides = array<i32>} : memref<8192xf32, #tpu.memory_space<vmem>>, vector<16xf32>,
    tpu.vector_store %arg5[%swap3A_159], %broadcast_in_dim3A_3 {strides = array<i32>} : memref<8192xf32, #tpu.memory_space<vmem>>, vector<16xf32>,
    %swap3A_161 = arith.constant 1248 : index
    %swap3A_162 = tpu.vector_load %arg5[%swap3A_161] {strides = array<i32>} : memref<8192xf32, #tpu.memory_space<vmem>>, vector<16xf32>,
    tpu.vector_store %arg5[%swap3A_161], %broadcast_in_dim3A_3 {strides = array<i32>} : memref<8192xf32, #tpu.memory_space<vmem>>, vector<16xf32>,
    %swap3A_163 = arith.constant 1264 : index
    %swap3A_164 = tpu.vector_load %arg5[%swap3A_163] {strides = array<i32>} : memref<8192xf32, #tpu.memory_space<vmem>>, vector<16xf32>,
    tpu.vector_store %arg5[%swap3A_163], %broadcast_in_dim3A_3 {strides = array<i32>} : memref<8192xf32, #tpu.memory_space<vmem>>, vector<16xf32>,
    %swap3A_165 = arith.constant 1280 : index
    %swap3A_166 = tpu.vector_load %arg5[%swap3A_165] {strides = array<i32>} : memref<8192xf32, #tpu.memory_space<vmem>>, vector<16xf32>,
    tpu.vector_store %arg5[%swap3A_165], %broadcast_in_dim3A_3 {strides = array<i32>} : memref<8192xf32, #tpu.memory_space<vmem>>, vector<16xf32>,
    %swap3A_167 = arith.constant 1296 : index
    %swap3A_168 = tpu.vector_load %arg5[%swap3A_167] {strides = array<i32>} : memref<8192xf32, #tpu.memory_space<vmem>>, vector<16xf32>,
    tpu.vector_store %arg5[%swap3A_167], %broadcast_in_dim3A_3 {strides = array<i32>} : memref<8192xf32, #tpu.memory_space<vmem>>, vector<16xf32>,
    %swap3A_169 = arith.constant 1312 : index
    %swap3A_170 = tpu.vector_load %arg5[%swap3A_169] {strides = array<i32>} : memref<8192xf32, #tpu.memory_space<vmem>>, vector<16xf32>,
    tpu.vector_store %arg5[%swap3A_169], %broadcast_in_dim3A_3 {strides = array<i32>} : memref<8192xf32, #tpu.memory_space<vmem>>, vector<16xf32>,
    %swap3A_171 = arith.constant 1328 : index
    %swap3A_172 = tpu.vector_load %arg5[%swap3A_171] {strides = array<i32>} : memref<8192xf32, #tpu.memory_space<vmem>>, vector<16xf32>,
    tpu.vector_store %arg5[%swap3A_171], %broadcast_in_dim3A_3 {strides = array<i32>} : memref<8192xf32, #tpu.memory_space<vmem>>, vector<16xf32>,
    %swap3A_173 = arith.constant 1344 : index
    %swap3A_174 = tpu.vector_load %arg5[%swap3A_173] {strides = array<i32>} : memref<8192xf32, #tpu.memory_space<vmem>>, vector<16xf32>,
    tpu.vector_store %arg5[%swap3A_173], %broadcast_in_dim3A_3 {strides = array<i32>} : memref<8192xf32, #tpu.memory_space<vmem>>, vector<16xf32>,
    %swap3A_175 = arith.constant 1360 : index
    %swap3A_176 = tpu.vector_load %arg5[%swap3A_175] {strides = array<i32>} : memref<8192xf32, #tpu.memory_space<vmem>>, vector<16xf32>,
    tpu.vector_store %arg5[%swap3A_175], %broadcast_in_dim3A_3 {strides = array<i32>} : memref<8192xf32, #tpu.memory_space<vmem>>, vector<16xf32>,
    %swap3A_177 = arith.constant 1376 : index
    %swap3A_178 = tpu.vector_load %arg5[%swap3A_177] {strides = array<i32>} : memref<8192xf32, #tpu.memory_space<vmem>>, vector<16xf32>,
    tpu.vector_store %arg5[%swap3A_177], %broadcast_in_dim3A_3 {strides = array<i32>} : memref<8192xf32, #tpu.memory_space<vmem>>, vector<16xf32>,
    %swap3A_179 = arith.constant 1392 : index
    %swap3A_180 = tpu.vector_load %arg5[%swap3A_179] {strides = array<i32>} : memref<8192xf32, #tpu.memory_space<vmem>>, vector<16xf32>,
    tpu.vector_store %arg5[%swap3A_179], %broadcast_in_dim3A_3 {strides = array<i32>} : memref<8192xf32, #tpu.memory_space<vmem>>, vector<16xf32>,
    %swap3A_181 = arith.constant 1408 : index
    %swap3A_182 = tpu.vector_load %arg5[%swap3A_181] {strides = array<i32>} : memref<8192xf32, #tpu.memory_space<vmem>>, vector<16xf32>,
    tpu.vector_store %arg5[%swap3A_181], %broadcast_in_dim3A_3 {strides = array<i32>} : memref<8192xf32, #tpu.memory_space<vmem>>, vector<16xf32>,
    %swap3A_183 = arith.constant 1424 : index
    %swap3A_184 = tpu.vector_load %arg5[%swap3A_183] {strides = array<i32>} : memref<8192xf32, #tpu.memory_space<vmem>>, vector<16xf32>,
    tpu.vector_store %arg5[%swap3A_183], %broadcast_in_dim3A_3 {strides = array<i32>} : memref<8192xf32, #tpu.memory_space<vmem>>, vector<16xf32>,
    %swap3A_185 = arith.constant 1440 : index
    %swap3A_186 = tpu.vector_load %arg5[%swap3A_185] {strides = array<i32>} : memref<8192xf32, #tpu.memory_space<vmem>>, vector<16xf32>,
    tpu.vector_store %arg5[%swap3A_185], %broadcast_in_dim3A_3 {strides = array<i32>} : memref<8192xf32, #tpu.memory_space<vmem>>, vector<16xf32>,
    %swap3A_187 = arith.constant 1456 : index
    %swap3A_188 = tpu.vector_load %arg5[%swap3A_187] {strides = array<i32>} : memref<8192xf32, #tpu.memory_space<vmem>>, vector<16xf32>,
    tpu.vector_store %arg5[%swap3A_187], %broadcast_in_dim3A_3 {strides = array<i32>} : memref<8192xf32, #tpu.memory_space<vmem>>, vector<16xf32>,
    %swap3A_189 = arith.constant 1472 : index
    %swap3A_190 = tpu.vector_load %arg5[%swap3A_189] {strides = array<i32>} : memref<8192xf32, #tpu.memory_space<vmem>>, vector<16xf32>,
    tpu.vector_store %arg5[%swap3A_189], %broadcast_in_dim3A_3 {strides = array<i32>} : memref<8192xf32, #tpu.memory_space<vmem>>, vector<16xf32>,
    %swap3A_191 = arith.constant 1488 : index
    %swap3A_192 = tpu.vector_load %arg5[%swap3A_191] {strides = array<i32>} : memref<8192xf32, #tpu.memory_space<vmem>>, vector<16xf32>,
    tpu.vector_store %arg5[%swap3A_191], %broadcast_in_dim3A_3 {strides = array<i32>} : memref<8192xf32, #tpu.memory_space<vmem>>, vector<16xf32>,
    %swap3A_193 = arith.constant 1504 : index
    %swap3A_194 = tpu.vector_load %arg5[%swap3A_193] {strides = array<i32>} : memref<8192xf32, #tpu.memory_space<vmem>>, vector<16xf32>,
    tpu.vector_store %arg5[%swap3A_193], %broadcast_in_dim3A_3 {strides = array<i32>} : memref<8192xf32, #tpu.memory_space<vmem>>, vector<16xf32>,
    %swap3A_195 = arith.constant 1520 : index
    %swap3A_196 = tpu.vector_load %arg5[%swap3A_195] {strides = array<i32>} : memref<8192xf32, #tpu.memory_space<vmem>>, vector<16xf32>,
    tpu.vector_store %arg5[%swap3A_195], %broadcast_in_dim3A_3 {strides = array<i32>} : memref<8192xf32, #tpu.memory_space<vmem>>, vector<16xf32>,
    %swap3A_197 = arith.constant 1536 : index
    %swap3A_198 = tpu.vector_load %arg5[%swap3A_197] {strides = array<i32>} : memref<8192xf32, #tpu.memory_space<vmem>>, vector<16xf32>,
    tpu.vector_store %arg5[%swap3A_197], %broadcast_in_dim3A_3 {strides = array<i32>} : memref<8192xf32, #tpu.memory_space<vmem>>, vector<16xf32>,
    %swap3A_199 = arith.constant 1552 : index
    %swap3A_200 = tpu.vector_load %arg5[%swap3A_199] {strides = array<i32>} : memref<8192xf32, #tpu.memory_space<vmem>>, vector<16xf32>,
    tpu.vector_store %arg5[%swap3A_199], %broadcast_in_dim3A_3 {strides = array<i32>} : memref<8192xf32, #tpu.memory_space<vmem>>, vector<16xf32>,
    %swap3A_201 = arith.constant 1568 : index
    %swap3A_202 = tpu.vector_load %arg5[%swap3A_201] {strides = array<i32>} : memref<8192xf32, #tpu.memory_space<vmem>>, vector<16xf32>,
    tpu.vector_store %arg5[%swap3A_201], %broadcast_in_dim3A_3 {strides = array<i32>} : memref<8192xf32, #tpu.memory_space<vmem>>, vector<16xf32>,
    %swap3A_203 = arith.constant 1584 : index
    %swap3A_204 = tpu.vector_load %arg5[%swap3A_203] {strides = array<i32>} : memref<8192xf32, #tpu.memory_space<vmem>>, vector<16xf32>,
    tpu.vector_store %arg5[%swap3A_203], %broadcast_in_dim3A_3 {strides = array<i32>} : memref<8192xf32, #tpu.memory_space<vmem>>, vector<16xf32>,
    %swap3A_205 = arith.constant 1600 : index
    %swap3A_206 = tpu.vector_load %arg5[%swap3A_205] {strides = array<i32>} : memref<8192xf32, #tpu.memory_space<vmem>>, vector<16xf32>,
    tpu.vector_store %arg5[%swap3A_205], %broadcast_in_dim3A_3 {strides = array<i32>} : memref<8192xf32, #tpu.memory_space<vmem>>, vector<16xf32>,
    %swap3A_207 = arith.constant 1616 : index
    %swap3A_208 = tpu.vector_load %arg5[%swap3A_207] {strides = array<i32>} : memref<8192xf32, #tpu.memory_space<vmem>>, vector<16xf32>,
    tpu.vector_store %arg5[%swap3A_207], %broadcast_in_dim3A_3 {strides = array<i32>} : memref<8192xf32, #tpu.memory_space<vmem>>, vector<16xf32>,
    %swap3A_209 = arith.constant 1632 : index
    %swap3A_210 = tpu.vector_load %arg5[%swap3A_209] {strides = array<i32>} : memref<8192xf32, #tpu.memory_space<vmem>>, vector<16xf32>,
    tpu.vector_store %arg5[%swap3A_209], %broadcast_in_dim3A_3 {strides = array<i32>} : memref<8192xf32, #tpu.memory_space<vmem>>, vector<16xf32>,
    %swap3A_211 = arith.constant 1648 : index
    %swap3A_212 = tpu.vector_load %arg5[%swap3A_211] {strides = array<i32>} : memref<8192xf32, #tpu.memory_space<vmem>>, vector<16xf32>,
    tpu.vector_store %arg5[%swap3A_211], %broadcast_in_dim3A_3 {strides = array<i32>} : memref<8192xf32, #tpu.memory_space<vmem>>, vector<16xf32>,
    %swap3A_213 = arith.constant 1664 : index
    %swap3A_214 = tpu.vector_load %arg5[%swap3A_213] {strides = array<i32>} : memref<8192xf32, #tpu.memory_space<vmem>>, vector<16xf32>,
    tpu.vector_store %arg5[%swap3A_213], %broadcast_in_dim3A_3 {strides = array<i32>} : memref<8192xf32, #tpu.memory_space<vmem>>, vector<16xf32>,
    %swap3A_215 = arith.constant 1680 : index
    %swap3A_216 = tpu.vector_load %arg5[%swap3A_215] {strides = array<i32>} : memref<8192xf32, #tpu.memory_space<vmem>>, vector<16xf32>,
    tpu.vector_store %arg5[%swap3A_215], %broadcast_in_dim3A_3 {strides = array<i32>} : memref<8192xf32, #tpu.memory_space<vmem>>, vector<16xf32>,
    %swap3A_217 = arith.constant 1696 : index
    %swap3A_218 = tpu.vector_load %arg5[%swap3A_217] {strides = array<i32>} : memref<8192xf32, #tpu.memory_space<vmem>>, vector<16xf32>,
    tpu.vector_store %arg5[%swap3A_217], %broadcast_in_dim3A_3 {strides = array<i32>} : memref<8192xf32, #tpu.memory_space<vmem>>, vector<16xf32>,
    %swap3A_219 = arith.constant 1712 : index
    %swap3A_220 = tpu.vector_load %arg5[%swap3A_219] {strides = array<i32>} : memref<8192xf32, #tpu.memory_space<vmem>>, vector<16xf32>,
    tpu.vector_store %arg5[%swap3A_219], %broadcast_in_dim3A_3 {strides = array<i32>} : memref<8192xf32, #tpu.memory_space<vmem>>, vector<16xf32>,
    %swap3A_221 = arith.constant 1728 : index
    %swap3A_222 = tpu.vector_load %arg5[%swap3A_221] {strides = array<i32>} : memref<8192xf32, #tpu.memory_space<vmem>>, vector<16xf32>,
    tpu.vector_store %arg5[%swap3A_221], %broadcast_in_dim3A_3 {strides = array<i32>} : memref<8192xf32, #tpu.memory_space<vmem>>, vector<16xf32>,
    %swap3A_223 = arith.constant 1744 : index
    %swap3A_224 = tpu.vector_load %arg5[%swap3A_223] {strides = array<i32>} : memref<8192xf32, #tpu.memory_space<vmem>>, vector<16xf32>,
    tpu.vector_store %arg5[%swap3A_223], %broadcast_in_dim3A_3 {strides = array<i32>} : memref<8192xf32, #tpu.memory_space<vmem>>, vector<16xf32>,
    %swap3A_225 = arith.constant 1760 : index
    %swap3A_226 = tpu.vector_load %arg5[%swap3A_225] {strides = array<i32>} : memref<8192xf32, #tpu.memory_space<vmem>>, vector<16xf32>,
    tpu.vector_store %arg5[%swap3A_225], %broadcast_in_dim3A_3 {strides = array<i32>} : memref<8192xf32, #tpu.memory_space<vmem>>, vector<16xf32>,
    %swap3A_227 = arith.constant 1776 : index
    %swap3A_228 = tpu.vector_load %arg5[%swap3A_227] {strides = array<i32>} : memref<8192xf32, #tpu.memory_space<vmem>>, vector<16xf32>,
    tpu.vector_store %arg5[%swap3A_227], %broadcast_in_dim3A_3 {strides = array<i32>} : memref<8192xf32, #tpu.memory_space<vmem>>, vector<16xf32>,
    %swap3A_229 = arith.constant 1792 : index
    %swap3A_230 = tpu.vector_load %arg5[%swap3A_229] {strides = array<i32>} : memref<8192xf32, #tpu.memory_space<vmem>>, vector<16xf32>,
    tpu.vector_store %arg5[%swap3A_229], %broadcast_in_dim3A_3 {strides = array<i32>} : memref<8192xf32, #tpu.memory_space<vmem>>, vector<16xf32>,
    %swap3A_231 = arith.constant 1808 : index
    %swap3A_232 = tpu.vector_load %arg5[%swap3A_231] {strides = array<i32>} : memref<8192xf32, #tpu.memory_space<vmem>>, vector<16xf32>,
    tpu.vector_store %arg5[%swap3A_231], %broadcast_in_dim3A_3 {strides = array<i32>} : memref<8192xf32, #tpu.memory_space<vmem>>, vector<16xf32>,
    %swap3A_233 = arith.constant 1824 : index
    %swap3A_234 = tpu.vector_load %arg5[%swap3A_233] {strides = array<i32>} : memref<8192xf32, #tpu.memory_space<vmem>>, vector<16xf32>,
    tpu.vector_store %arg5[%swap3A_233], %broadcast_in_dim3A_3 {strides = array<i32>} : memref<8192xf32, #tpu.memory_space<vmem>>, vector<16xf32>,
    %swap3A_235 = arith.constant 1840 : index
    %swap3A_236 = tpu.vector_load %arg5[%swap3A_235] {strides = array<i32>} : memref<8192xf32, #tpu.memory_space<vmem>>, vector<16xf32>,
    tpu.vector_store %arg5[%swap3A_235], %broadcast_in_dim3A_3 {strides = array<i32>} : memref<8192xf32, #tpu.memory_space<vmem>>, vector<16xf32>,
    %swap3A_237 = arith.constant 1856 : index
    %swap3A_238 = tpu.vector_load %arg5[%swap3A_237] {strides = array<i32>} : memref<8192xf32, #tpu.memory_space<vmem>>, vector<16xf32>,
    tpu.vector_store %arg5[%swap3A_237], %broadcast_in_dim3A_3 {strides = array<i32>} : memref<8192xf32, #tpu.memory_space<vmem>>, vector<16xf32>,
    %swap3A_239 = arith.constant 1872 : index
    %swap3A_240 = tpu.vector_load %arg5[%swap3A_239] {strides = array<i32>} : memref<8192xf32, #tpu.memory_space<vmem>>, vector<16xf32>,
    tpu.vector_store %arg5[%swap3A_239], %broadcast_in_dim3A_3 {strides = array<i32>} : memref<8192xf32, #tpu.memory_space<vmem>>, vector<16xf32>,
    %swap3A_241 = arith.constant 1888 : index
    %swap3A_242 = tpu.vector_load %arg5[%swap3A_241] {strides = array<i32>} : memref<8192xf32, #tpu.memory_space<vmem>>, vector<16xf32>,
    tpu.vector_store %arg5[%swap3A_241], %broadcast_in_dim3A_3 {strides = array<i32>} : memref<8192xf32, #tpu.memory_space<vmem>>, vector<16xf32>,
    %swap3A_243 = arith.constant 1904 : index
    %swap3A_244 = tpu.vector_load %arg5[%swap3A_243] {strides = array<i32>} : memref<8192xf32, #tpu.memory_space<vmem>>, vector<16xf32>,
    tpu.vector_store %arg5[%swap3A_243], %broadcast_in_dim3A_3 {strides = array<i32>} : memref<8192xf32, #tpu.memory_space<vmem>>, vector<16xf32>,
    %swap3A_245 = arith.constant 1920 : index
    %swap3A_246 = tpu.vector_load %arg5[%swap3A_245] {strides = array<i32>} : memref<8192xf32, #tpu.memory_space<vmem>>, vector<16xf32>,
    tpu.vector_store %arg5[%swap3A_245], %broadcast_in_dim3A_3 {strides = array<i32>} : memref<8192xf32, #tpu.memory_space<vmem>>, vector<16xf32>,
    %swap3A_247 = arith.constant 1936 : index
    %swap3A_248 = tpu.vector_load %arg5[%swap3A_247] {strides = array<i32>} : memref<8192xf32, #tpu.memory_space<vmem>>, vector<16xf32>,
    tpu.vector_store %arg5[%swap3A_247], %broadcast_in_dim3A_3 {strides = array<i32>} : memref<8192xf32, #tpu.memory_space<vmem>>, vector<16xf32>,
    %swap3A_249 = arith.constant 1952 : index
    %swap3A_250 = tpu.vector_load %arg5[%swap3A_249] {strides = array<i32>} : memref<8192xf32, #tpu.memory_space<vmem>>, vector<16xf32>,
    tpu.vector_store %arg5[%swap3A_249], %broadcast_in_dim3A_3 {strides = array<i32>} : memref<8192xf32, #tpu.memory_space<vmem>>, vector<16xf32>,
    %swap3A_251 = arith.constant 1968 : index
    %swap3A_252 = tpu.vector_load %arg5[%swap3A_251] {strides = array<i32>} : memref<8192xf32, #tpu.memory_space<vmem>>, vector<16xf32>,
    tpu.vector_store %arg5[%swap3A_251], %broadcast_in_dim3A_3 {strides = array<i32>} : memref<8192xf32, #tpu.memory_space<vmem>>, vector<16xf32>,
    %swap3A_253 = arith.constant 1984 : index
    %swap3A_254 = tpu.vector_load %arg5[%swap3A_253] {strides = array<i32>} : memref<8192xf32, #tpu.memory_space<vmem>>, vector<16xf32>,
    tpu.vector_store %arg5[%swap3A_253], %broadcast_in_dim3A_3 {strides = array<i32>} : memref<8192xf32, #tpu.memory_space<vmem>>, vector<16xf32>,
    %swap3A_255 = arith.constant 2000 : index
    %swap3A_256 = tpu.vector_load %arg5[%swap3A_255] {strides = array<i32>} : memref<8192xf32, #tpu.memory_space<vmem>>, vector<16xf32>,
    tpu.vector_store %arg5[%swap3A_255], %broadcast_in_dim3A_3 {strides = array<i32>} : memref<8192xf32, #tpu.memory_space<vmem>>, vector<16xf32>,
    %swap3A_257 = arith.constant 2016 : index
    %swap3A_258 = tpu.vector_load %arg5[%swap3A_257] {strides = array<i32>} : memref<8192xf32, #tpu.memory_space<vmem>>, vector<16xf32>,
    tpu.vector_store %arg5[%swap3A_257], %broadcast_in_dim3A_3 {strides = array<i32>} : memref<8192xf32, #tpu.memory_space<vmem>>, vector<16xf32>,
    %swap3A_259 = arith.constant 2032 : index
    %swap3A_260 = tpu.vector_load %arg5[%swap3A_259] {strides = array<i32>} : memref<8192xf32, #tpu.memory_space<vmem>>, vector<16xf32>,
    tpu.vector_store %arg5[%swap3A_259], %broadcast_in_dim3A_3 {strides = array<i32>} : memref<8192xf32, #tpu.memory_space<vmem>>, vector<16xf32>,
    %swap3A_261 = arith.constant 2048 : index
    %swap3A_262 = tpu.vector_load %arg5[%swap3A_261] {strides = array<i32>} : memref<8192xf32, #tpu.memory_space<vmem>>, vector<16xf32>,
    tpu.vector_store %arg5[%swap3A_261], %broadcast_in_dim3A_3 {strides = array<i32>} : memref<8192xf32, #tpu.memory_space<vmem>>, vector<16xf32>,
    %swap3A_263 = arith.constant 2064 : index
    %swap3A_264 = tpu.vector_load %arg5[%swap3A_263] {strides = array<i32>} : memref<8192xf32, #tpu.memory_space<vmem>>, vector<16xf32>,
    tpu.vector_store %arg5[%swap3A_263], %broadcast_in_dim3A_3 {strides = array<i32>} : memref<8192xf32, #tpu.memory_space<vmem>>, vector<16xf32>,
    %swap3A_265 = arith.constant 2080 : index
    %swap3A_266 = tpu.vector_load %arg5[%swap3A_265] {strides = array<i32>} : memref<8192xf32, #tpu.memory_space<vmem>>, vector<16xf32>,
    tpu.vector_store %arg5[%swap3A_265], %broadcast_in_dim3A_3 {strides = array<i32>} : memref<8192xf32, #tpu.memory_space<vmem>>, vector<16xf32>,
    %swap3A_267 = arith.constant 2096 : index
    %swap3A_268 = tpu.vector_load %arg5[%swap3A_267] {strides = array<i32>} : memref<8192xf32, #tpu.memory_space<vmem>>, vector<16xf32>,
    tpu.vector_store %arg5[%swap3A_267], %broadcast_in_dim3A_3 {strides = array<i32>} : memref<8192xf32, #tpu.memory_space<vmem>>, vector<16xf32>,
    %swap3A_269 = arith.constant 2112 : index
    %swap3A_270 = tpu.vector_load %arg5[%swap3A_269] {strides = array<i32>} : memref<8192xf32, #tpu.memory_space<vmem>>, vector<16xf32>,
    tpu.vector_store %arg5[%swap3A_269], %broadcast_in_dim3A_3 {strides = array<i32>} : memref<8192xf32, #tpu.memory_space<vmem>>, vector<16xf32>,
    %swap3A_271 = arith.constant 2128 : index
    %swap3A_272 = tpu.vector_load %arg5[%swap3A_271] {strides = array<i32>} : memref<8192xf32, #tpu.memory_space<vmem>>, vector<16xf32>,
    tpu.vector_store %arg5[%swap3A_271], %broadcast_in_dim3A_3 {strides = array<i32>} : memref<8192xf32, #tpu.memory_space<vmem>>, vector<16xf32>,
    %swap3A_273 = arith.constant 2144 : index
    %swap3A_274 = tpu.vector_load %arg5[%swap3A_273] {strides = array<i32>} : memref<8192xf32, #tpu.memory_space<vmem>>, vector<16xf32>,
    tpu.vector_store %arg5[%swap3A_273], %broadcast_in_dim3A_3 {strides = array<i32>} : memref<8192xf32, #tpu.memory_space<vmem>>, vector<16xf32>,
    %swap3A_275 = arith.constant 2160 : index
    %swap3A_276 = tpu.vector_load %arg5[%swap3A_275] {strides = array<i32>} : memref<8192xf32, #tpu.memory_space<vmem>>, vector<16xf32>,
    tpu.vector_store %arg5[%swap3A_275], %broadcast_in_dim3A_3 {strides = array<i32>} : memref<8192xf32, #tpu.memory_space<vmem>>, vector<16xf32>,
    %swap3A_277 = arith.constant 2176 : index
    %swap3A_278 = tpu.vector_load %arg5[%swap3A_277] {strides = array<i32>} : memref<8192xf32, #tpu.memory_space<vmem>>, vector<16xf32>,
    tpu.vector_store %arg5[%swap3A_277], %broadcast_in_dim3A_3 {strides = array<i32>} : memref<8192xf32, #tpu.memory_space<vmem>>, vector<16xf32>,
    %swap3A_279 = arith.constant 2192 : index
    %swap3A_280 = tpu.vector_load %arg5[%swap3A_279] {strides = array<i32>} : memref<8192xf32, #tpu.memory_space<vmem>>, vector<16xf32>,
    tpu.vector_store %arg5[%swap3A_279], %broadcast_in_dim3A_3 {strides = array<i32>} : memref<8192xf32, #tpu.memory_space<vmem>>, vector<16xf32>,
    %swap3A_281 = arith.constant 2208 : index
    %swap3A_282 = tpu.vector_load %arg5[%swap3A_281] {strides = array<i32>} : memref<8192xf32, #tpu.memory_space<vmem>>, vector<16xf32>,
    tpu.vector_store %arg5[%swap3A_281], %broadcast_in_dim3A_3 {strides = array<i32>} : memref<8192xf32, #tpu.memory_space<vmem>>, vector<16xf32>,
    %swap3A_283 = arith.constant 2224 : index
    %swap3A_284 = tpu.vector_load %arg5[%swap3A_283] {strides = array<i32>} : memref<8192xf32, #tpu.memory_space<vmem>>, vector<16xf32>,
    tpu.vector_store %arg5[%swap3A_283], %broadcast_in_dim3A_3 {strides = array<i32>} : memref<8192xf32, #tpu.memory_space<vmem>>, vector<16xf32>,
    %swap3A_285 = arith.constant 2240 : index
    %swap3A_286 = tpu.vector_load %arg5[%swap3A_285] {strides = array<i32>} : memref<8192xf32, #tpu.memory_space<vmem>>, vector<16xf32>,
    tpu.vector_store %arg5[%swap3A_285], %broadcast_in_dim3A_3 {strides = array<i32>} : memref<8192xf32, #tpu.memory_space<vmem>>, vector<16xf32>,
    %swap3A_287 = arith.constant 2256 : index
    %swap3A_288 = tpu.vector_load %arg5[%swap3A_287] {strides = array<i32>} : memref<8192xf32, #tpu.memory_space<vmem>>, vector<16xf32>,
    tpu.vector_store %arg5[%swap3A_287], %broadcast_in_dim3A_3 {strides = array<i32>} : memref<8192xf32, #tpu.memory_space<vmem>>, vector<16xf32>,
    %swap3A_289 = arith.constant 2272 : index
    %swap3A_290 = tpu.vector_load %arg5[%swap3A_289] {strides = array<i32>} : memref<8192xf32, #tpu.memory_space<vmem>>, vector<16xf32>,
    tpu.vector_store %arg5[%swap3A_289], %broadcast_in_dim3A_3 {strides = array<i32>} : memref<8192xf32, #tpu.memory_space<vmem>>, vector<16xf32>,
    %swap3A_291 = arith.constant 2288 : index
    %swap3A_292 = tpu.vector_load %arg5[%swap3A_291] {strides = array<i32>} : memref<8192xf32, #tpu.memory_space<vmem>>, vector<16xf32>,
    tpu.vector_store %arg5[%swap3A_291], %broadcast_in_dim3A_3 {strides = array<i32>} : memref<8192xf32, #tpu.memory_space<vmem>>, vector<16xf32>,
    %swap3A_293 = arith.constant 2304 : index
    %swap3A_294 = tpu.vector_load %arg5[%swap3A_293] {strides = array<i32>} : memref<8192xf32, #tpu.memory_space<vmem>>, vector<16xf32>,
    tpu.vector_store %arg5[%swap3A_293], %broadcast_in_dim3A_3 {strides = array<i32>} : memref<8192xf32, #tpu.memory_space<vmem>>, vector<16xf32>,
    %swap3A_295 = arith.constant 2320 : index
    %swap3A_296 = tpu.vector_load %arg5[%swap3A_295] {strides = array<i32>} : memref<8192xf32, #tpu.memory_space<vmem>>, vector<16xf32>,
    tpu.vector_store %arg5[%swap3A_295], %broadcast_in_dim3A_3 {strides = array<i32>} : memref<8192xf32, #tpu.memory_space<vmem>>, vector<16xf32>,
    %swap3A_297 = arith.constant 2336 : index
    %swap3A_298 = tpu.vector_load %arg5[%swap3A_297] {strides = array<i32>} : memref<8192xf32, #tpu.memory_space<vmem>>, vector<16xf32>,
    tpu.vector_store %arg5[%swap3A_297], %broadcast_in_dim3A_3 {strides = array<i32>} : memref<8192xf32, #tpu.memory_space<vmem>>, vector<16xf32>,
    %swap3A_299 = arith.constant 2352 : index
    %swap3A_300 = tpu.vector_load %arg5[%swap3A_299] {strides = array<i32>} : memref<8192xf32, #tpu.memory_space<vmem>>, vector<16xf32>,
    tpu.vector_store %arg5[%swap3A_299], %broadcast_in_dim3A_3 {strides = array<i32>} : memref<8192xf32, #tpu.memory_space<vmem>>, vector<16xf32>,
    %swap3A_301 = arith.constant 2368 : index
    %swap3A_302 = tpu.vector_load %arg5[%swap3A_301] {strides = array<i32>} : memref<8192xf32, #tpu.memory_space<vmem>>, vector<16xf32>,
    tpu.vector_store %arg5[%swap3A_301], %broadcast_in_dim3A_3 {strides = array<i32>} : memref<8192xf32, #tpu.memory_space<vmem>>, vector<16xf32>,
    %swap3A_303 = arith.constant 2384 : index
    %swap3A_304 = tpu.vector_load %arg5[%swap3A_303] {strides = array<i32>} : memref<8192xf32, #tpu.memory_space<vmem>>, vector<16xf32>,
    tpu.vector_store %arg5[%swap3A_303], %broadcast_in_dim3A_3 {strides = array<i32>} : memref<8192xf32, #tpu.memory_space<vmem>>, vector<16xf32>,
    %swap3A_305 = arith.constant 2400 : index
    %swap3A_306 = tpu.vector_load %arg5[%swap3A_305] {strides = array<i32>} : memref<8192xf32, #tpu.memory_space<vmem>>, vector<16xf32>,
    tpu.vector_store %arg5[%swap3A_305], %broadcast_in_dim3A_3 {strides = array<i32>} : memref<8192xf32, #tpu.memory_space<vmem>>, vector<16xf32>,
    %swap3A_307 = arith.constant 2416 : index
    %swap3A_308 = tpu.vector_load %arg5[%swap3A_307] {strides = array<i32>} : memref<8192xf32, #tpu.memory_space<vmem>>, vector<16xf32>,
    tpu.vector_store %arg5[%swap3A_307], %broadcast_in_dim3A_3 {strides = array<i32>} : memref<8192xf32, #tpu.memory_space<vmem>>, vector<16xf32>,
    %swap3A_309 = arith.constant 2432 : index
    %swap3A_310 = tpu.vector_load %arg5[%swap3A_309] {strides = array<i32>} : memref<8192xf32, #tpu.memory_space<vmem>>, vector<16xf32>,
    tpu.vector_store %arg5[%swap3A_309], %broadcast_in_dim3A_3 {strides = array<i32>} : memref<8192xf32, #tpu.memory_space<vmem>>, vector<16xf32>,
    %swap3A_311 = arith.constant 2448 : index
    %swap3A_312 = tpu.vector_load %arg5[%swap3A_311] {strides = array<i32>} : memref<8192xf32, #tpu.memory_space<vmem>>, vector<16xf32>,
    tpu.vector_store %arg5[%swap3A_311], %broadcast_in_dim3A_3 {strides = array<i32>} : memref<8192xf32, #tpu.memory_space<vmem>>, vector<16xf32>,
    %swap3A_313 = arith.constant 2464 : index
    %swap3A_314 = tpu.vector_load %arg5[%swap3A_313] {strides = array<i32>} : memref<8192xf32, #tpu.memory_space<vmem>>, vector<16xf32>,
    tpu.vector_store %arg5[%swap3A_313], %broadcast_in_dim3A_3 {strides = array<i32>} : memref<8192xf32, #tpu.memory_space<vmem>>, vector<16xf32>,
    %swap3A_315 = arith.constant 2480 : index
    %swap3A_316 = tpu.vector_load %arg5[%swap3A_315] {strides = array<i32>} : memref<8192xf32, #tpu.memory_space<vmem>>, vector<16xf32>,
    tpu.vector_store %arg5[%swap3A_315], %broadcast_in_dim3A_3 {strides = array<i32>} : memref<8192xf32, #tpu.memory_space<vmem>>, vector<16xf32>,
    %swap3A_317 = arith.constant 2496 : index
    %swap3A_318 = tpu.vector_load %arg5[%swap3A_317] {strides = array<i32>} : memref<8192xf32, #tpu.memory_space<vmem>>, vector<16xf32>,
    tpu.vector_store %arg5[%swap3A_317], %broadcast_in_dim3A_3 {strides = array<i32>} : memref<8192xf32, #tpu.memory_space<vmem>>, vector<16xf32>,
    %swap3A_319 = arith.constant 2512 : index
    %swap3A_320 = tpu.vector_load %arg5[%swap3A_319] {strides = array<i32>} : memref<8192xf32, #tpu.memory_space<vmem>>, vector<16xf32>,
    tpu.vector_store %arg5[%swap3A_319], %broadcast_in_dim3A_3 {strides = array<i32>} : memref<8192xf32, #tpu.memory_space<vmem>>, vector<16xf32>,
    %swap3A_321 = arith.constant 2528 : index
    %swap3A_322 = tpu.vector_load %arg5[%swap3A_321] {strides = array<i32>} : memref<8192xf32, #tpu.memory_space<vmem>>, vector<16xf32>,
    tpu.vector_store %arg5[%swap3A_321], %broadcast_in_dim3A_3 {strides = array<i32>} : memref<8192xf32, #tpu.memory_space<vmem>>, vector<16xf32>,
    %swap3A_323 = arith.constant 2544 : index
    %swap3A_324 = tpu.vector_load %arg5[%swap3A_323] {strides = array<i32>} : memref<8192xf32, #tpu.memory_space<vmem>>, vector<16xf32>,
    tpu.vector_store %arg5[%swap3A_323], %broadcast_in_dim3A_3 {strides = array<i32>} : memref<8192xf32, #tpu.memory_space<vmem>>, vector<16xf32>,
    %swap3A_325 = arith.constant 2560 : index
    %swap3A_326 = tpu.vector_load %arg5[%swap3A_325] {strides = array<i32>} : memref<8192xf32, #tpu.memory_space<vmem>>, vector<16xf32>,
    tpu.vector_store %arg5[%swap3A_325], %broadcast_in_dim3A_3 {strides = array<i32>} : memref<8192xf32, #tpu.memory_space<vmem>>, vector<16xf32>,
    %swap3A_327 = arith.constant 2576 : index
    %swap3A_328 = tpu.vector_load %arg5[%swap3A_327] {strides = array<i32>} : memref<8192xf32, #tpu.memory_space<vmem>>, vector<16xf32>,
    tpu.vector_store %arg5[%swap3A_327], %broadcast_in_dim3A_3 {strides = array<i32>} : memref<8192xf32, #tpu.memory_space<vmem>>, vector<16xf32>,
    %swap3A_329 = arith.constant 2592 : index
    %swap3A_330 = tpu.vector_load %arg5[%swap3A_329] {strides = array<i32>} : memref<8192xf32, #tpu.memory_space<vmem>>, vector<16xf32>,
    tpu.vector_store %arg5[%swap3A_329], %broadcast_in_dim3A_3 {strides = array<i32>} : memref<8192xf32, #tpu.memory_space<vmem>>, vector<16xf32>,
    %swap3A_331 = arith.constant 2608 : index
    %swap3A_332 = tpu.vector_load %arg5[%swap3A_331] {strides = array<i32>} : memref<8192xf32, #tpu.memory_space<vmem>>, vector<16xf32>,
    tpu.vector_store %arg5[%swap3A_331], %broadcast_in_dim3A_3 {strides = array<i32>} : memref<8192xf32, #tpu.memory_space<vmem>>, vector<16xf32>,
    %swap3A_333 = arith.constant 2624 : index
    %swap3A_334 = tpu.vector_load %arg5[%swap3A_333] {strides = array<i32>} : memref<8192xf32, #tpu.memory_space<vmem>>, vector<16xf32>,
    tpu.vector_store %arg5[%swap3A_333], %broadcast_in_dim3A_3 {strides = array<i32>} : memref<8192xf32, #tpu.memory_space<vmem>>, vector<16xf32>,
    %swap3A_335 = arith.constant 2640 : index
    %swap3A_336 = tpu.vector_load %arg5[%swap3A_335] {strides = array<i32>} : memref<8192xf32, #tpu.memory_space<vmem>>, vector<16xf32>,
    tpu.vector_store %arg5[%swap3A_335], %broadcast_in_dim3A_3 {strides = array<i32>} : memref<8192xf32, #tpu.memory_space<vmem>>, vector<16xf32>,
    %swap3A_337 = arith.constant 2656 : index
    %swap3A_338 = tpu.vector_load %arg5[%swap3A_337] {strides = array<i32>} : memref<8192xf32, #tpu.memory_space<vmem>>, vector<16xf32>,
    tpu.vector_store %arg5[%swap3A_337], %broadcast_in_dim3A_3 {strides = array<i32>} : memref<8192xf32, #tpu.memory_space<vmem>>, vector<16xf32>,
    %swap3A_339 = arith.constant 2672 : index
    %swap3A_340 = tpu.vector_load %arg5[%swap3A_339] {strides = array<i32>} : memref<8192xf32, #tpu.memory_space<vmem>>, vector<16xf32>,
    tpu.vector_store %arg5[%swap3A_339], %broadcast_in_dim3A_3 {strides = array<i32>} : memref<8192xf32, #tpu.memory_space<vmem>>, vector<16xf32>,
    %swap3A_341 = arith.constant 2688 : index
    %swap3A_342 = tpu.vector_load %arg5[%swap3A_341] {strides = array<i32>} : memref<8192xf32, #tpu.memory_space<vmem>>, vector<16xf32>,
    tpu.vector_store %arg5[%swap3A_341], %broadcast_in_dim3A_3 {strides = array<i32>} : memref<8192xf32, #tpu.memory_space<vmem>>, vector<16xf32>,
    %swap3A_343 = arith.constant 2704 : index
    %swap3A_344 = tpu.vector_load %arg5[%swap3A_343] {strides = array<i32>} : memref<8192xf32, #tpu.memory_space<vmem>>, vector<16xf32>,
    tpu.vector_store %arg5[%swap3A_343], %broadcast_in_dim3A_3 {strides = array<i32>} : memref<8192xf32, #tpu.memory_space<vmem>>, vector<16xf32>,
    %swap3A_345 = arith.constant 2720 : index
    %swap3A_346 = tpu.vector_load %arg5[%swap3A_345] {strides = array<i32>} : memref<8192xf32, #tpu.memory_space<vmem>>, vector<16xf32>,
    tpu.vector_store %arg5[%swap3A_345], %broadcast_in_dim3A_3 {strides = array<i32>} : memref<8192xf32, #tpu.memory_space<vmem>>, vector<16xf32>,
    %swap3A_347 = arith.constant 2736 : index
    %swap3A_348 = tpu.vector_load %arg5[%swap3A_347] {strides = array<i32>} : memref<8192xf32, #tpu.memory_space<vmem>>, vector<16xf32>,
    tpu.vector_store %arg5[%swap3A_347], %broadcast_in_dim3A_3 {strides = array<i32>} : memref<8192xf32, #tpu.memory_space<vmem>>, vector<16xf32>,
    %swap3A_349 = arith.constant 2752 : index
    %swap3A_350 = tpu.vector_load %arg5[%swap3A_349] {strides = array<i32>} : memref<8192xf32, #tpu.memory_space<vmem>>, vector<16xf32>,
    tpu.vector_store %arg5[%swap3A_349], %broadcast_in_dim3A_3 {strides = array<i32>} : memref<8192xf32, #tpu.memory_space<vmem>>, vector<16xf32>,
    %swap3A_351 = arith.constant 2768 : index
    %swap3A_352 = tpu.vector_load %arg5[%swap3A_351] {strides = array<i32>} : memref<8192xf32, #tpu.memory_space<vmem>>, vector<16xf32>,
    tpu.vector_store %arg5[%swap3A_351], %broadcast_in_dim3A_3 {strides = array<i32>} : memref<8192xf32, #tpu.memory_space<vmem>>, vector<16xf32>,
    %swap3A_353 = arith.constant 2784 : index
    %swap3A_354 = tpu.vector_load %arg5[%swap3A_353] {strides = array<i32>} : memref<8192xf32, #tpu.memory_space<vmem>>, vector<16xf32>,
    tpu.vector_store %arg5[%swap3A_353], %broadcast_in_dim3A_3 {strides = array<i32>} : memref<8192xf32, #tpu.memory_space<vmem>>, vector<16xf32>,
    %swap3A_355 = arith.constant 2800 : index
    %swap3A_356 = tpu.vector_load %arg5[%swap3A_355] {strides = array<i32>} : memref<8192xf32, #tpu.memory_space<vmem>>, vector<16xf32>,
    tpu.vector_store %arg5[%swap3A_355], %broadcast_in_dim3A_3 {strides = array<i32>} : memref<8192xf32, #tpu.memory_space<vmem>>, vector<16xf32>,
    %swap3A_357 = arith.constant 2816 : index
    %swap3A_358 = tpu.vector_load %arg5[%swap3A_357] {strides = array<i32>} : memref<8192xf32, #tpu.memory_space<vmem>>, vector<16xf32>,
    tpu.vector_store %arg5[%swap3A_357], %broadcast_in_dim3A_3 {strides = array<i32>} : memref<8192xf32, #tpu.memory_space<vmem>>, vector<16xf32>,
    %swap3A_359 = arith.constant 2832 : index
    %swap3A_360 = tpu.vector_load %arg5[%swap3A_359] {strides = array<i32>} : memref<8192xf32, #tpu.memory_space<vmem>>, vector<16xf32>,
    tpu.vector_store %arg5[%swap3A_359], %broadcast_in_dim3A_3 {strides = array<i32>} : memref<8192xf32, #tpu.memory_space<vmem>>, vector<16xf32>,
    %swap3A_361 = arith.constant 2848 : index
    %swap3A_362 = tpu.vector_load %arg5[%swap3A_361] {strides = array<i32>} : memref<8192xf32, #tpu.memory_space<vmem>>, vector<16xf32>,
    tpu.vector_store %arg5[%swap3A_361], %broadcast_in_dim3A_3 {strides = array<i32>} : memref<8192xf32, #tpu.memory_space<vmem>>, vector<16xf32>,
    %swap3A_363 = arith.constant 2864 : index
    %swap3A_364 = tpu.vector_load %arg5[%swap3A_363] {strides = array<i32>} : memref<8192xf32, #tpu.memory_space<vmem>>, vector<16xf32>,
    tpu.vector_store %arg5[%swap3A_363], %broadcast_in_dim3A_3 {strides = array<i32>} : memref<8192xf32, #tpu.memory_space<vmem>>, vector<16xf32>,
    %swap3A_365 = arith.constant 2880 : index
    %swap3A_366 = tpu.vector_load %arg5[%swap3A_365] {strides = array<i32>} : memref<8192xf32, #tpu.memory_space<vmem>>, vector<16xf32>,
    tpu.vector_store %arg5[%swap3A_365], %broadcast_in_dim3A_3 {strides = array<i32>} : memref<8192xf32, #tpu.memory_space<vmem>>, vector<16xf32>,
    %swap3A_367 = arith.constant 2896 : index
    %swap3A_368 = tpu.vector_load %arg5[%swap3A_367] {strides = array<i32>} : memref<8192xf32, #tpu.memory_space<vmem>>, vector<16xf32>,
    tpu.vector_store %arg5[%swap3A_367], %broadcast_in_dim3A_3 {strides = array<i32>} : memref<8192xf32, #tpu.memory_space<vmem>>, vector<16xf32>,
    %swap3A_369 = arith.constant 2912 : index
    %swap3A_370 = tpu.vector_load %arg5[%swap3A_369] {strides = array<i32>} : memref<8192xf32, #tpu.memory_space<vmem>>, vector<16xf32>,
    tpu.vector_store %arg5[%swap3A_369], %broadcast_in_dim3A_3 {strides = array<i32>} : memref<8192xf32, #tpu.memory_space<vmem>>, vector<16xf32>,
    %swap3A_371 = arith.constant 2928 : index
    %swap3A_372 = tpu.vector_load %arg5[%swap3A_371] {strides = array<i32>} : memref<8192xf32, #tpu.memory_space<vmem>>, vector<16xf32>,
    tpu.vector_store %arg5[%swap3A_371], %broadcast_in_dim3A_3 {strides = array<i32>} : memref<8192xf32, #tpu.memory_space<vmem>>, vector<16xf32>,
    %swap3A_373 = arith.constant 2944 : index
    %swap3A_374 = tpu.vector_load %arg5[%swap3A_373] {strides = array<i32>} : memref<8192xf32, #tpu.memory_space<vmem>>, vector<16xf32>,
    tpu.vector_store %arg5[%swap3A_373], %broadcast_in_dim3A_3 {strides = array<i32>} : memref<8192xf32, #tpu.memory_space<vmem>>, vector<16xf32>,
    %swap3A_375 = arith.constant 2960 : index
    %swap3A_376 = tpu.vector_load %arg5[%swap3A_375] {strides = array<i32>} : memref<8192xf32, #tpu.memory_space<vmem>>, vector<16xf32>,
    tpu.vector_store %arg5[%swap3A_375], %broadcast_in_dim3A_3 {strides = array<i32>} : memref<8192xf32, #tpu.memory_space<vmem>>, vector<16xf32>,
    %swap3A_377 = arith.constant 2976 : index
    %swap3A_378 = tpu.vector_load %arg5[%swap3A_377] {strides = array<i32>} : memref<8192xf32, #tpu.memory_space<vmem>>, vector<16xf32>,
    tpu.vector_store %arg5[%swap3A_377], %broadcast_in_dim3A_3 {strides = array<i32>} : memref<8192xf32, #tpu.memory_space<vmem>>, vector<16xf32>,
    %swap3A_379 = arith.constant 2992 : index
    %swap3A_380 = tpu.vector_load %arg5[%swap3A_379] {strides = array<i32>} : memref<8192xf32, #tpu.memory_space<vmem>>, vector<16xf32>,
    tpu.vector_store %arg5[%swap3A_379], %broadcast_in_dim3A_3 {strides = array<i32>} : memref<8192xf32, #tpu.memory_space<vmem>>, vector<16xf32>,
    %swap3A_381 = arith.constant 3008 : index
    %swap3A_382 = tpu.vector_load %arg5[%swap3A_381] {strides = array<i32>} : memref<8192xf32, #tpu.memory_space<vmem>>, vector<16xf32>,
    tpu.vector_store %arg5[%swap3A_381], %broadcast_in_dim3A_3 {strides = array<i32>} : memref<8192xf32, #tpu.memory_space<vmem>>, vector<16xf32>,
    %swap3A_383 = arith.constant 3024 : index
    %swap3A_384 = tpu.vector_load %arg5[%swap3A_383] {strides = array<i32>} : memref<8192xf32, #tpu.memory_space<vmem>>, vector<16xf32>,
    tpu.vector_store %arg5[%swap3A_383], %broadcast_in_dim3A_3 {strides = array<i32>} : memref<8192xf32, #tpu.memory_space<vmem>>, vector<16xf32>,
    %swap3A_385 = arith.constant 3040 : index
    %swap3A_386 = tpu.vector_load %arg5[%swap3A_385] {strides = array<i32>} : memref<8192xf32, #tpu.memory_space<vmem>>, vector<16xf32>,
    tpu.vector_store %arg5[%swap3A_385], %broadcast_in_dim3A_3 {strides = array<i32>} : memref<8192xf32, #tpu.memory_space<vmem>>, vector<16xf32>,
    %swap3A_387 = arith.constant 3056 : index
    %swap3A_388 = tpu.vector_load %arg5[%swap3A_387] {strides = array<i32>} : memref<8192xf32, #tpu.memory_space<vmem>>, vector<16xf32>,
    tpu.vector_store %arg5[%swap3A_387], %broadcast_in_dim3A_3 {strides = array<i32>} : memref<8192xf32, #tpu.memory_space<vmem>>, vector<16xf32>,
    %swap3A_389 = arith.constant 3072 : index
    %swap3A_390 = tpu.vector_load %arg5[%swap3A_389] {strides = array<i32>} : memref<8192xf32, #tpu.memory_space<vmem>>, vector<16xf32>,
    tpu.vector_store %arg5[%swap3A_389], %broadcast_in_dim3A_3 {strides = array<i32>} : memref<8192xf32, #tpu.memory_space<vmem>>, vector<16xf32>,
    %swap3A_391 = arith.constant 3088 : index
    %swap3A_392 = tpu.vector_load %arg5[%swap3A_391] {strides = array<i32>} : memref<8192xf32, #tpu.memory_space<vmem>>, vector<16xf32>,
    tpu.vector_store %arg5[%swap3A_391], %broadcast_in_dim3A_3 {strides = array<i32>} : memref<8192xf32, #tpu.memory_space<vmem>>, vector<16xf32>,
    %swap3A_393 = arith.constant 3104 : index
    %swap3A_394 = tpu.vector_load %arg5[%swap3A_393] {strides = array<i32>} : memref<8192xf32, #tpu.memory_space<vmem>>, vector<16xf32>,
    tpu.vector_store %arg5[%swap3A_393], %broadcast_in_dim3A_3 {strides = array<i32>} : memref<8192xf32, #tpu.memory_space<vmem>>, vector<16xf32>,
    %swap3A_395 = arith.constant 3120 : index
    %swap3A_396 = tpu.vector_load %arg5[%swap3A_395] {strides = array<i32>} : memref<8192xf32, #tpu.memory_space<vmem>>, vector<16xf32>,
    tpu.vector_store %arg5[%swap3A_395], %broadcast_in_dim3A_3 {strides = array<i32>} : memref<8192xf32, #tpu.memory_space<vmem>>, vector<16xf32>,
    %swap3A_397 = arith.constant 3136 : index
    %swap3A_398 = tpu.vector_load %arg5[%swap3A_397] {strides = array<i32>} : memref<8192xf32, #tpu.memory_space<vmem>>, vector<16xf32>,
    tpu.vector_store %arg5[%swap3A_397], %broadcast_in_dim3A_3 {strides = array<i32>} : memref<8192xf32, #tpu.memory_space<vmem>>, vector<16xf32>,
    %swap3A_399 = arith.constant 3152 : index
    %swap3A_400 = tpu.vector_load %arg5[%swap3A_399] {strides = array<i32>} : memref<8192xf32, #tpu.memory_space<vmem>>, vector<16xf32>,
    tpu.vector_store %arg5[%swap3A_399], %broadcast_in_dim3A_3 {strides = array<i32>} : memref<8192xf32, #tpu.memory_space<vmem>>, vector<16xf32>,
    %swap3A_401 = arith.constant 3168 : index
    %swap3A_402 = tpu.vector_load %arg5[%swap3A_401] {strides = array<i32>} : memref<8192xf32, #tpu.memory_space<vmem>>, vector<16xf32>,
    tpu.vector_store %arg5[%swap3A_401], %broadcast_in_dim3A_3 {strides = array<i32>} : memref<8192xf32, #tpu.memory_space<vmem>>, vector<16xf32>,
    %swap3A_403 = arith.constant 3184 : index
    %swap3A_404 = tpu.vector_load %arg5[%swap3A_403] {strides = array<i32>} : memref<8192xf32, #tpu.memory_space<vmem>>, vector<16xf32>,
    tpu.vector_store %arg5[%swap3A_403], %broadcast_in_dim3A_3 {strides = array<i32>} : memref<8192xf32, #tpu.memory_space<vmem>>, vector<16xf32>,
    %swap3A_405 = arith.constant 3200 : index
    %swap3A_406 = tpu.vector_load %arg5[%swap3A_405] {strides = array<i32>} : memref<8192xf32, #tpu.memory_space<vmem>>, vector<16xf32>,
    tpu.vector_store %arg5[%swap3A_405], %broadcast_in_dim3A_3 {strides = array<i32>} : memref<8192xf32, #tpu.memory_space<vmem>>, vector<16xf32>,
    %swap3A_407 = arith.constant 3216 : index
    %swap3A_408 = tpu.vector_load %arg5[%swap3A_407] {strides = array<i32>} : memref<8192xf32, #tpu.memory_space<vmem>>, vector<16xf32>,
    tpu.vector_store %arg5[%swap3A_407], %broadcast_in_dim3A_3 {strides = array<i32>} : memref<8192xf32, #tpu.memory_space<vmem>>, vector<16xf32>,
    %swap3A_409 = arith.constant 3232 : index
    %swap3A_410 = tpu.vector_load %arg5[%swap3A_409] {strides = array<i32>} : memref<8192xf32, #tpu.memory_space<vmem>>, vector<16xf32>,
    tpu.vector_store %arg5[%swap3A_409], %broadcast_in_dim3A_3 {strides = array<i32>} : memref<8192xf32, #tpu.memory_space<vmem>>, vector<16xf32>,
    %swap3A_411 = arith.constant 3248 : index
    %swap3A_412 = tpu.vector_load %arg5[%swap3A_411] {strides = array<i32>} : memref<8192xf32, #tpu.memory_space<vmem>>, vector<16xf32>,
    tpu.vector_store %arg5[%swap3A_411], %broadcast_in_dim3A_3 {strides = array<i32>} : memref<8192xf32, #tpu.memory_space<vmem>>, vector<16xf32>,
    %swap3A_413 = arith.constant 3264 : index
    %swap3A_414 = tpu.vector_load %arg5[%swap3A_413] {strides = array<i32>} : memref<8192xf32, #tpu.memory_space<vmem>>, vector<16xf32>,
    tpu.vector_store %arg5[%swap3A_413], %broadcast_in_dim3A_3 {strides = array<i32>} : memref<8192xf32, #tpu.memory_space<vmem>>, vector<16xf32>,
    %swap3A_415 = arith.constant 3280 : index
    %swap3A_416 = tpu.vector_load %arg5[%swap3A_415] {strides = array<i32>} : memref<8192xf32, #tpu.memory_space<vmem>>, vector<16xf32>,
    tpu.vector_store %arg5[%swap3A_415], %broadcast_in_dim3A_3 {strides = array<i32>} : memref<8192xf32, #tpu.memory_space<vmem>>, vector<16xf32>,
    %swap3A_417 = arith.constant 3296 : index
    %swap3A_418 = tpu.vector_load %arg5[%swap3A_417] {strides = array<i32>} : memref<8192xf32, #tpu.memory_space<vmem>>, vector<16xf32>,
    tpu.vector_store %arg5[%swap3A_417], %broadcast_in_dim3A_3 {strides = array<i32>} : memref<8192xf32, #tpu.memory_space<vmem>>, vector<16xf32>,
    %swap3A_419 = arith.constant 3312 : index
    %swap3A_420 = tpu.vector_load %arg5[%swap3A_419] {strides = array<i32>} : memref<8192xf32, #tpu.memory_space<vmem>>, vector<16xf32>,
    tpu.vector_store %arg5[%swap3A_419], %broadcast_in_dim3A_3 {strides = array<i32>} : memref<8192xf32, #tpu.memory_space<vmem>>, vector<16xf32>,
    %swap3A_421 = arith.constant 3328 : index
    %swap3A_422 = tpu.vector_load %arg5[%swap3A_421] {strides = array<i32>} : memref<8192xf32, #tpu.memory_space<vmem>>, vector<16xf32>,
    tpu.vector_store %arg5[%swap3A_421], %broadcast_in_dim3A_3 {strides = array<i32>} : memref<8192xf32, #tpu.memory_space<vmem>>, vector<16xf32>,
    %swap3A_423 = arith.constant 3344 : index
    %swap3A_424 = tpu.vector_load %arg5[%swap3A_423] {strides = array<i32>} : memref<8192xf32, #tpu.memory_space<vmem>>, vector<16xf32>,
    tpu.vector_store %arg5[%swap3A_423], %broadcast_in_dim3A_3 {strides = array<i32>} : memref<8192xf32, #tpu.memory_space<vmem>>, vector<16xf32>,
    %swap3A_425 = arith.constant 3360 : index
    %swap3A_426 = tpu.vector_load %arg5[%swap3A_425] {strides = array<i32>} : memref<8192xf32, #tpu.memory_space<vmem>>, vector<16xf32>,
    tpu.vector_store %arg5[%swap3A_425], %broadcast_in_dim3A_3 {strides = array<i32>} : memref<8192xf32, #tpu.memory_space<vmem>>, vector<16xf32>,
    %swap3A_427 = arith.constant 3376 : index
    %swap3A_428 = tpu.vector_load %arg5[%swap3A_427] {strides = array<i32>} : memref<8192xf32, #tpu.memory_space<vmem>>, vector<16xf32>,
    tpu.vector_store %arg5[%swap3A_427], %broadcast_in_dim3A_3 {strides = array<i32>} : memref<8192xf32, #tpu.memory_space<vmem>>, vector<16xf32>,
    %swap3A_429 = arith.constant 3392 : index
    %swap3A_430 = tpu.vector_load %arg5[%swap3A_429] {strides = array<i32>} : memref<8192xf32, #tpu.memory_space<vmem>>, vector<16xf32>,
    tpu.vector_store %arg5[%swap3A_429], %broadcast_in_dim3A_3 {strides = array<i32>} : memref<8192xf32, #tpu.memory_space<vmem>>, vector<16xf32>,
    %swap3A_431 = arith.constant 3408 : index
    %swap3A_432 = tpu.vector_load %arg5[%swap3A_431] {strides = array<i32>} : memref<8192xf32, #tpu.memory_space<vmem>>, vector<16xf32>,
    tpu.vector_store %arg5[%swap3A_431], %broadcast_in_dim3A_3 {strides = array<i32>} : memref<8192xf32, #tpu.memory_space<vmem>>, vector<16xf32>,
    %swap3A_433 = arith.constant 3424 : index
    %swap3A_434 = tpu.vector_load %arg5[%swap3A_433] {strides = array<i32>} : memref<8192xf32, #tpu.memory_space<vmem>>, vector<16xf32>,
    tpu.vector_store %arg5[%swap3A_433], %broadcast_in_dim3A_3 {strides = array<i32>} : memref<8192xf32, #tpu.memory_space<vmem>>, vector<16xf32>,
    %swap3A_435 = arith.constant 3440 : index
    %swap3A_436 = tpu.vector_load %arg5[%swap3A_435] {strides = array<i32>} : memref<8192xf32, #tpu.memory_space<vmem>>, vector<16xf32>,
    tpu.vector_store %arg5[%swap3A_435], %broadcast_in_dim3A_3 {strides = array<i32>} : memref<8192xf32, #tpu.memory_space<vmem>>, vector<16xf32>,
    %swap3A_437 = arith.constant 3456 : index
    %swap3A_438 = tpu.vector_load %arg5[%swap3A_437] {strides = array<i32>} : memref<8192xf32, #tpu.memory_space<vmem>>, vector<16xf32>,
    tpu.vector_store %arg5[%swap3A_437], %broadcast_in_dim3A_3 {strides = array<i32>} : memref<8192xf32, #tpu.memory_space<vmem>>, vector<16xf32>,
    %swap3A_439 = arith.constant 3472 : index
    %swap3A_440 = tpu.vector_load %arg5[%swap3A_439] {strides = array<i32>} : memref<8192xf32, #tpu.memory_space<vmem>>, vector<16xf32>,
    tpu.vector_store %arg5[%swap3A_439], %broadcast_in_dim3A_3 {strides = array<i32>} : memref<8192xf32, #tpu.memory_space<vmem>>, vector<16xf32>,
    %swap3A_441 = arith.constant 3488 : index
    %swap3A_442 = tpu.vector_load %arg5[%swap3A_441] {strides = array<i32>} : memref<8192xf32, #tpu.memory_space<vmem>>, vector<16xf32>,
    tpu.vector_store %arg5[%swap3A_441], %broadcast_in_dim3A_3 {strides = array<i32>} : memref<8192xf32, #tpu.memory_space<vmem>>, vector<16xf32>,
    %swap3A_443 = arith.constant 3504 : index
    %swap3A_444 = tpu.vector_load %arg5[%swap3A_443] {strides = array<i32>} : memref<8192xf32, #tpu.memory_space<vmem>>, vector<16xf32>,
    tpu.vector_store %arg5[%swap3A_443], %broadcast_in_dim3A_3 {strides = array<i32>} : memref<8192xf32, #tpu.memory_space<vmem>>, vector<16xf32>,
    %swap3A_445 = arith.constant 3520 : index
    %swap3A_446 = tpu.vector_load %arg5[%swap3A_445] {strides = array<i32>} : memref<8192xf32, #tpu.memory_space<vmem>>, vector<16xf32>,
    tpu.vector_store %arg5[%swap3A_445], %broadcast_in_dim3A_3 {strides = array<i32>} : memref<8192xf32, #tpu.memory_space<vmem>>, vector<16xf32>,
    %swap3A_447 = arith.constant 3536 : index
    %swap3A_448 = tpu.vector_load %arg5[%swap3A_447] {strides = array<i32>} : memref<8192xf32, #tpu.memory_space<vmem>>, vector<16xf32>,
    tpu.vector_store %arg5[%swap3A_447], %broadcast_in_dim3A_3 {strides = array<i32>} : memref<8192xf32, #tpu.memory_space<vmem>>, vector<16xf32>,
    %swap3A_449 = arith.constant 3552 : index
    %swap3A_450 = tpu.vector_load %arg5[%swap3A_449] {strides = array<i32>} : memref<8192xf32, #tpu.memory_space<vmem>>, vector<16xf32>,
    tpu.vector_store %arg5[%swap3A_449], %broadcast_in_dim3A_3 {strides = array<i32>} : memref<8192xf32, #tpu.memory_space<vmem>>, vector<16xf32>,
    %swap3A_451 = arith.constant 3568 : index
    %swap3A_452 = tpu.vector_load %arg5[%swap3A_451] {strides = array<i32>} : memref<8192xf32, #tpu.memory_space<vmem>>, vector<16xf32>,
    tpu.vector_store %arg5[%swap3A_451], %broadcast_in_dim3A_3 {strides = array<i32>} : memref<8192xf32, #tpu.memory_space<vmem>>, vector<16xf32>,
    %swap3A_453 = arith.constant 3584 : index
    %swap3A_454 = tpu.vector_load %arg5[%swap3A_453] {strides = array<i32>} : memref<8192xf32, #tpu.memory_space<vmem>>, vector<16xf32>,
    tpu.vector_store %arg5[%swap3A_453], %broadcast_in_dim3A_3 {strides = array<i32>} : memref<8192xf32, #tpu.memory_space<vmem>>, vector<16xf32>,
    %swap3A_455 = arith.constant 3600 : index
    %swap3A_456 = tpu.vector_load %arg5[%swap3A_455] {strides = array<i32>} : memref<8192xf32, #tpu.memory_space<vmem>>, vector<16xf32>,
    tpu.vector_store %arg5[%swap3A_455], %broadcast_in_dim3A_3 {strides = array<i32>} : memref<8192xf32, #tpu.memory_space<vmem>>, vector<16xf32>,
    %swap3A_457 = arith.constant 3616 : index
    %swap3A_458 = tpu.vector_load %arg5[%swap3A_457] {strides = array<i32>} : memref<8192xf32, #tpu.memory_space<vmem>>, vector<16xf32>,
    tpu.vector_store %arg5[%swap3A_457], %broadcast_in_dim3A_3 {strides = array<i32>} : memref<8192xf32, #tpu.memory_space<vmem>>, vector<16xf32>,
    %swap3A_459 = arith.constant 3632 : index
    %swap3A_460 = tpu.vector_load %arg5[%swap3A_459] {strides = array<i32>} : memref<8192xf32, #tpu.memory_space<vmem>>, vector<16xf32>,
    tpu.vector_store %arg5[%swap3A_459], %broadcast_in_dim3A_3 {strides = array<i32>} : memref<8192xf32, #tpu.memory_space<vmem>>, vector<16xf32>,
    %swap3A_461 = arith.constant 3648 : index
    %swap3A_462 = tpu.vector_load %arg5[%swap3A_461] {strides = array<i32>} : memref<8192xf32, #tpu.memory_space<vmem>>, vector<16xf32>,
    tpu.vector_store %arg5[%swap3A_461], %broadcast_in_dim3A_3 {strides = array<i32>} : memref<8192xf32, #tpu.memory_space<vmem>>, vector<16xf32>,
    %swap3A_463 = arith.constant 3664 : index
    %swap3A_464 = tpu.vector_load %arg5[%swap3A_463] {strides = array<i32>} : memref<8192xf32, #tpu.memory_space<vmem>>, vector<16xf32>,
    tpu.vector_store %arg5[%swap3A_463], %broadcast_in_dim3A_3 {strides = array<i32>} : memref<8192xf32, #tpu.memory_space<vmem>>, vector<16xf32>,
    %swap3A_465 = arith.constant 3680 : index
    %swap3A_466 = tpu.vector_load %arg5[%swap3A_465] {strides = array<i32>} : memref<8192xf32, #tpu.memory_space<vmem>>, vector<16xf32>,
    tpu.vector_store %arg5[%swap3A_465], %broadcast_in_dim3A_3 {strides = array<i32>} : memref<8192xf32, #tpu.memory_space<vmem>>, vector<16xf32>,
    %swap3A_467 = arith.constant 3696 : index
    %swap3A_468 = tpu.vector_load %arg5[%swap3A_467] {strides = array<i32>} : memref<8192xf32, #tpu.memory_space<vmem>>, vector<16xf32>,
    tpu.vector_store %arg5[%swap3A_467], %broadcast_in_dim3A_3 {strides = array<i32>} : memref<8192xf32, #tpu.memory_space<vmem>>, vector<16xf32>,
    %swap3A_469 = arith.constant 3712 : index
    %swap3A_470 = tpu.vector_load %arg5[%swap3A_469] {strides = array<i32>} : memref<8192xf32, #tpu.memory_space<vmem>>, vector<16xf32>,
    tpu.vector_store %arg5[%swap3A_469], %broadcast_in_dim3A_3 {strides = array<i32>} : memref<8192xf32, #tpu.memory_space<vmem>>, vector<16xf32>,
    %swap3A_471 = arith.constant 3728 : index
    %swap3A_472 = tpu.vector_load %arg5[%swap3A_471] {strides = array<i32>} : memref<8192xf32, #tpu.memory_space<vmem>>, vector<16xf32>,
    tpu.vector_store %arg5[%swap3A_471], %broadcast_in_dim3A_3 {strides = array<i32>} : memref<8192xf32, #tpu.memory_space<vmem>>, vector<16xf32>,
    %swap3A_473 = arith.constant 3744 : index
    %swap3A_474 = tpu.vector_load %arg5[%swap3A_473] {strides = array<i32>} : memref<8192xf32, #tpu.memory_space<vmem>>, vector<16xf32>,
    tpu.vector_store %arg5[%swap3A_473], %broadcast_in_dim3A_3 {strides = array<i32>} : memref<8192xf32, #tpu.memory_space<vmem>>, vector<16xf32>,
    %swap3A_475 = arith.constant 3760 : index
    %swap3A_476 = tpu.vector_load %arg5[%swap3A_475] {strides = array<i32>} : memref<8192xf32, #tpu.memory_space<vmem>>, vector<16xf32>,
    tpu.vector_store %arg5[%swap3A_475], %broadcast_in_dim3A_3 {strides = array<i32>} : memref<8192xf32, #tpu.memory_space<vmem>>, vector<16xf32>,
    %swap3A_477 = arith.constant 3776 : index
    %swap3A_478 = tpu.vector_load %arg5[%swap3A_477] {strides = array<i32>} : memref<8192xf32, #tpu.memory_space<vmem>>, vector<16xf32>,
    tpu.vector_store %arg5[%swap3A_477], %broadcast_in_dim3A_3 {strides = array<i32>} : memref<8192xf32, #tpu.memory_space<vmem>>, vector<16xf32>,
    %swap3A_479 = arith.constant 3792 : index
    %swap3A_480 = tpu.vector_load %arg5[%swap3A_479] {strides = array<i32>} : memref<8192xf32, #tpu.memory_space<vmem>>, vector<16xf32>,
    tpu.vector_store %arg5[%swap3A_479], %broadcast_in_dim3A_3 {strides = array<i32>} : memref<8192xf32, #tpu.memory_space<vmem>>, vector<16xf32>,
    %swap3A_481 = arith.constant 3808 : index
    %swap3A_482 = tpu.vector_load %arg5[%swap3A_481] {strides = array<i32>} : memref<8192xf32, #tpu.memory_space<vmem>>, vector<16xf32>,
    tpu.vector_store %arg5[%swap3A_481], %broadcast_in_dim3A_3 {strides = array<i32>} : memref<8192xf32, #tpu.memory_space<vmem>>, vector<16xf32>,
    %swap3A_483 = arith.constant 3824 : index
    %swap3A_484 = tpu.vector_load %arg5[%swap3A_483] {strides = array<i32>} : memref<8192xf32, #tpu.memory_space<vmem>>, vector<16xf32>,
    tpu.vector_store %arg5[%swap3A_483], %broadcast_in_dim3A_3 {strides = array<i32>} : memref<8192xf32, #tpu.memory_space<vmem>>, vector<16xf32>,
    %swap3A_485 = arith.constant 3840 : index
    %swap3A_486 = tpu.vector_load %arg5[%swap3A_485] {strides = array<i32>} : memref<8192xf32, #tpu.memory_space<vmem>>, vector<16xf32>,
    tpu.vector_store %arg5[%swap3A_485], %broadcast_in_dim3A_3 {strides = array<i32>} : memref<8192xf32, #tpu.memory_space<vmem>>, vector<16xf32>,
    %swap3A_487 = arith.constant 3856 : index
    %swap3A_488 = tpu.vector_load %arg5[%swap3A_487] {strides = array<i32>} : memref<8192xf32, #tpu.memory_space<vmem>>, vector<16xf32>,
    tpu.vector_store %arg5[%swap3A_487], %broadcast_in_dim3A_3 {strides = array<i32>} : memref<8192xf32, #tpu.memory_space<vmem>>, vector<16xf32>,
    %swap3A_489 = arith.constant 3872 : index
    %swap3A_490 = tpu.vector_load %arg5[%swap3A_489] {strides = array<i32>} : memref<8192xf32, #tpu.memory_space<vmem>>, vector<16xf32>,
    tpu.vector_store %arg5[%swap3A_489], %broadcast_in_dim3A_3 {strides = array<i32>} : memref<8192xf32, #tpu.memory_space<vmem>>, vector<16xf32>,
    %swap3A_491 = arith.constant 3888 : index
    %swap3A_492 = tpu.vector_load %arg5[%swap3A_491] {strides = array<i32>} : memref<8192xf32, #tpu.memory_space<vmem>>, vector<16xf32>,
    tpu.vector_store %arg5[%swap3A_491], %broadcast_in_dim3A_3 {strides = array<i32>} : memref<8192xf32, #tpu.memory_space<vmem>>, vector<16xf32>,
    %swap3A_493 = arith.constant 3904 : index
    %swap3A_494 = tpu.vector_load %arg5[%swap3A_493] {strides = array<i32>} : memref<8192xf32, #tpu.memory_space<vmem>>, vector<16xf32>,
    tpu.vector_store %arg5[%swap3A_493], %broadcast_in_dim3A_3 {strides = array<i32>} : memref<8192xf32, #tpu.memory_space<vmem>>, vector<16xf32>,
    %swap3A_495 = arith.constant 3920 : index
    %swap3A_496 = tpu.vector_load %arg5[%swap3A_495] {strides = array<i32>} : memref<8192xf32, #tpu.memory_space<vmem>>, vector<16xf32>,
    tpu.vector_store %arg5[%swap3A_495], %broadcast_in_dim3A_3 {strides = array<i32>} : memref<8192xf32, #tpu.memory_space<vmem>>, vector<16xf32>,
    %swap3A_497 = arith.constant 3936 : index
    %swap3A_498 = tpu.vector_load %arg5[%swap3A_497] {strides = array<i32>} : memref<8192xf32, #tpu.memory_space<vmem>>, vector<16xf32>,
    tpu.vector_store %arg5[%swap3A_497], %broadcast_in_dim3A_3 {strides = array<i32>} : memref<8192xf32, #tpu.memory_space<vmem>>, vector<16xf32>,
    %swap3A_499 = arith.constant 3952 : index
    %swap3A_500 = tpu.vector_load %arg5[%swap3A_499] {strides = array<i32>} : memref<8192xf32, #tpu.memory_space<vmem>>, vector<16xf32>,
    tpu.vector_store %arg5[%swap3A_499], %broadcast_in_dim3A_3 {strides = array<i32>} : memref<8192xf32, #tpu.memory_space<vmem>>, vector<16xf32>,
    %swap3A_501 = arith.constant 3968 : index
    %swap3A_502 = tpu.vector_load %arg5[%swap3A_501] {strides = array<i32>} : memref<8192xf32, #tpu.memory_space<vmem>>, vector<16xf32>,
    tpu.vector_store %arg5[%swap3A_501], %broadcast_in_dim3A_3 {strides = array<i32>} : memref<8192xf32, #tpu.memory_space<vmem>>, vector<16xf32>,
    %swap3A_503 = arith.constant 3984 : index
    %swap3A_504 = tpu.vector_load %arg5[%swap3A_503] {strides = array<i32>} : memref<8192xf32, #tpu.memory_space<vmem>>, vector<16xf32>,
    tpu.vector_store %arg5[%swap3A_503], %broadcast_in_dim3A_3 {strides = array<i32>} : memref<8192xf32, #tpu.memory_space<vmem>>, vector<16xf32>,
    %swap3A_505 = arith.constant 4000 : index
    %swap3A_506 = tpu.vector_load %arg5[%swap3A_505] {strides = array<i32>} : memref<8192xf32, #tpu.memory_space<vmem>>, vector<16xf32>,
    tpu.vector_store %arg5[%swap3A_505], %broadcast_in_dim3A_3 {strides = array<i32>} : memref<8192xf32, #tpu.memory_space<vmem>>, vector<16xf32>,
    %swap3A_507 = arith.constant 4016 : index
    %swap3A_508 = tpu.vector_load %arg5[%swap3A_507] {strides = array<i32>} : memref<8192xf32, #tpu.memory_space<vmem>>, vector<16xf32>,
    tpu.vector_store %arg5[%swap3A_507], %broadcast_in_dim3A_3 {strides = array<i32>} : memref<8192xf32, #tpu.memory_space<vmem>>, vector<16xf32>,
    %swap3A_509 = arith.constant 4032 : index
    %swap3A_510 = tpu.vector_load %arg5[%swap3A_509] {strides = array<i32>} : memref<8192xf32, #tpu.memory_space<vmem>>, vector<16xf32>,
    tpu.vector_store %arg5[%swap3A_509], %broadcast_in_dim3A_3 {strides = array<i32>} : memref<8192xf32, #tpu.memory_space<vmem>>, vector<16xf32>,
    %swap3A_511 = arith.constant 4048 : index
    %swap3A_512 = tpu.vector_load %arg5[%swap3A_511] {strides = array<i32>} : memref<8192xf32, #tpu.memory_space<vmem>>, vector<16xf32>,
    tpu.vector_store %arg5[%swap3A_511], %broadcast_in_dim3A_3 {strides = array<i32>} : memref<8192xf32, #tpu.memory_space<vmem>>, vector<16xf32>,
    %swap3A_513 = arith.constant 4064 : index
    %swap3A_514 = tpu.vector_load %arg5[%swap3A_513] {strides = array<i32>} : memref<8192xf32, #tpu.memory_space<vmem>>, vector<16xf32>,
    tpu.vector_store %arg5[%swap3A_513], %broadcast_in_dim3A_3 {strides = array<i32>} : memref<8192xf32, #tpu.memory_space<vmem>>, vector<16xf32>,
    %swap3A_515 = arith.constant 4080 : index
    %swap3A_516 = tpu.vector_load %arg5[%swap3A_515] {strides = array<i32>} : memref<8192xf32, #tpu.memory_space<vmem>>, vector<16xf32>,
    tpu.vector_store %arg5[%swap3A_515], %broadcast_in_dim3A_3 {strides = array<i32>} : memref<8192xf32, #tpu.memory_space<vmem>>, vector<16xf32>,
    %swap3A_517 = arith.constant 4096 : index
    %swap3A_518 = tpu.vector_load %arg5[%swap3A_517] {strides = array<i32>} : memref<8192xf32, #tpu.memory_space<vmem>>, vector<16xf32>,
    tpu.vector_store %arg5[%swap3A_517], %broadcast_in_dim3A_3 {strides = array<i32>} : memref<8192xf32, #tpu.memory_space<vmem>>, vector<16xf32>,
    %swap3A_519 = arith.constant 4112 : index
    %swap3A_520 = tpu.vector_load %arg5[%swap3A_519] {strides = array<i32>} : memref<8192xf32, #tpu.memory_space<vmem>>, vector<16xf32>,
    tpu.vector_store %arg5[%swap3A_519], %broadcast_in_dim3A_3 {strides = array<i32>} : memref<8192xf32, #tpu.memory_space<vmem>>, vector<16xf32>,
    %swap3A_521 = arith.constant 4128 : index
    %swap3A_522 = tpu.vector_load %arg5[%swap3A_521] {strides = array<i32>} : memref<8192xf32, #tpu.memory_space<vmem>>, vector<16xf32>,
    tpu.vector_store %arg5[%swap3A_521], %broadcast_in_dim3A_3 {strides = array<i32>} : memref<8192xf32, #tpu.memory_space<vmem>>, vector<16xf32>,
    %swap3A_523 = arith.constant 4144 : index
    %swap3A_524 = tpu.vector_load %arg5[%swap3A_523] {strides = array<i32>} : memref<8192xf32, #tpu.memory_space<vmem>>, vector<16xf32>,
    tpu.vector_store %arg5[%swap3A_523], %broadcast_in_dim3A_3 {strides = array<i32>} : memref<8192xf32, #tpu.memory_space<vmem>>, vector<16xf32>,
    %swap3A_525 = arith.constant 4160 : index
    %swap3A_526 = tpu.vector_load %arg5[%swap3A_525] {strides = array<i32>} : memref<8192xf32, #tpu.memory_space<vmem>>, vector<16xf32>,
    tpu.vector_store %arg5[%swap3A_525], %broadcast_in_dim3A_3 {strides = array<i32>} : memref<8192xf32, #tpu.memory_space<vmem>>, vector<16xf32>,
    %swap3A_527 = arith.constant 4176 : index
    %swap3A_528 = tpu.vector_load %arg5[%swap3A_527] {strides = array<i32>} : memref<8192xf32, #tpu.memory_space<vmem>>, vector<16xf32>,
    tpu.vector_store %arg5[%swap3A_527], %broadcast_in_dim3A_3 {strides = array<i32>} : memref<8192xf32, #tpu.memory_space<vmem>>, vector<16xf32>,
    %swap3A_529 = arith.constant 4192 : index
    %swap3A_530 = tpu.vector_load %arg5[%swap3A_529] {strides = array<i32>} : memref<8192xf32, #tpu.memory_space<vmem>>, vector<16xf32>,
    tpu.vector_store %arg5[%swap3A_529], %broadcast_in_dim3A_3 {strides = array<i32>} : memref<8192xf32, #tpu.memory_space<vmem>>, vector<16xf32>,
    %swap3A_531 = arith.constant 4208 : index
    %swap3A_532 = tpu.vector_load %arg5[%swap3A_531] {strides = array<i32>} : memref<8192xf32, #tpu.memory_space<vmem>>, vector<16xf32>,
    tpu.vector_store %arg5[%swap3A_531], %broadcast_in_dim3A_3 {strides = array<i32>} : memref<8192xf32, #tpu.memory_space<vmem>>, vector<16xf32>,
    %swap3A_533 = arith.constant 4224 : index
    %swap3A_534 = tpu.vector_load %arg5[%swap3A_533] {strides = array<i32>} : memref<8192xf32, #tpu.memory_space<vmem>>, vector<16xf32>,
    tpu.vector_store %arg5[%swap3A_533], %broadcast_in_dim3A_3 {strides = array<i32>} : memref<8192xf32, #tpu.memory_space<vmem>>, vector<16xf32>,
    %swap3A_535 = arith.constant 4240 : index
    %swap3A_536 = tpu.vector_load %arg5[%swap3A_535] {strides = array<i32>} : memref<8192xf32, #tpu.memory_space<vmem>>, vector<16xf32>,
    tpu.vector_store %arg5[%swap3A_535], %broadcast_in_dim3A_3 {strides = array<i32>} : memref<8192xf32, #tpu.memory_space<vmem>>, vector<16xf32>,
    %swap3A_537 = arith.constant 4256 : index
    %swap3A_538 = tpu.vector_load %arg5[%swap3A_537] {strides = array<i32>} : memref<8192xf32, #tpu.memory_space<vmem>>, vector<16xf32>,
    tpu.vector_store %arg5[%swap3A_537], %broadcast_in_dim3A_3 {strides = array<i32>} : memref<8192xf32, #tpu.memory_space<vmem>>, vector<16xf32>,
    %swap3A_539 = arith.constant 4272 : index
    %swap3A_540 = tpu.vector_load %arg5[%swap3A_539] {strides = array<i32>} : memref<8192xf32, #tpu.memory_space<vmem>>, vector<16xf32>,
    tpu.vector_store %arg5[%swap3A_539], %broadcast_in_dim3A_3 {strides = array<i32>} : memref<8192xf32, #tpu.memory_space<vmem>>, vector<16xf32>,
    %swap3A_541 = arith.constant 4288 : index
    %swap3A_542 = tpu.vector_load %arg5[%swap3A_541] {strides = array<i32>} : memref<8192xf32, #tpu.memory_space<vmem>>, vector<16xf32>,
    tpu.vector_store %arg5[%swap3A_541], %broadcast_in_dim3A_3 {strides = array<i32>} : memref<8192xf32, #tpu.memory_space<vmem>>, vector<16xf32>,
    %swap3A_543 = arith.constant 4304 : index
    %swap3A_544 = tpu.vector_load %arg5[%swap3A_543] {strides = array<i32>} : memref<8192xf32, #tpu.memory_space<vmem>>, vector<16xf32>,
    tpu.vector_store %arg5[%swap3A_543], %broadcast_in_dim3A_3 {strides = array<i32>} : memref<8192xf32, #tpu.memory_space<vmem>>, vector<16xf32>,
    %swap3A_545 = arith.constant 4320 : index
    %swap3A_546 = tpu.vector_load %arg5[%swap3A_545] {strides = array<i32>} : memref<8192xf32, #tpu.memory_space<vmem>>, vector<16xf32>,
    tpu.vector_store %arg5[%swap3A_545], %broadcast_in_dim3A_3 {strides = array<i32>} : memref<8192xf32, #tpu.memory_space<vmem>>, vector<16xf32>,
    %swap3A_547 = arith.constant 4336 : index
    %swap3A_548 = tpu.vector_load %arg5[%swap3A_547] {strides = array<i32>} : memref<8192xf32, #tpu.memory_space<vmem>>, vector<16xf32>,
    tpu.vector_store %arg5[%swap3A_547], %broadcast_in_dim3A_3 {strides = array<i32>} : memref<8192xf32, #tpu.memory_space<vmem>>, vector<16xf32>,
    %swap3A_549 = arith.constant 4352 : index
    %swap3A_550 = tpu.vector_load %arg5[%swap3A_549] {strides = array<i32>} : memref<8192xf32, #tpu.memory_space<vmem>>, vector<16xf32>,
    tpu.vector_store %arg5[%swap3A_549], %broadcast_in_dim3A_3 {strides = array<i32>} : memref<8192xf32, #tpu.memory_space<vmem>>, vector<16xf32>,
    %swap3A_551 = arith.constant 4368 : index
    %swap3A_552 = tpu.vector_load %arg5[%swap3A_551] {strides = array<i32>} : memref<8192xf32, #tpu.memory_space<vmem>>, vector<16xf32>,
    tpu.vector_store %arg5[%swap3A_551], %broadcast_in_dim3A_3 {strides = array<i32>} : memref<8192xf32, #tpu.memory_space<vmem>>, vector<16xf32>,
    %swap3A_553 = arith.constant 4384 : index
    %swap3A_554 = tpu.vector_load %arg5[%swap3A_553] {strides = array<i32>} : memref<8192xf32, #tpu.memory_space<vmem>>, vector<16xf32>,
    tpu.vector_store %arg5[%swap3A_553], %broadcast_in_dim3A_3 {strides = array<i32>} : memref<8192xf32, #tpu.memory_space<vmem>>, vector<16xf32>,
    %swap3A_555 = arith.constant 4400 : index
    %swap3A_556 = tpu.vector_load %arg5[%swap3A_555] {strides = array<i32>} : memref<8192xf32, #tpu.memory_space<vmem>>, vector<16xf32>,
    tpu.vector_store %arg5[%swap3A_555], %broadcast_in_dim3A_3 {strides = array<i32>} : memref<8192xf32, #tpu.memory_space<vmem>>, vector<16xf32>,
    %swap3A_557 = arith.constant 4416 : index
    %swap3A_558 = tpu.vector_load %arg5[%swap3A_557] {strides = array<i32>} : memref<8192xf32, #tpu.memory_space<vmem>>, vector<16xf32>,
    tpu.vector_store %arg5[%swap3A_557], %broadcast_in_dim3A_3 {strides = array<i32>} : memref<8192xf32, #tpu.memory_space<vmem>>, vector<16xf32>,
    %swap3A_559 = arith.constant 4432 : index
    %swap3A_560 = tpu.vector_load %arg5[%swap3A_559] {strides = array<i32>} : memref<8192xf32, #tpu.memory_space<vmem>>, vector<16xf32>,
    tpu.vector_store %arg5[%swap3A_559], %broadcast_in_dim3A_3 {strides = array<i32>} : memref<8192xf32, #tpu.memory_space<vmem>>, vector<16xf32>,
    %swap3A_561 = arith.constant 4448 : index
    %swap3A_562 = tpu.vector_load %arg5[%swap3A_561] {strides = array<i32>} : memref<8192xf32, #tpu.memory_space<vmem>>, vector<16xf32>,
    tpu.vector_store %arg5[%swap3A_561], %broadcast_in_dim3A_3 {strides = array<i32>} : memref<8192xf32, #tpu.memory_space<vmem>>, vector<16xf32>,
    %swap3A_563 = arith.constant 4464 : index
    %swap3A_564 = tpu.vector_load %arg5[%swap3A_563] {strides = array<i32>} : memref<8192xf32, #tpu.memory_space<vmem>>, vector<16xf32>,
    tpu.vector_store %arg5[%swap3A_563], %broadcast_in_dim3A_3 {strides = array<i32>} : memref<8192xf32, #tpu.memory_space<vmem>>, vector<16xf32>,
    %swap3A_565 = arith.constant 4480 : index
    %swap3A_566 = tpu.vector_load %arg5[%swap3A_565] {strides = array<i32>} : memref<8192xf32, #tpu.memory_space<vmem>>, vector<16xf32>,
    tpu.vector_store %arg5[%swap3A_565], %broadcast_in_dim3A_3 {strides = array<i32>} : memref<8192xf32, #tpu.memory_space<vmem>>, vector<16xf32>,
    %swap3A_567 = arith.constant 4496 : index
    %swap3A_568 = tpu.vector_load %arg5[%swap3A_567] {strides = array<i32>} : memref<8192xf32, #tpu.memory_space<vmem>>, vector<16xf32>,
    tpu.vector_store %arg5[%swap3A_567], %broadcast_in_dim3A_3 {strides = array<i32>} : memref<8192xf32, #tpu.memory_space<vmem>>, vector<16xf32>,
    %swap3A_569 = arith.constant 4512 : index
    %swap3A_570 = tpu.vector_load %arg5[%swap3A_569] {strides = array<i32>} : memref<8192xf32, #tpu.memory_space<vmem>>, vector<16xf32>,
    tpu.vector_store %arg5[%swap3A_569], %broadcast_in_dim3A_3 {strides = array<i32>} : memref<8192xf32, #tpu.memory_space<vmem>>, vector<16xf32>,
    %swap3A_571 = arith.constant 4528 : index
    %swap3A_572 = tpu.vector_load %arg5[%swap3A_571] {strides = array<i32>} : memref<8192xf32, #tpu.memory_space<vmem>>, vector<16xf32>,
    tpu.vector_store %arg5[%swap3A_571], %broadcast_in_dim3A_3 {strides = array<i32>} : memref<8192xf32, #tpu.memory_space<vmem>>, vector<16xf32>,
    %swap3A_573 = arith.constant 4544 : index
    %swap3A_574 = tpu.vector_load %arg5[%swap3A_573] {strides = array<i32>} : memref<8192xf32, #tpu.memory_space<vmem>>, vector<16xf32>,
    tpu.vector_store %arg5[%swap3A_573], %broadcast_in_dim3A_3 {strides = array<i32>} : memref<8192xf32, #tpu.memory_space<vmem>>, vector<16xf32>,
    %swap3A_575 = arith.constant 4560 : index
    %swap3A_576 = tpu.vector_load %arg5[%swap3A_575] {strides = array<i32>} : memref<8192xf32, #tpu.memory_space<vmem>>, vector<16xf32>,
    tpu.vector_store %arg5[%swap3A_575], %broadcast_in_dim3A_3 {strides = array<i32>} : memref<8192xf32, #tpu.memory_space<vmem>>, vector<16xf32>,
    %swap3A_577 = arith.constant 4576 : index
    %swap3A_578 = tpu.vector_load %arg5[%swap3A_577] {strides = array<i32>} : memref<8192xf32, #tpu.memory_space<vmem>>, vector<16xf32>,
    tpu.vector_store %arg5[%swap3A_577], %broadcast_in_dim3A_3 {strides = array<i32>} : memref<8192xf32, #tpu.memory_space<vmem>>, vector<16xf32>,
    %swap3A_579 = arith.constant 4592 : index
    %swap3A_580 = tpu.vector_load %arg5[%swap3A_579] {strides = array<i32>} : memref<8192xf32, #tpu.memory_space<vmem>>, vector<16xf32>,
    tpu.vector_store %arg5[%swap3A_579], %broadcast_in_dim3A_3 {strides = array<i32>} : memref<8192xf32, #tpu.memory_space<vmem>>, vector<16xf32>,
    %swap3A_581 = arith.constant 4608 : index
    %swap3A_582 = tpu.vector_load %arg5[%swap3A_581] {strides = array<i32>} : memref<8192xf32, #tpu.memory_space<vmem>>, vector<16xf32>,
    tpu.vector_store %arg5[%swap3A_581], %broadcast_in_dim3A_3 {strides = array<i32>} : memref<8192xf32, #tpu.memory_space<vmem>>, vector<16xf32>,
    %swap3A_583 = arith.constant 4624 : index
    %swap3A_584 = tpu.vector_load %arg5[%swap3A_583] {strides = array<i32>} : memref<8192xf32, #tpu.memory_space<vmem>>, vector<16xf32>,
    tpu.vector_store %arg5[%swap3A_583], %broadcast_in_dim3A_3 {strides = array<i32>} : memref<8192xf32, #tpu.memory_space<vmem>>, vector<16xf32>,
    %swap3A_585 = arith.constant 4640 : index
    %swap3A_586 = tpu.vector_load %arg5[%swap3A_585] {strides = array<i32>} : memref<8192xf32, #tpu.memory_space<vmem>>, vector<16xf32>,
    tpu.vector_store %arg5[%swap3A_585], %broadcast_in_dim3A_3 {strides = array<i32>} : memref<8192xf32, #tpu.memory_space<vmem>>, vector<16xf32>,
    %swap3A_587 = arith.constant 4656 : index
    %swap3A_588 = tpu.vector_load %arg5[%swap3A_587] {strides = array<i32>} : memref<8192xf32, #tpu.memory_space<vmem>>, vector<16xf32>,
    tpu.vector_store %arg5[%swap3A_587], %broadcast_in_dim3A_3 {strides = array<i32>} : memref<8192xf32, #tpu.memory_space<vmem>>, vector<16xf32>,
    %swap3A_589 = arith.constant 4672 : index
    %swap3A_590 = tpu.vector_load %arg5[%swap3A_589] {strides = array<i32>} : memref<8192xf32, #tpu.memory_space<vmem>>, vector<16xf32>,
    tpu.vector_store %arg5[%swap3A_589], %broadcast_in_dim3A_3 {strides = array<i32>} : memref<8192xf32, #tpu.memory_space<vmem>>, vector<16xf32>,
    %swap3A_591 = arith.constant 4688 : index
    %swap3A_592 = tpu.vector_load %arg5[%swap3A_591] {strides = array<i32>} : memref<8192xf32, #tpu.memory_space<vmem>>, vector<16xf32>,
    tpu.vector_store %arg5[%swap3A_591], %broadcast_in_dim3A_3 {strides = array<i32>} : memref<8192xf32, #tpu.memory_space<vmem>>, vector<16xf32>,
    %swap3A_593 = arith.constant 4704 : index
    %swap3A_594 = tpu.vector_load %arg5[%swap3A_593] {strides = array<i32>} : memref<8192xf32, #tpu.memory_space<vmem>>, vector<16xf32>,
    tpu.vector_store %arg5[%swap3A_593], %broadcast_in_dim3A_3 {strides = array<i32>} : memref<8192xf32, #tpu.memory_space<vmem>>, vector<16xf32>,
    %swap3A_595 = arith.constant 4720 : index
    %swap3A_596 = tpu.vector_load %arg5[%swap3A_595] {strides = array<i32>} : memref<8192xf32, #tpu.memory_space<vmem>>, vector<16xf32>,
    tpu.vector_store %arg5[%swap3A_595], %broadcast_in_dim3A_3 {strides = array<i32>} : memref<8192xf32, #tpu.memory_space<vmem>>, vector<16xf32>,
    %swap3A_597 = arith.constant 4736 : index
    %swap3A_598 = tpu.vector_load %arg5[%swap3A_597] {strides = array<i32>} : memref<8192xf32, #tpu.memory_space<vmem>>, vector<16xf32>,
    tpu.vector_store %arg5[%swap3A_597], %broadcast_in_dim3A_3 {strides = array<i32>} : memref<8192xf32, #tpu.memory_space<vmem>>, vector<16xf32>,
    %swap3A_599 = arith.constant 4752 : index
    %swap3A_600 = tpu.vector_load %arg5[%swap3A_599] {strides = array<i32>} : memref<8192xf32, #tpu.memory_space<vmem>>, vector<16xf32>,
    tpu.vector_store %arg5[%swap3A_599], %broadcast_in_dim3A_3 {strides = array<i32>} : memref<8192xf32, #tpu.memory_space<vmem>>, vector<16xf32>,
    %swap3A_601 = arith.constant 4768 : index
    %swap3A_602 = tpu.vector_load %arg5[%swap3A_601] {strides = array<i32>} : memref<8192xf32, #tpu.memory_space<vmem>>, vector<16xf32>,
    tpu.vector_store %arg5[%swap3A_601], %broadcast_in_dim3A_3 {strides = array<i32>} : memref<8192xf32, #tpu.memory_space<vmem>>, vector<16xf32>,
    %swap3A_603 = arith.constant 4784 : index
    %swap3A_604 = tpu.vector_load %arg5[%swap3A_603] {strides = array<i32>} : memref<8192xf32, #tpu.memory_space<vmem>>, vector<16xf32>,
    tpu.vector_store %arg5[%swap3A_603], %broadcast_in_dim3A_3 {strides = array<i32>} : memref<8192xf32, #tpu.memory_space<vmem>>, vector<16xf32>,
    %swap3A_605 = arith.constant 4800 : index
    %swap3A_606 = tpu.vector_load %arg5[%swap3A_605] {strides = array<i32>} : memref<8192xf32, #tpu.memory_space<vmem>>, vector<16xf32>,
    tpu.vector_store %arg5[%swap3A_605], %broadcast_in_dim3A_3 {strides = array<i32>} : memref<8192xf32, #tpu.memory_space<vmem>>, vector<16xf32>,
    %swap3A_607 = arith.constant 4816 : index
    %swap3A_608 = tpu.vector_load %arg5[%swap3A_607] {strides = array<i32>} : memref<8192xf32, #tpu.memory_space<vmem>>, vector<16xf32>,
    tpu.vector_store %arg5[%swap3A_607], %broadcast_in_dim3A_3 {strides = array<i32>} : memref<8192xf32, #tpu.memory_space<vmem>>, vector<16xf32>,
    %swap3A_609 = arith.constant 4832 : index
    %swap3A_610 = tpu.vector_load %arg5[%swap3A_609] {strides = array<i32>} : memref<8192xf32, #tpu.memory_space<vmem>>, vector<16xf32>,
    tpu.vector_store %arg5[%swap3A_609], %broadcast_in_dim3A_3 {strides = array<i32>} : memref<8192xf32, #tpu.memory_space<vmem>>, vector<16xf32>,
    %swap3A_611 = arith.constant 4848 : index
    %swap3A_612 = tpu.vector_load %arg5[%swap3A_611] {strides = array<i32>} : memref<8192xf32, #tpu.memory_space<vmem>>, vector<16xf32>,
    tpu.vector_store %arg5[%swap3A_611], %broadcast_in_dim3A_3 {strides = array<i32>} : memref<8192xf32, #tpu.memory_space<vmem>>, vector<16xf32>,
    %swap3A_613 = arith.constant 4864 : index
    %swap3A_614 = tpu.vector_load %arg5[%swap3A_613] {strides = array<i32>} : memref<8192xf32, #tpu.memory_space<vmem>>, vector<16xf32>,
    tpu.vector_store %arg5[%swap3A_613], %broadcast_in_dim3A_3 {strides = array<i32>} : memref<8192xf32, #tpu.memory_space<vmem>>, vector<16xf32>,
    %swap3A_615 = arith.constant 4880 : index
    %swap3A_616 = tpu.vector_load %arg5[%swap3A_615] {strides = array<i32>} : memref<8192xf32, #tpu.memory_space<vmem>>, vector<16xf32>,
    tpu.vector_store %arg5[%swap3A_615], %broadcast_in_dim3A_3 {strides = array<i32>} : memref<8192xf32, #tpu.memory_space<vmem>>, vector<16xf32>,
    %swap3A_617 = arith.constant 4896 : index
    %swap3A_618 = tpu.vector_load %arg5[%swap3A_617] {strides = array<i32>} : memref<8192xf32, #tpu.memory_space<vmem>>, vector<16xf32>,
    tpu.vector_store %arg5[%swap3A_617], %broadcast_in_dim3A_3 {strides = array<i32>} : memref<8192xf32, #tpu.memory_space<vmem>>, vector<16xf32>,
    %swap3A_619 = arith.constant 4912 : index
    %swap3A_620 = tpu.vector_load %arg5[%swap3A_619] {strides = array<i32>} : memref<8192xf32, #tpu.memory_space<vmem>>, vector<16xf32>,
    tpu.vector_store %arg5[%swap3A_619], %broadcast_in_dim3A_3 {strides = array<i32>} : memref<8192xf32, #tpu.memory_space<vmem>>, vector<16xf32>,
    %swap3A_621 = arith.constant 4928 : index
    %swap3A_622 = tpu.vector_load %arg5[%swap3A_621] {strides = array<i32>} : memref<8192xf32, #tpu.memory_space<vmem>>, vector<16xf32>,
    tpu.vector_store %arg5[%swap3A_621], %broadcast_in_dim3A_3 {strides = array<i32>} : memref<8192xf32, #tpu.memory_space<vmem>>, vector<16xf32>,
    %swap3A_623 = arith.constant 4944 : index
    %swap3A_624 = tpu.vector_load %arg5[%swap3A_623] {strides = array<i32>} : memref<8192xf32, #tpu.memory_space<vmem>>, vector<16xf32>,
    tpu.vector_store %arg5[%swap3A_623], %broadcast_in_dim3A_3 {strides = array<i32>} : memref<8192xf32, #tpu.memory_space<vmem>>, vector<16xf32>,
    %swap3A_625 = arith.constant 4960 : index
    %swap3A_626 = tpu.vector_load %arg5[%swap3A_625] {strides = array<i32>} : memref<8192xf32, #tpu.memory_space<vmem>>, vector<16xf32>,
    tpu.vector_store %arg5[%swap3A_625], %broadcast_in_dim3A_3 {strides = array<i32>} : memref<8192xf32, #tpu.memory_space<vmem>>, vector<16xf32>,
    %swap3A_627 = arith.constant 4976 : index
    %swap3A_628 = tpu.vector_load %arg5[%swap3A_627] {strides = array<i32>} : memref<8192xf32, #tpu.memory_space<vmem>>, vector<16xf32>,
    tpu.vector_store %arg5[%swap3A_627], %broadcast_in_dim3A_3 {strides = array<i32>} : memref<8192xf32, #tpu.memory_space<vmem>>, vector<16xf32>,
    %swap3A_629 = arith.constant 4992 : index
    %swap3A_630 = tpu.vector_load %arg5[%swap3A_629] {strides = array<i32>} : memref<8192xf32, #tpu.memory_space<vmem>>, vector<16xf32>,
    tpu.vector_store %arg5[%swap3A_629], %broadcast_in_dim3A_3 {strides = array<i32>} : memref<8192xf32, #tpu.memory_space<vmem>>, vector<16xf32>,
    %swap3A_631 = arith.constant 5008 : index
    %swap3A_632 = tpu.vector_load %arg5[%swap3A_631] {strides = array<i32>} : memref<8192xf32, #tpu.memory_space<vmem>>, vector<16xf32>,
    tpu.vector_store %arg5[%swap3A_631], %broadcast_in_dim3A_3 {strides = array<i32>} : memref<8192xf32, #tpu.memory_space<vmem>>, vector<16xf32>,
    %swap3A_633 = arith.constant 5024 : index
    %swap3A_634 = tpu.vector_load %arg5[%swap3A_633] {strides = array<i32>} : memref<8192xf32, #tpu.memory_space<vmem>>, vector<16xf32>,
    tpu.vector_store %arg5[%swap3A_633], %broadcast_in_dim3A_3 {strides = array<i32>} : memref<8192xf32, #tpu.memory_space<vmem>>, vector<16xf32>,
    %swap3A_635 = arith.constant 5040 : index
    %swap3A_636 = tpu.vector_load %arg5[%swap3A_635] {strides = array<i32>} : memref<8192xf32, #tpu.memory_space<vmem>>, vector<16xf32>,
    tpu.vector_store %arg5[%swap3A_635], %broadcast_in_dim3A_3 {strides = array<i32>} : memref<8192xf32, #tpu.memory_space<vmem>>, vector<16xf32>,
    %swap3A_637 = arith.constant 5056 : index
    %swap3A_638 = tpu.vector_load %arg5[%swap3A_637] {strides = array<i32>} : memref<8192xf32, #tpu.memory_space<vmem>>, vector<16xf32>,
    tpu.vector_store %arg5[%swap3A_637], %broadcast_in_dim3A_3 {strides = array<i32>} : memref<8192xf32, #tpu.memory_space<vmem>>, vector<16xf32>,
    %swap3A_639 = arith.constant 5072 : index
    %swap3A_640 = tpu.vector_load %arg5[%swap3A_639] {strides = array<i32>} : memref<8192xf32, #tpu.memory_space<vmem>>, vector<16xf32>,
    tpu.vector_store %arg5[%swap3A_639], %broadcast_in_dim3A_3 {strides = array<i32>} : memref<8192xf32, #tpu.memory_space<vmem>>, vector<16xf32>,
    %swap3A_641 = arith.constant 5088 : index
    %swap3A_642 = tpu.vector_load %arg5[%swap3A_641] {strides = array<i32>} : memref<8192xf32, #tpu.memory_space<vmem>>, vector<16xf32>,
    tpu.vector_store %arg5[%swap3A_641], %broadcast_in_dim3A_3 {strides = array<i32>} : memref<8192xf32, #tpu.memory_space<vmem>>, vector<16xf32>,
    %swap3A_643 = arith.constant 5104 : index
    %swap3A_644 = tpu.vector_load %arg5[%swap3A_643] {strides = array<i32>} : memref<8192xf32, #tpu.memory_space<vmem>>, vector<16xf32>,
    tpu.vector_store %arg5[%swap3A_643], %broadcast_in_dim3A_3 {strides = array<i32>} : memref<8192xf32, #tpu.memory_space<vmem>>, vector<16xf32>,
    %swap3A_645 = arith.constant 5120 : index
    %swap3A_646 = tpu.vector_load %arg5[%swap3A_645] {strides = array<i32>} : memref<8192xf32, #tpu.memory_space<vmem>>, vector<16xf32>,
    tpu.vector_store %arg5[%swap3A_645], %broadcast_in_dim3A_3 {strides = array<i32>} : memref<8192xf32, #tpu.memory_space<vmem>>, vector<16xf32>,
    %swap3A_647 = arith.constant 5136 : index
    %swap3A_648 = tpu.vector_load %arg5[%swap3A_647] {strides = array<i32>} : memref<8192xf32, #tpu.memory_space<vmem>>, vector<16xf32>,
    tpu.vector_store %arg5[%swap3A_647], %broadcast_in_dim3A_3 {strides = array<i32>} : memref<8192xf32, #tpu.memory_space<vmem>>, vector<16xf32>,
    %swap3A_649 = arith.constant 5152 : index
    %swap3A_650 = tpu.vector_load %arg5[%swap3A_649] {strides = array<i32>} : memref<8192xf32, #tpu.memory_space<vmem>>, vector<16xf32>,
    tpu.vector_store %arg5[%swap3A_649], %broadcast_in_dim3A_3 {strides = array<i32>} : memref<8192xf32, #tpu.memory_space<vmem>>, vector<16xf32>,
    %swap3A_651 = arith.constant 5168 : index
    %swap3A_652 = tpu.vector_load %arg5[%swap3A_651] {strides = array<i32>} : memref<8192xf32, #tpu.memory_space<vmem>>, vector<16xf32>,
    tpu.vector_store %arg5[%swap3A_651], %broadcast_in_dim3A_3 {strides = array<i32>} : memref<8192xf32, #tpu.memory_space<vmem>>, vector<16xf32>,
    %swap3A_653 = arith.constant 5184 : index
    %swap3A_654 = tpu.vector_load %arg5[%swap3A_653] {strides = array<i32>} : memref<8192xf32, #tpu.memory_space<vmem>>, vector<16xf32>,
    tpu.vector_store %arg5[%swap3A_653], %broadcast_in_dim3A_3 {strides = array<i32>} : memref<8192xf32, #tpu.memory_space<vmem>>, vector<16xf32>,
    %swap3A_655 = arith.constant 5200 : index
    %swap3A_656 = tpu.vector_load %arg5[%swap3A_655] {strides = array<i32>} : memref<8192xf32, #tpu.memory_space<vmem>>, vector<16xf32>,
    tpu.vector_store %arg5[%swap3A_655], %broadcast_in_dim3A_3 {strides = array<i32>} : memref<8192xf32, #tpu.memory_space<vmem>>, vector<16xf32>,
    %swap3A_657 = arith.constant 5216 : index
    %swap3A_658 = tpu.vector_load %arg5[%swap3A_657] {strides = array<i32>} : memref<8192xf32, #tpu.memory_space<vmem>>, vector<16xf32>,
    tpu.vector_store %arg5[%swap3A_657], %broadcast_in_dim3A_3 {strides = array<i32>} : memref<8192xf32, #tpu.memory_space<vmem>>, vector<16xf32>,
    %swap3A_659 = arith.constant 5232 : index
    %swap3A_660 = tpu.vector_load %arg5[%swap3A_659] {strides = array<i32>} : memref<8192xf32, #tpu.memory_space<vmem>>, vector<16xf32>,
    tpu.vector_store %arg5[%swap3A_659], %broadcast_in_dim3A_3 {strides = array<i32>} : memref<8192xf32, #tpu.memory_space<vmem>>, vector<16xf32>,
    %swap3A_661 = arith.constant 5248 : index
    %swap3A_662 = tpu.vector_load %arg5[%swap3A_661] {strides = array<i32>} : memref<8192xf32, #tpu.memory_space<vmem>>, vector<16xf32>,
    tpu.vector_store %arg5[%swap3A_661], %broadcast_in_dim3A_3 {strides = array<i32>} : memref<8192xf32, #tpu.memory_space<vmem>>, vector<16xf32>,
    %swap3A_663 = arith.constant 5264 : index
    %swap3A_664 = tpu.vector_load %arg5[%swap3A_663] {strides = array<i32>} : memref<8192xf32, #tpu.memory_space<vmem>>, vector<16xf32>,
    tpu.vector_store %arg5[%swap3A_663], %broadcast_in_dim3A_3 {strides = array<i32>} : memref<8192xf32, #tpu.memory_space<vmem>>, vector<16xf32>,
    %swap3A_665 = arith.constant 5280 : index
    %swap3A_666 = tpu.vector_load %arg5[%swap3A_665] {strides = array<i32>} : memref<8192xf32, #tpu.memory_space<vmem>>, vector<16xf32>,
    tpu.vector_store %arg5[%swap3A_665], %broadcast_in_dim3A_3 {strides = array<i32>} : memref<8192xf32, #tpu.memory_space<vmem>>, vector<16xf32>,
    %swap3A_667 = arith.constant 5296 : index
    %swap3A_668 = tpu.vector_load %arg5[%swap3A_667] {strides = array<i32>} : memref<8192xf32, #tpu.memory_space<vmem>>, vector<16xf32>,
    tpu.vector_store %arg5[%swap3A_667], %broadcast_in_dim3A_3 {strides = array<i32>} : memref<8192xf32, #tpu.memory_space<vmem>>, vector<16xf32>,
    %swap3A_669 = arith.constant 5312 : index
    %swap3A_670 = tpu.vector_load %arg5[%swap3A_669] {strides = array<i32>} : memref<8192xf32, #tpu.memory_space<vmem>>, vector<16xf32>,
    tpu.vector_store %arg5[%swap3A_669], %broadcast_in_dim3A_3 {strides = array<i32>} : memref<8192xf32, #tpu.memory_space<vmem>>, vector<16xf32>,
    %swap3A_671 = arith.constant 5328 : index
    %swap3A_672 = tpu.vector_load %arg5[%swap3A_671] {strides = array<i32>} : memref<8192xf32, #tpu.memory_space<vmem>>, vector<16xf32>,
    tpu.vector_store %arg5[%swap3A_671], %broadcast_in_dim3A_3 {strides = array<i32>} : memref<8192xf32, #tpu.memory_space<vmem>>, vector<16xf32>,
    %swap3A_673 = arith.constant 5344 : index
    %swap3A_674 = tpu.vector_load %arg5[%swap3A_673] {strides = array<i32>} : memref<8192xf32, #tpu.memory_space<vmem>>, vector<16xf32>,
    tpu.vector_store %arg5[%swap3A_673], %broadcast_in_dim3A_3 {strides = array<i32>} : memref<8192xf32, #tpu.memory_space<vmem>>, vector<16xf32>,
    %swap3A_675 = arith.constant 5360 : index
    %swap3A_676 = tpu.vector_load %arg5[%swap3A_675] {strides = array<i32>} : memref<8192xf32, #tpu.memory_space<vmem>>, vector<16xf32>,
    tpu.vector_store %arg5[%swap3A_675], %broadcast_in_dim3A_3 {strides = array<i32>} : memref<8192xf32, #tpu.memory_space<vmem>>, vector<16xf32>,
    %swap3A_677 = arith.constant 5376 : index
    %swap3A_678 = tpu.vector_load %arg5[%swap3A_677] {strides = array<i32>} : memref<8192xf32, #tpu.memory_space<vmem>>, vector<16xf32>,
    tpu.vector_store %arg5[%swap3A_677], %broadcast_in_dim3A_3 {strides = array<i32>} : memref<8192xf32, #tpu.memory_space<vmem>>, vector<16xf32>,
    %swap3A_679 = arith.constant 5392 : index
    %swap3A_680 = tpu.vector_load %arg5[%swap3A_679] {strides = array<i32>} : memref<8192xf32, #tpu.memory_space<vmem>>, vector<16xf32>,
    tpu.vector_store %arg5[%swap3A_679], %broadcast_in_dim3A_3 {strides = array<i32>} : memref<8192xf32, #tpu.memory_space<vmem>>, vector<16xf32>,
    %swap3A_681 = arith.constant 5408 : index
    %swap3A_682 = tpu.vector_load %arg5[%swap3A_681] {strides = array<i32>} : memref<8192xf32, #tpu.memory_space<vmem>>, vector<16xf32>,
    tpu.vector_store %arg5[%swap3A_681], %broadcast_in_dim3A_3 {strides = array<i32>} : memref<8192xf32, #tpu.memory_space<vmem>>, vector<16xf32>,
    %swap3A_683 = arith.constant 5424 : index
    %swap3A_684 = tpu.vector_load %arg5[%swap3A_683] {strides = array<i32>} : memref<8192xf32, #tpu.memory_space<vmem>>, vector<16xf32>,
    tpu.vector_store %arg5[%swap3A_683], %broadcast_in_dim3A_3 {strides = array<i32>} : memref<8192xf32, #tpu.memory_space<vmem>>, vector<16xf32>,
    %swap3A_685 = arith.constant 5440 : index
    %swap3A_686 = tpu.vector_load %arg5[%swap3A_685] {strides = array<i32>} : memref<8192xf32, #tpu.memory_space<vmem>>, vector<16xf32>,
    tpu.vector_store %arg5[%swap3A_685], %broadcast_in_dim3A_3 {strides = array<i32>} : memref<8192xf32, #tpu.memory_space<vmem>>, vector<16xf32>,
    %swap3A_687 = arith.constant 5456 : index
    %swap3A_688 = tpu.vector_load %arg5[%swap3A_687] {strides = array<i32>} : memref<8192xf32, #tpu.memory_space<vmem>>, vector<16xf32>,
    tpu.vector_store %arg5[%swap3A_687], %broadcast_in_dim3A_3 {strides = array<i32>} : memref<8192xf32, #tpu.memory_space<vmem>>, vector<16xf32>,
    %swap3A_689 = arith.constant 5472 : index
    %swap3A_690 = tpu.vector_load %arg5[%swap3A_689] {strides = array<i32>} : memref<8192xf32, #tpu.memory_space<vmem>>, vector<16xf32>,
    tpu.vector_store %arg5[%swap3A_689], %broadcast_in_dim3A_3 {strides = array<i32>} : memref<8192xf32, #tpu.memory_space<vmem>>, vector<16xf32>,
    %swap3A_691 = arith.constant 5488 : index
    %swap3A_692 = tpu.vector_load %arg5[%swap3A_691] {strides = array<i32>} : memref<8192xf32, #tpu.memory_space<vmem>>, vector<16xf32>,
    tpu.vector_store %arg5[%swap3A_691], %broadcast_in_dim3A_3 {strides = array<i32>} : memref<8192xf32, #tpu.memory_space<vmem>>, vector<16xf32>,
    %swap3A_693 = arith.constant 5504 : index
    %swap3A_694 = tpu.vector_load %arg5[%swap3A_693] {strides = array<i32>} : memref<8192xf32, #tpu.memory_space<vmem>>, vector<16xf32>,
    tpu.vector_store %arg5[%swap3A_693], %broadcast_in_dim3A_3 {strides = array<i32>} : memref<8192xf32, #tpu.memory_space<vmem>>, vector<16xf32>,
    %swap3A_695 = arith.constant 5520 : index
    %swap3A_696 = tpu.vector_load %arg5[%swap3A_695] {strides = array<i32>} : memref<8192xf32, #tpu.memory_space<vmem>>, vector<16xf32>,
    tpu.vector_store %arg5[%swap3A_695], %broadcast_in_dim3A_3 {strides = array<i32>} : memref<8192xf32, #tpu.memory_space<vmem>>, vector<16xf32>,
    %swap3A_697 = arith.constant 5536 : index
    %swap3A_698 = tpu.vector_load %arg5[%swap3A_697] {strides = array<i32>} : memref<8192xf32, #tpu.memory_space<vmem>>, vector<16xf32>,
    tpu.vector_store %arg5[%swap3A_697], %broadcast_in_dim3A_3 {strides = array<i32>} : memref<8192xf32, #tpu.memory_space<vmem>>, vector<16xf32>,
    %swap3A_699 = arith.constant 5552 : index
    %swap3A_700 = tpu.vector_load %arg5[%swap3A_699] {strides = array<i32>} : memref<8192xf32, #tpu.memory_space<vmem>>, vector<16xf32>,
    tpu.vector_store %arg5[%swap3A_699], %broadcast_in_dim3A_3 {strides = array<i32>} : memref<8192xf32, #tpu.memory_space<vmem>>, vector<16xf32>,
    %swap3A_701 = arith.constant 5568 : index
    %swap3A_702 = tpu.vector_load %arg5[%swap3A_701] {strides = array<i32>} : memref<8192xf32, #tpu.memory_space<vmem>>, vector<16xf32>,
    tpu.vector_store %arg5[%swap3A_701], %broadcast_in_dim3A_3 {strides = array<i32>} : memref<8192xf32, #tpu.memory_space<vmem>>, vector<16xf32>,
    %swap3A_703 = arith.constant 5584 : index
    %swap3A_704 = tpu.vector_load %arg5[%swap3A_703] {strides = array<i32>} : memref<8192xf32, #tpu.memory_space<vmem>>, vector<16xf32>,
    tpu.vector_store %arg5[%swap3A_703], %broadcast_in_dim3A_3 {strides = array<i32>} : memref<8192xf32, #tpu.memory_space<vmem>>, vector<16xf32>,
    %swap3A_705 = arith.constant 5600 : index
    %swap3A_706 = tpu.vector_load %arg5[%swap3A_705] {strides = array<i32>} : memref<8192xf32, #tpu.memory_space<vmem>>, vector<16xf32>,
    tpu.vector_store %arg5[%swap3A_705], %broadcast_in_dim3A_3 {strides = array<i32>} : memref<8192xf32, #tpu.memory_space<vmem>>, vector<16xf32>,
    %swap3A_707 = arith.constant 5616 : index
    %swap3A_708 = tpu.vector_load %arg5[%swap3A_707] {strides = array<i32>} : memref<8192xf32, #tpu.memory_space<vmem>>, vector<16xf32>,
    tpu.vector_store %arg5[%swap3A_707], %broadcast_in_dim3A_3 {strides = array<i32>} : memref<8192xf32, #tpu.memory_space<vmem>>, vector<16xf32>,
    %swap3A_709 = arith.constant 5632 : index
    %swap3A_710 = tpu.vector_load %arg5[%swap3A_709] {strides = array<i32>} : memref<8192xf32, #tpu.memory_space<vmem>>, vector<16xf32>,
    tpu.vector_store %arg5[%swap3A_709], %broadcast_in_dim3A_3 {strides = array<i32>} : memref<8192xf32, #tpu.memory_space<vmem>>, vector<16xf32>,
    %swap3A_711 = arith.constant 5648 : index
    %swap3A_712 = tpu.vector_load %arg5[%swap3A_711] {strides = array<i32>} : memref<8192xf32, #tpu.memory_space<vmem>>, vector<16xf32>,
    tpu.vector_store %arg5[%swap3A_711], %broadcast_in_dim3A_3 {strides = array<i32>} : memref<8192xf32, #tpu.memory_space<vmem>>, vector<16xf32>,
    %swap3A_713 = arith.constant 5664 : index
    %swap3A_714 = tpu.vector_load %arg5[%swap3A_713] {strides = array<i32>} : memref<8192xf32, #tpu.memory_space<vmem>>, vector<16xf32>,
    tpu.vector_store %arg5[%swap3A_713], %broadcast_in_dim3A_3 {strides = array<i32>} : memref<8192xf32, #tpu.memory_space<vmem>>, vector<16xf32>,
    %swap3A_715 = arith.constant 5680 : index
    %swap3A_716 = tpu.vector_load %arg5[%swap3A_715] {strides = array<i32>} : memref<8192xf32, #tpu.memory_space<vmem>>, vector<16xf32>,
    tpu.vector_store %arg5[%swap3A_715], %broadcast_in_dim3A_3 {strides = array<i32>} : memref<8192xf32, #tpu.memory_space<vmem>>, vector<16xf32>,
    %swap3A_717 = arith.constant 5696 : index
    %swap3A_718 = tpu.vector_load %arg5[%swap3A_717] {strides = array<i32>} : memref<8192xf32, #tpu.memory_space<vmem>>, vector<16xf32>,
    tpu.vector_store %arg5[%swap3A_717], %broadcast_in_dim3A_3 {strides = array<i32>} : memref<8192xf32, #tpu.memory_space<vmem>>, vector<16xf32>,
    %swap3A_719 = arith.constant 5712 : index
    %swap3A_720 = tpu.vector_load %arg5[%swap3A_719] {strides = array<i32>} : memref<8192xf32, #tpu.memory_space<vmem>>, vector<16xf32>,
    tpu.vector_store %arg5[%swap3A_719], %broadcast_in_dim3A_3 {strides = array<i32>} : memref<8192xf32, #tpu.memory_space<vmem>>, vector<16xf32>,
    %swap3A_721 = arith.constant 5728 : index
    %swap3A_722 = tpu.vector_load %arg5[%swap3A_721] {strides = array<i32>} : memref<8192xf32, #tpu.memory_space<vmem>>, vector<16xf32>,
    tpu.vector_store %arg5[%swap3A_721], %broadcast_in_dim3A_3 {strides = array<i32>} : memref<8192xf32, #tpu.memory_space<vmem>>, vector<16xf32>,
    %swap3A_723 = arith.constant 5744 : index
    %swap3A_724 = tpu.vector_load %arg5[%swap3A_723] {strides = array<i32>} : memref<8192xf32, #tpu.memory_space<vmem>>, vector<16xf32>,
    tpu.vector_store %arg5[%swap3A_723], %broadcast_in_dim3A_3 {strides = array<i32>} : memref<8192xf32, #tpu.memory_space<vmem>>, vector<16xf32>,
    %swap3A_725 = arith.constant 5760 : index
    %swap3A_726 = tpu.vector_load %arg5[%swap3A_725] {strides = array<i32>} : memref<8192xf32, #tpu.memory_space<vmem>>, vector<16xf32>,
    tpu.vector_store %arg5[%swap3A_725], %broadcast_in_dim3A_3 {strides = array<i32>} : memref<8192xf32, #tpu.memory_space<vmem>>, vector<16xf32>,
    %swap3A_727 = arith.constant 5776 : index
    %swap3A_728 = tpu.vector_load %arg5[%swap3A_727] {strides = array<i32>} : memref<8192xf32, #tpu.memory_space<vmem>>, vector<16xf32>,
    tpu.vector_store %arg5[%swap3A_727], %broadcast_in_dim3A_3 {strides = array<i32>} : memref<8192xf32, #tpu.memory_space<vmem>>, vector<16xf32>,
    %swap3A_729 = arith.constant 5792 : index
    %swap3A_730 = tpu.vector_load %arg5[%swap3A_729] {strides = array<i32>} : memref<8192xf32, #tpu.memory_space<vmem>>, vector<16xf32>,
    tpu.vector_store %arg5[%swap3A_729], %broadcast_in_dim3A_3 {strides = array<i32>} : memref<8192xf32, #tpu.memory_space<vmem>>, vector<16xf32>,
    %swap3A_731 = arith.constant 5808 : index
    %swap3A_732 = tpu.vector_load %arg5[%swap3A_731] {strides = array<i32>} : memref<8192xf32, #tpu.memory_space<vmem>>, vector<16xf32>,
    tpu.vector_store %arg5[%swap3A_731], %broadcast_in_dim3A_3 {strides = array<i32>} : memref<8192xf32, #tpu.memory_space<vmem>>, vector<16xf32>,
    %swap3A_733 = arith.constant 5824 : index
    %swap3A_734 = tpu.vector_load %arg5[%swap3A_733] {strides = array<i32>} : memref<8192xf32, #tpu.memory_space<vmem>>, vector<16xf32>,
    tpu.vector_store %arg5[%swap3A_733], %broadcast_in_dim3A_3 {strides = array<i32>} : memref<8192xf32, #tpu.memory_space<vmem>>, vector<16xf32>,
    %swap3A_735 = arith.constant 5840 : index
    %swap3A_736 = tpu.vector_load %arg5[%swap3A_735] {strides = array<i32>} : memref<8192xf32, #tpu.memory_space<vmem>>, vector<16xf32>,
    tpu.vector_store %arg5[%swap3A_735], %broadcast_in_dim3A_3 {strides = array<i32>} : memref<8192xf32, #tpu.memory_space<vmem>>, vector<16xf32>,
    %swap3A_737 = arith.constant 5856 : index
    %swap3A_738 = tpu.vector_load %arg5[%swap3A_737] {strides = array<i32>} : memref<8192xf32, #tpu.memory_space<vmem>>, vector<16xf32>,
    tpu.vector_store %arg5[%swap3A_737], %broadcast_in_dim3A_3 {strides = array<i32>} : memref<8192xf32, #tpu.memory_space<vmem>>, vector<16xf32>,
    %swap3A_739 = arith.constant 5872 : index
    %swap3A_740 = tpu.vector_load %arg5[%swap3A_739] {strides = array<i32>} : memref<8192xf32, #tpu.memory_space<vmem>>, vector<16xf32>,
    tpu.vector_store %arg5[%swap3A_739], %broadcast_in_dim3A_3 {strides = array<i32>} : memref<8192xf32, #tpu.memory_space<vmem>>, vector<16xf32>,
    %swap3A_741 = arith.constant 5888 : index
    %swap3A_742 = tpu.vector_load %arg5[%swap3A_741] {strides = array<i32>} : memref<8192xf32, #tpu.memory_space<vmem>>, vector<16xf32>,
    tpu.vector_store %arg5[%swap3A_741], %broadcast_in_dim3A_3 {strides = array<i32>} : memref<8192xf32, #tpu.memory_space<vmem>>, vector<16xf32>,
    %swap3A_743 = arith.constant 5904 : index
    %swap3A_744 = tpu.vector_load %arg5[%swap3A_743] {strides = array<i32>} : memref<8192xf32, #tpu.memory_space<vmem>>, vector<16xf32>,
    tpu.vector_store %arg5[%swap3A_743], %broadcast_in_dim3A_3 {strides = array<i32>} : memref<8192xf32, #tpu.memory_space<vmem>>, vector<16xf32>,
    %swap3A_745 = arith.constant 5920 : index
    %swap3A_746 = tpu.vector_load %arg5[%swap3A_745] {strides = array<i32>} : memref<8192xf32, #tpu.memory_space<vmem>>, vector<16xf32>,
    tpu.vector_store %arg5[%swap3A_745], %broadcast_in_dim3A_3 {strides = array<i32>} : memref<8192xf32, #tpu.memory_space<vmem>>, vector<16xf32>,
    %swap3A_747 = arith.constant 5936 : index
    %swap3A_748 = tpu.vector_load %arg5[%swap3A_747] {strides = array<i32>} : memref<8192xf32, #tpu.memory_space<vmem>>, vector<16xf32>,
    tpu.vector_store %arg5[%swap3A_747], %broadcast_in_dim3A_3 {strides = array<i32>} : memref<8192xf32, #tpu.memory_space<vmem>>, vector<16xf32>,
    %swap3A_749 = arith.constant 5952 : index
    %swap3A_750 = tpu.vector_load %arg5[%swap3A_749] {strides = array<i32>} : memref<8192xf32, #tpu.memory_space<vmem>>, vector<16xf32>,
    tpu.vector_store %arg5[%swap3A_749], %broadcast_in_dim3A_3 {strides = array<i32>} : memref<8192xf32, #tpu.memory_space<vmem>>, vector<16xf32>,
    %swap3A_751 = arith.constant 5968 : index
    %swap3A_752 = tpu.vector_load %arg5[%swap3A_751] {strides = array<i32>} : memref<8192xf32, #tpu.memory_space<vmem>>, vector<16xf32>,
    tpu.vector_store %arg5[%swap3A_751], %broadcast_in_dim3A_3 {strides = array<i32>} : memref<8192xf32, #tpu.memory_space<vmem>>, vector<16xf32>,
    %swap3A_753 = arith.constant 5984 : index
    %swap3A_754 = tpu.vector_load %arg5[%swap3A_753] {strides = array<i32>} : memref<8192xf32, #tpu.memory_space<vmem>>, vector<16xf32>,
    tpu.vector_store %arg5[%swap3A_753], %broadcast_in_dim3A_3 {strides = array<i32>} : memref<8192xf32, #tpu.memory_space<vmem>>, vector<16xf32>,
    %swap3A_755 = arith.constant 6000 : index
    %swap3A_756 = tpu.vector_load %arg5[%swap3A_755] {strides = array<i32>} : memref<8192xf32, #tpu.memory_space<vmem>>, vector<16xf32>,
    tpu.vector_store %arg5[%swap3A_755], %broadcast_in_dim3A_3 {strides = array<i32>} : memref<8192xf32, #tpu.memory_space<vmem>>, vector<16xf32>,
    %swap3A_757 = arith.constant 6016 : index
    %swap3A_758 = tpu.vector_load %arg5[%swap3A_757] {strides = array<i32>} : memref<8192xf32, #tpu.memory_space<vmem>>, vector<16xf32>,
    tpu.vector_store %arg5[%swap3A_757], %broadcast_in_dim3A_3 {strides = array<i32>} : memref<8192xf32, #tpu.memory_space<vmem>>, vector<16xf32>,
    %swap3A_759 = arith.constant 6032 : index
    %swap3A_760 = tpu.vector_load %arg5[%swap3A_759] {strides = array<i32>} : memref<8192xf32, #tpu.memory_space<vmem>>, vector<16xf32>,
    tpu.vector_store %arg5[%swap3A_759], %broadcast_in_dim3A_3 {strides = array<i32>} : memref<8192xf32, #tpu.memory_space<vmem>>, vector<16xf32>,
    %swap3A_761 = arith.constant 6048 : index
    %swap3A_762 = tpu.vector_load %arg5[%swap3A_761] {strides = array<i32>} : memref<8192xf32, #tpu.memory_space<vmem>>, vector<16xf32>,
    tpu.vector_store %arg5[%swap3A_761], %broadcast_in_dim3A_3 {strides = array<i32>} : memref<8192xf32, #tpu.memory_space<vmem>>, vector<16xf32>,
    %swap3A_763 = arith.constant 6064 : index
    %swap3A_764 = tpu.vector_load %arg5[%swap3A_763] {strides = array<i32>} : memref<8192xf32, #tpu.memory_space<vmem>>, vector<16xf32>,
    tpu.vector_store %arg5[%swap3A_763], %broadcast_in_dim3A_3 {strides = array<i32>} : memref<8192xf32, #tpu.memory_space<vmem>>, vector<16xf32>,
    %swap3A_765 = arith.constant 6080 : index
    %swap3A_766 = tpu.vector_load %arg5[%swap3A_765] {strides = array<i32>} : memref<8192xf32, #tpu.memory_space<vmem>>, vector<16xf32>,
    tpu.vector_store %arg5[%swap3A_765], %broadcast_in_dim3A_3 {strides = array<i32>} : memref<8192xf32, #tpu.memory_space<vmem>>, vector<16xf32>,
    %swap3A_767 = arith.constant 6096 : index
    %swap3A_768 = tpu.vector_load %arg5[%swap3A_767] {strides = array<i32>} : memref<8192xf32, #tpu.memory_space<vmem>>, vector<16xf32>,
    tpu.vector_store %arg5[%swap3A_767], %broadcast_in_dim3A_3 {strides = array<i32>} : memref<8192xf32, #tpu.memory_space<vmem>>, vector<16xf32>,
    %swap3A_769 = arith.constant 6112 : index
    %swap3A_770 = tpu.vector_load %arg5[%swap3A_769] {strides = array<i32>} : memref<8192xf32, #tpu.memory_space<vmem>>, vector<16xf32>,
    tpu.vector_store %arg5[%swap3A_769], %broadcast_in_dim3A_3 {strides = array<i32>} : memref<8192xf32, #tpu.memory_space<vmem>>, vector<16xf32>,
    %swap3A_771 = arith.constant 6128 : index
    %swap3A_772 = tpu.vector_load %arg5[%swap3A_771] {strides = array<i32>} : memref<8192xf32, #tpu.memory_space<vmem>>, vector<16xf32>,
    tpu.vector_store %arg5[%swap3A_771], %broadcast_in_dim3A_3 {strides = array<i32>} : memref<8192xf32, #tpu.memory_space<vmem>>, vector<16xf32>,
    %swap3A_773 = arith.constant 6144 : index
    %swap3A_774 = tpu.vector_load %arg5[%swap3A_773] {strides = array<i32>} : memref<8192xf32, #tpu.memory_space<vmem>>, vector<16xf32>,
    tpu.vector_store %arg5[%swap3A_773], %broadcast_in_dim3A_3 {strides = array<i32>} : memref<8192xf32, #tpu.memory_space<vmem>>, vector<16xf32>,
    %swap3A_775 = arith.constant 6160 : index
    %swap3A_776 = tpu.vector_load %arg5[%swap3A_775] {strides = array<i32>} : memref<8192xf32, #tpu.memory_space<vmem>>, vector<16xf32>,
    tpu.vector_store %arg5[%swap3A_775], %broadcast_in_dim3A_3 {strides = array<i32>} : memref<8192xf32, #tpu.memory_space<vmem>>, vector<16xf32>,
    %swap3A_777 = arith.constant 6176 : index
    %swap3A_778 = tpu.vector_load %arg5[%swap3A_777] {strides = array<i32>} : memref<8192xf32, #tpu.memory_space<vmem>>, vector<16xf32>,
    tpu.vector_store %arg5[%swap3A_777], %broadcast_in_dim3A_3 {strides = array<i32>} : memref<8192xf32, #tpu.memory_space<vmem>>, vector<16xf32>,
    %swap3A_779 = arith.constant 6192 : index
    %swap3A_780 = tpu.vector_load %arg5[%swap3A_779] {strides = array<i32>} : memref<8192xf32, #tpu.memory_space<vmem>>, vector<16xf32>,
    tpu.vector_store %arg5[%swap3A_779], %broadcast_in_dim3A_3 {strides = array<i32>} : memref<8192xf32, #tpu.memory_space<vmem>>, vector<16xf32>,
    %swap3A_781 = arith.constant 6208 : index
    %swap3A_782 = tpu.vector_load %arg5[%swap3A_781] {strides = array<i32>} : memref<8192xf32, #tpu.memory_space<vmem>>, vector<16xf32>,
    tpu.vector_store %arg5[%swap3A_781], %broadcast_in_dim3A_3 {strides = array<i32>} : memref<8192xf32, #tpu.memory_space<vmem>>, vector<16xf32>,
    %swap3A_783 = arith.constant 6224 : index
    %swap3A_784 = tpu.vector_load %arg5[%swap3A_783] {strides = array<i32>} : memref<8192xf32, #tpu.memory_space<vmem>>, vector<16xf32>,
    tpu.vector_store %arg5[%swap3A_783], %broadcast_in_dim3A_3 {strides = array<i32>} : memref<8192xf32, #tpu.memory_space<vmem>>, vector<16xf32>,
    %swap3A_785 = arith.constant 6240 : index
    %swap3A_786 = tpu.vector_load %arg5[%swap3A_785] {strides = array<i32>} : memref<8192xf32, #tpu.memory_space<vmem>>, vector<16xf32>,
    tpu.vector_store %arg5[%swap3A_785], %broadcast_in_dim3A_3 {strides = array<i32>} : memref<8192xf32, #tpu.memory_space<vmem>>, vector<16xf32>,
    %swap3A_787 = arith.constant 6256 : index
    %swap3A_788 = tpu.vector_load %arg5[%swap3A_787] {strides = array<i32>} : memref<8192xf32, #tpu.memory_space<vmem>>, vector<16xf32>,
    tpu.vector_store %arg5[%swap3A_787], %broadcast_in_dim3A_3 {strides = array<i32>} : memref<8192xf32, #tpu.memory_space<vmem>>, vector<16xf32>,
    %swap3A_789 = arith.constant 6272 : index
    %swap3A_790 = tpu.vector_load %arg5[%swap3A_789] {strides = array<i32>} : memref<8192xf32, #tpu.memory_space<vmem>>, vector<16xf32>,
    tpu.vector_store %arg5[%swap3A_789], %broadcast_in_dim3A_3 {strides = array<i32>} : memref<8192xf32, #tpu.memory_space<vmem>>, vector<16xf32>,
    %swap3A_791 = arith.constant 6288 : index
    %swap3A_792 = tpu.vector_load %arg5[%swap3A_791] {strides = array<i32>} : memref<8192xf32, #tpu.memory_space<vmem>>, vector<16xf32>,
    tpu.vector_store %arg5[%swap3A_791], %broadcast_in_dim3A_3 {strides = array<i32>} : memref<8192xf32, #tpu.memory_space<vmem>>, vector<16xf32>,
    %swap3A_793 = arith.constant 6304 : index
    %swap3A_794 = tpu.vector_load %arg5[%swap3A_793] {strides = array<i32>} : memref<8192xf32, #tpu.memory_space<vmem>>, vector<16xf32>,
    tpu.vector_store %arg5[%swap3A_793], %broadcast_in_dim3A_3 {strides = array<i32>} : memref<8192xf32, #tpu.memory_space<vmem>>, vector<16xf32>,
    %swap3A_795 = arith.constant 6320 : index
    %swap3A_796 = tpu.vector_load %arg5[%swap3A_795] {strides = array<i32>} : memref<8192xf32, #tpu.memory_space<vmem>>, vector<16xf32>,
    tpu.vector_store %arg5[%swap3A_795], %broadcast_in_dim3A_3 {strides = array<i32>} : memref<8192xf32, #tpu.memory_space<vmem>>, vector<16xf32>,
    %swap3A_797 = arith.constant 6336 : index
    %swap3A_798 = tpu.vector_load %arg5[%swap3A_797] {strides = array<i32>} : memref<8192xf32, #tpu.memory_space<vmem>>, vector<16xf32>,
    tpu.vector_store %arg5[%swap3A_797], %broadcast_in_dim3A_3 {strides = array<i32>} : memref<8192xf32, #tpu.memory_space<vmem>>, vector<16xf32>,
    %swap3A_799 = arith.constant 6352 : index
    %swap3A_800 = tpu.vector_load %arg5[%swap3A_799] {strides = array<i32>} : memref<8192xf32, #tpu.memory_space<vmem>>, vector<16xf32>,
    tpu.vector_store %arg5[%swap3A_799], %broadcast_in_dim3A_3 {strides = array<i32>} : memref<8192xf32, #tpu.memory_space<vmem>>, vector<16xf32>,
    %swap3A_801 = arith.constant 6368 : index
    %swap3A_802 = tpu.vector_load %arg5[%swap3A_801] {strides = array<i32>} : memref<8192xf32, #tpu.memory_space<vmem>>, vector<16xf32>,
    tpu.vector_store %arg5[%swap3A_801], %broadcast_in_dim3A_3 {strides = array<i32>} : memref<8192xf32, #tpu.memory_space<vmem>>, vector<16xf32>,
    %swap3A_803 = arith.constant 6384 : index
    %swap3A_804 = tpu.vector_load %arg5[%swap3A_803] {strides = array<i32>} : memref<8192xf32, #tpu.memory_space<vmem>>, vector<16xf32>,
    tpu.vector_store %arg5[%swap3A_803], %broadcast_in_dim3A_3 {strides = array<i32>} : memref<8192xf32, #tpu.memory_space<vmem>>, vector<16xf32>,
    %swap3A_805 = arith.constant 6400 : index
    %swap3A_806 = tpu.vector_load %arg5[%swap3A_805] {strides = array<i32>} : memref<8192xf32, #tpu.memory_space<vmem>>, vector<16xf32>,
    tpu.vector_store %arg5[%swap3A_805], %broadcast_in_dim3A_3 {strides = array<i32>} : memref<8192xf32, #tpu.memory_space<vmem>>, vector<16xf32>,
    %swap3A_807 = arith.constant 6416 : index
    %swap3A_808 = tpu.vector_load %arg5[%swap3A_807] {strides = array<i32>} : memref<8192xf32, #tpu.memory_space<vmem>>, vector<16xf32>,
    tpu.vector_store %arg5[%swap3A_807], %broadcast_in_dim3A_3 {strides = array<i32>} : memref<8192xf32, #tpu.memory_space<vmem>>, vector<16xf32>,
    %swap3A_809 = arith.constant 6432 : index
    %swap3A_810 = tpu.vector_load %arg5[%swap3A_809] {strides = array<i32>} : memref<8192xf32, #tpu.memory_space<vmem>>, vector<16xf32>,
    tpu.vector_store %arg5[%swap3A_809], %broadcast_in_dim3A_3 {strides = array<i32>} : memref<8192xf32, #tpu.memory_space<vmem>>, vector<16xf32>,
    %swap3A_811 = arith.constant 6448 : index
    %swap3A_812 = tpu.vector_load %arg5[%swap3A_811] {strides = array<i32>} : memref<8192xf32, #tpu.memory_space<vmem>>, vector<16xf32>,
    tpu.vector_store %arg5[%swap3A_811], %broadcast_in_dim3A_3 {strides = array<i32>} : memref<8192xf32, #tpu.memory_space<vmem>>, vector<16xf32>,
    %swap3A_813 = arith.constant 6464 : index
    %swap3A_814 = tpu.vector_load %arg5[%swap3A_813] {strides = array<i32>} : memref<8192xf32, #tpu.memory_space<vmem>>, vector<16xf32>,
    tpu.vector_store %arg5[%swap3A_813], %broadcast_in_dim3A_3 {strides = array<i32>} : memref<8192xf32, #tpu.memory_space<vmem>>, vector<16xf32>,
    %swap3A_815 = arith.constant 6480 : index
    %swap3A_816 = tpu.vector_load %arg5[%swap3A_815] {strides = array<i32>} : memref<8192xf32, #tpu.memory_space<vmem>>, vector<16xf32>,
    tpu.vector_store %arg5[%swap3A_815], %broadcast_in_dim3A_3 {strides = array<i32>} : memref<8192xf32, #tpu.memory_space<vmem>>, vector<16xf32>,
    %swap3A_817 = arith.constant 6496 : index
    %swap3A_818 = tpu.vector_load %arg5[%swap3A_817] {strides = array<i32>} : memref<8192xf32, #tpu.memory_space<vmem>>, vector<16xf32>,
    tpu.vector_store %arg5[%swap3A_817], %broadcast_in_dim3A_3 {strides = array<i32>} : memref<8192xf32, #tpu.memory_space<vmem>>, vector<16xf32>,
    %swap3A_819 = arith.constant 6512 : index
    %swap3A_820 = tpu.vector_load %arg5[%swap3A_819] {strides = array<i32>} : memref<8192xf32, #tpu.memory_space<vmem>>, vector<16xf32>,
    tpu.vector_store %arg5[%swap3A_819], %broadcast_in_dim3A_3 {strides = array<i32>} : memref<8192xf32, #tpu.memory_space<vmem>>, vector<16xf32>,
    %swap3A_821 = arith.constant 6528 : index
    %swap3A_822 = tpu.vector_load %arg5[%swap3A_821] {strides = array<i32>} : memref<8192xf32, #tpu.memory_space<vmem>>, vector<16xf32>,
    tpu.vector_store %arg5[%swap3A_821], %broadcast_in_dim3A_3 {strides = array<i32>} : memref<8192xf32, #tpu.memory_space<vmem>>, vector<16xf32>,
    %swap3A_823 = arith.constant 6544 : index
    %swap3A_824 = tpu.vector_load %arg5[%swap3A_823] {strides = array<i32>} : memref<8192xf32, #tpu.memory_space<vmem>>, vector<16xf32>,
    tpu.vector_store %arg5[%swap3A_823], %broadcast_in_dim3A_3 {strides = array<i32>} : memref<8192xf32, #tpu.memory_space<vmem>>, vector<16xf32>,
    %swap3A_825 = arith.constant 6560 : index
    %swap3A_826 = tpu.vector_load %arg5[%swap3A_825] {strides = array<i32>} : memref<8192xf32, #tpu.memory_space<vmem>>, vector<16xf32>,
    tpu.vector_store %arg5[%swap3A_825], %broadcast_in_dim3A_3 {strides = array<i32>} : memref<8192xf32, #tpu.memory_space<vmem>>, vector<16xf32>,
    %swap3A_827 = arith.constant 6576 : index
    %swap3A_828 = tpu.vector_load %arg5[%swap3A_827] {strides = array<i32>} : memref<8192xf32, #tpu.memory_space<vmem>>, vector<16xf32>,
    tpu.vector_store %arg5[%swap3A_827], %broadcast_in_dim3A_3 {strides = array<i32>} : memref<8192xf32, #tpu.memory_space<vmem>>, vector<16xf32>,
    %swap3A_829 = arith.constant 6592 : index
    %swap3A_830 = tpu.vector_load %arg5[%swap3A_829] {strides = array<i32>} : memref<8192xf32, #tpu.memory_space<vmem>>, vector<16xf32>,
    tpu.vector_store %arg5[%swap3A_829], %broadcast_in_dim3A_3 {strides = array<i32>} : memref<8192xf32, #tpu.memory_space<vmem>>, vector<16xf32>,
    %swap3A_831 = arith.constant 6608 : index
    %swap3A_832 = tpu.vector_load %arg5[%swap3A_831] {strides = array<i32>} : memref<8192xf32, #tpu.memory_space<vmem>>, vector<16xf32>,
    tpu.vector_store %arg5[%swap3A_831], %broadcast_in_dim3A_3 {strides = array<i32>} : memref<8192xf32, #tpu.memory_space<vmem>>, vector<16xf32>,
    %swap3A_833 = arith.constant 6624 : index
    %swap3A_834 = tpu.vector_load %arg5[%swap3A_833] {strides = array<i32>} : memref<8192xf32, #tpu.memory_space<vmem>>, vector<16xf32>,
    tpu.vector_store %arg5[%swap3A_833], %broadcast_in_dim3A_3 {strides = array<i32>} : memref<8192xf32, #tpu.memory_space<vmem>>, vector<16xf32>,
    %swap3A_835 = arith.constant 6640 : index
    %swap3A_836 = tpu.vector_load %arg5[%swap3A_835] {strides = array<i32>} : memref<8192xf32, #tpu.memory_space<vmem>>, vector<16xf32>,
    tpu.vector_store %arg5[%swap3A_835], %broadcast_in_dim3A_3 {strides = array<i32>} : memref<8192xf32, #tpu.memory_space<vmem>>, vector<16xf32>,
    %swap3A_837 = arith.constant 6656 : index
    %swap3A_838 = tpu.vector_load %arg5[%swap3A_837] {strides = array<i32>} : memref<8192xf32, #tpu.memory_space<vmem>>, vector<16xf32>,
    tpu.vector_store %arg5[%swap3A_837], %broadcast_in_dim3A_3 {strides = array<i32>} : memref<8192xf32, #tpu.memory_space<vmem>>, vector<16xf32>,
    %swap3A_839 = arith.constant 6672 : index
    %swap3A_840 = tpu.vector_load %arg5[%swap3A_839] {strides = array<i32>} : memref<8192xf32, #tpu.memory_space<vmem>>, vector<16xf32>,
    tpu.vector_store %arg5[%swap3A_839], %broadcast_in_dim3A_3 {strides = array<i32>} : memref<8192xf32, #tpu.memory_space<vmem>>, vector<16xf32>,
    %swap3A_841 = arith.constant 6688 : index
    %swap3A_842 = tpu.vector_load %arg5[%swap3A_841] {strides = array<i32>} : memref<8192xf32, #tpu.memory_space<vmem>>, vector<16xf32>,
    tpu.vector_store %arg5[%swap3A_841], %broadcast_in_dim3A_3 {strides = array<i32>} : memref<8192xf32, #tpu.memory_space<vmem>>, vector<16xf32>,
    %swap3A_843 = arith.constant 6704 : index
    %swap3A_844 = tpu.vector_load %arg5[%swap3A_843] {strides = array<i32>} : memref<8192xf32, #tpu.memory_space<vmem>>, vector<16xf32>,
    tpu.vector_store %arg5[%swap3A_843], %broadcast_in_dim3A_3 {strides = array<i32>} : memref<8192xf32, #tpu.memory_space<vmem>>, vector<16xf32>,
    %swap3A_845 = arith.constant 6720 : index
    %swap3A_846 = tpu.vector_load %arg5[%swap3A_845] {strides = array<i32>} : memref<8192xf32, #tpu.memory_space<vmem>>, vector<16xf32>,
    tpu.vector_store %arg5[%swap3A_845], %broadcast_in_dim3A_3 {strides = array<i32>} : memref<8192xf32, #tpu.memory_space<vmem>>, vector<16xf32>,
    %swap3A_847 = arith.constant 6736 : index
    %swap3A_848 = tpu.vector_load %arg5[%swap3A_847] {strides = array<i32>} : memref<8192xf32, #tpu.memory_space<vmem>>, vector<16xf32>,
    tpu.vector_store %arg5[%swap3A_847], %broadcast_in_dim3A_3 {strides = array<i32>} : memref<8192xf32, #tpu.memory_space<vmem>>, vector<16xf32>,
    %swap3A_849 = arith.constant 6752 : index
    %swap3A_850 = tpu.vector_load %arg5[%swap3A_849] {strides = array<i32>} : memref<8192xf32, #tpu.memory_space<vmem>>, vector<16xf32>,
    tpu.vector_store %arg5[%swap3A_849], %broadcast_in_dim3A_3 {strides = array<i32>} : memref<8192xf32, #tpu.memory_space<vmem>>, vector<16xf32>,
    %swap3A_851 = arith.constant 6768 : index
    %swap3A_852 = tpu.vector_load %arg5[%swap3A_851] {strides = array<i32>} : memref<8192xf32, #tpu.memory_space<vmem>>, vector<16xf32>,
    tpu.vector_store %arg5[%swap3A_851], %broadcast_in_dim3A_3 {strides = array<i32>} : memref<8192xf32, #tpu.memory_space<vmem>>, vector<16xf32>,
    %swap3A_853 = arith.constant 6784 : index
    %swap3A_854 = tpu.vector_load %arg5[%swap3A_853] {strides = array<i32>} : memref<8192xf32, #tpu.memory_space<vmem>>, vector<16xf32>,
    tpu.vector_store %arg5[%swap3A_853], %broadcast_in_dim3A_3 {strides = array<i32>} : memref<8192xf32, #tpu.memory_space<vmem>>, vector<16xf32>,
    %swap3A_855 = arith.constant 6800 : index
    %swap3A_856 = tpu.vector_load %arg5[%swap3A_855] {strides = array<i32>} : memref<8192xf32, #tpu.memory_space<vmem>>, vector<16xf32>,
    tpu.vector_store %arg5[%swap3A_855], %broadcast_in_dim3A_3 {strides = array<i32>} : memref<8192xf32, #tpu.memory_space<vmem>>, vector<16xf32>,
    %swap3A_857 = arith.constant 6816 : index
    %swap3A_858 = tpu.vector_load %arg5[%swap3A_857] {strides = array<i32>} : memref<8192xf32, #tpu.memory_space<vmem>>, vector<16xf32>,
    tpu.vector_store %arg5[%swap3A_857], %broadcast_in_dim3A_3 {strides = array<i32>} : memref<8192xf32, #tpu.memory_space<vmem>>, vector<16xf32>,
    %swap3A_859 = arith.constant 6832 : index
    %swap3A_860 = tpu.vector_load %arg5[%swap3A_859] {strides = array<i32>} : memref<8192xf32, #tpu.memory_space<vmem>>, vector<16xf32>,
    tpu.vector_store %arg5[%swap3A_859], %broadcast_in_dim3A_3 {strides = array<i32>} : memref<8192xf32, #tpu.memory_space<vmem>>, vector<16xf32>,
    %swap3A_861 = arith.constant 6848 : index
    %swap3A_862 = tpu.vector_load %arg5[%swap3A_861] {strides = array<i32>} : memref<8192xf32, #tpu.memory_space<vmem>>, vector<16xf32>,
    tpu.vector_store %arg5[%swap3A_861], %broadcast_in_dim3A_3 {strides = array<i32>} : memref<8192xf32, #tpu.memory_space<vmem>>, vector<16xf32>,
    %swap3A_863 = arith.constant 6864 : index
    %swap3A_864 = tpu.vector_load %arg5[%swap3A_863] {strides = array<i32>} : memref<8192xf32, #tpu.memory_space<vmem>>, vector<16xf32>,
    tpu.vector_store %arg5[%swap3A_863], %broadcast_in_dim3A_3 {strides = array<i32>} : memref<8192xf32, #tpu.memory_space<vmem>>, vector<16xf32>,
    %swap3A_865 = arith.constant 6880 : index
    %swap3A_866 = tpu.vector_load %arg5[%swap3A_865] {strides = array<i32>} : memref<8192xf32, #tpu.memory_space<vmem>>, vector<16xf32>,
    tpu.vector_store %arg5[%swap3A_865], %broadcast_in_dim3A_3 {strides = array<i32>} : memref<8192xf32, #tpu.memory_space<vmem>>, vector<16xf32>,
    %swap3A_867 = arith.constant 6896 : index
    %swap3A_868 = tpu.vector_load %arg5[%swap3A_867] {strides = array<i32>} : memref<8192xf32, #tpu.memory_space<vmem>>, vector<16xf32>,
    tpu.vector_store %arg5[%swap3A_867], %broadcast_in_dim3A_3 {strides = array<i32>} : memref<8192xf32, #tpu.memory_space<vmem>>, vector<16xf32>,
    %swap3A_869 = arith.constant 6912 : index
    %swap3A_870 = tpu.vector_load %arg5[%swap3A_869] {strides = array<i32>} : memref<8192xf32, #tpu.memory_space<vmem>>, vector<16xf32>,
    tpu.vector_store %arg5[%swap3A_869], %broadcast_in_dim3A_3 {strides = array<i32>} : memref<8192xf32, #tpu.memory_space<vmem>>, vector<16xf32>,
    %swap3A_871 = arith.constant 6928 : index
    %swap3A_872 = tpu.vector_load %arg5[%swap3A_871] {strides = array<i32>} : memref<8192xf32, #tpu.memory_space<vmem>>, vector<16xf32>,
    tpu.vector_store %arg5[%swap3A_871], %broadcast_in_dim3A_3 {strides = array<i32>} : memref<8192xf32, #tpu.memory_space<vmem>>, vector<16xf32>,
    %swap3A_873 = arith.constant 6944 : index
    %swap3A_874 = tpu.vector_load %arg5[%swap3A_873] {strides = array<i32>} : memref<8192xf32, #tpu.memory_space<vmem>>, vector<16xf32>,
    tpu.vector_store %arg5[%swap3A_873], %broadcast_in_dim3A_3 {strides = array<i32>} : memref<8192xf32, #tpu.memory_space<vmem>>, vector<16xf32>,
    %swap3A_875 = arith.constant 6960 : index
    %swap3A_876 = tpu.vector_load %arg5[%swap3A_875] {strides = array<i32>} : memref<8192xf32, #tpu.memory_space<vmem>>, vector<16xf32>,
    tpu.vector_store %arg5[%swap3A_875], %broadcast_in_dim3A_3 {strides = array<i32>} : memref<8192xf32, #tpu.memory_space<vmem>>, vector<16xf32>,
    %swap3A_877 = arith.constant 6976 : index
    %swap3A_878 = tpu.vector_load %arg5[%swap3A_877] {strides = array<i32>} : memref<8192xf32, #tpu.memory_space<vmem>>, vector<16xf32>,
    tpu.vector_store %arg5[%swap3A_877], %broadcast_in_dim3A_3 {strides = array<i32>} : memref<8192xf32, #tpu.memory_space<vmem>>, vector<16xf32>,
    %swap3A_879 = arith.constant 6992 : index
    %swap3A_880 = tpu.vector_load %arg5[%swap3A_879] {strides = array<i32>} : memref<8192xf32, #tpu.memory_space<vmem>>, vector<16xf32>,
    tpu.vector_store %arg5[%swap3A_879], %broadcast_in_dim3A_3 {strides = array<i32>} : memref<8192xf32, #tpu.memory_space<vmem>>, vector<16xf32>,
    %swap3A_881 = arith.constant 7008 : index
    %swap3A_882 = tpu.vector_load %arg5[%swap3A_881] {strides = array<i32>} : memref<8192xf32, #tpu.memory_space<vmem>>, vector<16xf32>,
    tpu.vector_store %arg5[%swap3A_881], %broadcast_in_dim3A_3 {strides = array<i32>} : memref<8192xf32, #tpu.memory_space<vmem>>, vector<16xf32>,
    %swap3A_883 = arith.constant 7024 : index
    %swap3A_884 = tpu.vector_load %arg5[%swap3A_883] {strides = array<i32>} : memref<8192xf32, #tpu.memory_space<vmem>>, vector<16xf32>,
    tpu.vector_store %arg5[%swap3A_883], %broadcast_in_dim3A_3 {strides = array<i32>} : memref<8192xf32, #tpu.memory_space<vmem>>, vector<16xf32>,
    %swap3A_885 = arith.constant 7040 : index
    %swap3A_886 = tpu.vector_load %arg5[%swap3A_885] {strides = array<i32>} : memref<8192xf32, #tpu.memory_space<vmem>>, vector<16xf32>,
    tpu.vector_store %arg5[%swap3A_885], %broadcast_in_dim3A_3 {strides = array<i32>} : memref<8192xf32, #tpu.memory_space<vmem>>, vector<16xf32>,
    %swap3A_887 = arith.constant 7056 : index
    %swap3A_888 = tpu.vector_load %arg5[%swap3A_887] {strides = array<i32>} : memref<8192xf32, #tpu.memory_space<vmem>>, vector<16xf32>,
    tpu.vector_store %arg5[%swap3A_887], %broadcast_in_dim3A_3 {strides = array<i32>} : memref<8192xf32, #tpu.memory_space<vmem>>, vector<16xf32>,
    %swap3A_889 = arith.constant 7072 : index
    %swap3A_890 = tpu.vector_load %arg5[%swap3A_889] {strides = array<i32>} : memref<8192xf32, #tpu.memory_space<vmem>>, vector<16xf32>,
    tpu.vector_store %arg5[%swap3A_889], %broadcast_in_dim3A_3 {strides = array<i32>} : memref<8192xf32, #tpu.memory_space<vmem>>, vector<16xf32>,
    %swap3A_891 = arith.constant 7088 : index
    %swap3A_892 = tpu.vector_load %arg5[%swap3A_891] {strides = array<i32>} : memref<8192xf32, #tpu.memory_space<vmem>>, vector<16xf32>,
    tpu.vector_store %arg5[%swap3A_891], %broadcast_in_dim3A_3 {strides = array<i32>} : memref<8192xf32, #tpu.memory_space<vmem>>, vector<16xf32>,
    %swap3A_893 = arith.constant 7104 : index
    %swap3A_894 = tpu.vector_load %arg5[%swap3A_893] {strides = array<i32>} : memref<8192xf32, #tpu.memory_space<vmem>>, vector<16xf32>,
    tpu.vector_store %arg5[%swap3A_893], %broadcast_in_dim3A_3 {strides = array<i32>} : memref<8192xf32, #tpu.memory_space<vmem>>, vector<16xf32>,
    %swap3A_895 = arith.constant 7120 : index
    %swap3A_896 = tpu.vector_load %arg5[%swap3A_895] {strides = array<i32>} : memref<8192xf32, #tpu.memory_space<vmem>>, vector<16xf32>,
    tpu.vector_store %arg5[%swap3A_895], %broadcast_in_dim3A_3 {strides = array<i32>} : memref<8192xf32, #tpu.memory_space<vmem>>, vector<16xf32>,
    %swap3A_897 = arith.constant 7136 : index
    %swap3A_898 = tpu.vector_load %arg5[%swap3A_897] {strides = array<i32>} : memref<8192xf32, #tpu.memory_space<vmem>>, vector<16xf32>,
    tpu.vector_store %arg5[%swap3A_897], %broadcast_in_dim3A_3 {strides = array<i32>} : memref<8192xf32, #tpu.memory_space<vmem>>, vector<16xf32>,
    %swap3A_899 = arith.constant 7152 : index
    %swap3A_900 = tpu.vector_load %arg5[%swap3A_899] {strides = array<i32>} : memref<8192xf32, #tpu.memory_space<vmem>>, vector<16xf32>,
    tpu.vector_store %arg5[%swap3A_899], %broadcast_in_dim3A_3 {strides = array<i32>} : memref<8192xf32, #tpu.memory_space<vmem>>, vector<16xf32>,
    %swap3A_901 = arith.constant 7168 : index
    %swap3A_902 = tpu.vector_load %arg5[%swap3A_901] {strides = array<i32>} : memref<8192xf32, #tpu.memory_space<vmem>>, vector<16xf32>,
    tpu.vector_store %arg5[%swap3A_901], %broadcast_in_dim3A_3 {strides = array<i32>} : memref<8192xf32, #tpu.memory_space<vmem>>, vector<16xf32>,
    %swap3A_903 = arith.constant 7184 : index
    %swap3A_904 = tpu.vector_load %arg5[%swap3A_903] {strides = array<i32>} : memref<8192xf32, #tpu.memory_space<vmem>>, vector<16xf32>,
    tpu.vector_store %arg5[%swap3A_903], %broadcast_in_dim3A_3 {strides = array<i32>} : memref<8192xf32, #tpu.memory_space<vmem>>, vector<16xf32>,
    %swap3A_905 = arith.constant 7200 : index
    %swap3A_906 = tpu.vector_load %arg5[%swap3A_905] {strides = array<i32>} : memref<8192xf32, #tpu.memory_space<vmem>>, vector<16xf32>,
    tpu.vector_store %arg5[%swap3A_905], %broadcast_in_dim3A_3 {strides = array<i32>} : memref<8192xf32, #tpu.memory_space<vmem>>, vector<16xf32>,
    %swap3A_907 = arith.constant 7216 : index
    %swap3A_908 = tpu.vector_load %arg5[%swap3A_907] {strides = array<i32>} : memref<8192xf32, #tpu.memory_space<vmem>>, vector<16xf32>,
    tpu.vector_store %arg5[%swap3A_907], %broadcast_in_dim3A_3 {strides = array<i32>} : memref<8192xf32, #tpu.memory_space<vmem>>, vector<16xf32>,
    %swap3A_909 = arith.constant 7232 : index
    %swap3A_910 = tpu.vector_load %arg5[%swap3A_909] {strides = array<i32>} : memref<8192xf32, #tpu.memory_space<vmem>>, vector<16xf32>,
    tpu.vector_store %arg5[%swap3A_909], %broadcast_in_dim3A_3 {strides = array<i32>} : memref<8192xf32, #tpu.memory_space<vmem>>, vector<16xf32>,
    %swap3A_911 = arith.constant 7248 : index
    %swap3A_912 = tpu.vector_load %arg5[%swap3A_911] {strides = array<i32>} : memref<8192xf32, #tpu.memory_space<vmem>>, vector<16xf32>,
    tpu.vector_store %arg5[%swap3A_911], %broadcast_in_dim3A_3 {strides = array<i32>} : memref<8192xf32, #tpu.memory_space<vmem>>, vector<16xf32>,
    %swap3A_913 = arith.constant 7264 : index
    %swap3A_914 = tpu.vector_load %arg5[%swap3A_913] {strides = array<i32>} : memref<8192xf32, #tpu.memory_space<vmem>>, vector<16xf32>,
    tpu.vector_store %arg5[%swap3A_913], %broadcast_in_dim3A_3 {strides = array<i32>} : memref<8192xf32, #tpu.memory_space<vmem>>, vector<16xf32>,
    %swap3A_915 = arith.constant 7280 : index
    %swap3A_916 = tpu.vector_load %arg5[%swap3A_915] {strides = array<i32>} : memref<8192xf32, #tpu.memory_space<vmem>>, vector<16xf32>,
    tpu.vector_store %arg5[%swap3A_915], %broadcast_in_dim3A_3 {strides = array<i32>} : memref<8192xf32, #tpu.memory_space<vmem>>, vector<16xf32>,
    %swap3A_917 = arith.constant 7296 : index
    %swap3A_918 = tpu.vector_load %arg5[%swap3A_917] {strides = array<i32>} : memref<8192xf32, #tpu.memory_space<vmem>>, vector<16xf32>,
    tpu.vector_store %arg5[%swap3A_917], %broadcast_in_dim3A_3 {strides = array<i32>} : memref<8192xf32, #tpu.memory_space<vmem>>, vector<16xf32>,
    %swap3A_919 = arith.constant 7312 : index
    %swap3A_920 = tpu.vector_load %arg5[%swap3A_919] {strides = array<i32>} : memref<8192xf32, #tpu.memory_space<vmem>>, vector<16xf32>,
    tpu.vector_store %arg5[%swap3A_919], %broadcast_in_dim3A_3 {strides = array<i32>} : memref<8192xf32, #tpu.memory_space<vmem>>, vector<16xf32>,
    %swap3A_921 = arith.constant 7328 : index
    %swap3A_922 = tpu.vector_load %arg5[%swap3A_921] {strides = array<i32>} : memref<8192xf32, #tpu.memory_space<vmem>>, vector<16xf32>,
    tpu.vector_store %arg5[%swap3A_921], %broadcast_in_dim3A_3 {strides = array<i32>} : memref<8192xf32, #tpu.memory_space<vmem>>, vector<16xf32>,
    %swap3A_923 = arith.constant 7344 : index
    %swap3A_924 = tpu.vector_load %arg5[%swap3A_923] {strides = array<i32>} : memref<8192xf32, #tpu.memory_space<vmem>>, vector<16xf32>,
    tpu.vector_store %arg5[%swap3A_923], %broadcast_in_dim3A_3 {strides = array<i32>} : memref<8192xf32, #tpu.memory_space<vmem>>, vector<16xf32>,
    %swap3A_925 = arith.constant 7360 : index
    %swap3A_926 = tpu.vector_load %arg5[%swap3A_925] {strides = array<i32>} : memref<8192xf32, #tpu.memory_space<vmem>>, vector<16xf32>,
    tpu.vector_store %arg5[%swap3A_925], %broadcast_in_dim3A_3 {strides = array<i32>} : memref<8192xf32, #tpu.memory_space<vmem>>, vector<16xf32>,
    %swap3A_927 = arith.constant 7376 : index
    %swap3A_928 = tpu.vector_load %arg5[%swap3A_927] {strides = array<i32>} : memref<8192xf32, #tpu.memory_space<vmem>>, vector<16xf32>,
    tpu.vector_store %arg5[%swap3A_927], %broadcast_in_dim3A_3 {strides = array<i32>} : memref<8192xf32, #tpu.memory_space<vmem>>, vector<16xf32>,
    %swap3A_929 = arith.constant 7392 : index
    %swap3A_930 = tpu.vector_load %arg5[%swap3A_929] {strides = array<i32>} : memref<8192xf32, #tpu.memory_space<vmem>>, vector<16xf32>,
    tpu.vector_store %arg5[%swap3A_929], %broadcast_in_dim3A_3 {strides = array<i32>} : memref<8192xf32, #tpu.memory_space<vmem>>, vector<16xf32>,
    %swap3A_931 = arith.constant 7408 : index
    %swap3A_932 = tpu.vector_load %arg5[%swap3A_931] {strides = array<i32>} : memref<8192xf32, #tpu.memory_space<vmem>>, vector<16xf32>,
    tpu.vector_store %arg5[%swap3A_931], %broadcast_in_dim3A_3 {strides = array<i32>} : memref<8192xf32, #tpu.memory_space<vmem>>, vector<16xf32>,
    %swap3A_933 = arith.constant 7424 : index
    %swap3A_934 = tpu.vector_load %arg5[%swap3A_933] {strides = array<i32>} : memref<8192xf32, #tpu.memory_space<vmem>>, vector<16xf32>,
    tpu.vector_store %arg5[%swap3A_933], %broadcast_in_dim3A_3 {strides = array<i32>} : memref<8192xf32, #tpu.memory_space<vmem>>, vector<16xf32>,
    %swap3A_935 = arith.constant 7440 : index
    %swap3A_936 = tpu.vector_load %arg5[%swap3A_935] {strides = array<i32>} : memref<8192xf32, #tpu.memory_space<vmem>>, vector<16xf32>,
    tpu.vector_store %arg5[%swap3A_935], %broadcast_in_dim3A_3 {strides = array<i32>} : memref<8192xf32, #tpu.memory_space<vmem>>, vector<16xf32>,
    %swap3A_937 = arith.constant 7456 : index
    %swap3A_938 = tpu.vector_load %arg5[%swap3A_937] {strides = array<i32>} : memref<8192xf32, #tpu.memory_space<vmem>>, vector<16xf32>,
    tpu.vector_store %arg5[%swap3A_937], %broadcast_in_dim3A_3 {strides = array<i32>} : memref<8192xf32, #tpu.memory_space<vmem>>, vector<16xf32>,
    %swap3A_939 = arith.constant 7472 : index
    %swap3A_940 = tpu.vector_load %arg5[%swap3A_939] {strides = array<i32>} : memref<8192xf32, #tpu.memory_space<vmem>>, vector<16xf32>,
    tpu.vector_store %arg5[%swap3A_939], %broadcast_in_dim3A_3 {strides = array<i32>} : memref<8192xf32, #tpu.memory_space<vmem>>, vector<16xf32>,
    %swap3A_941 = arith.constant 7488 : index
    %swap3A_942 = tpu.vector_load %arg5[%swap3A_941] {strides = array<i32>} : memref<8192xf32, #tpu.memory_space<vmem>>, vector<16xf32>,
    tpu.vector_store %arg5[%swap3A_941], %broadcast_in_dim3A_3 {strides = array<i32>} : memref<8192xf32, #tpu.memory_space<vmem>>, vector<16xf32>,
    %swap3A_943 = arith.constant 7504 : index
    %swap3A_944 = tpu.vector_load %arg5[%swap3A_943] {strides = array<i32>} : memref<8192xf32, #tpu.memory_space<vmem>>, vector<16xf32>,
    tpu.vector_store %arg5[%swap3A_943], %broadcast_in_dim3A_3 {strides = array<i32>} : memref<8192xf32, #tpu.memory_space<vmem>>, vector<16xf32>,
    %swap3A_945 = arith.constant 7520 : index
    %swap3A_946 = tpu.vector_load %arg5[%swap3A_945] {strides = array<i32>} : memref<8192xf32, #tpu.memory_space<vmem>>, vector<16xf32>,
    tpu.vector_store %arg5[%swap3A_945], %broadcast_in_dim3A_3 {strides = array<i32>} : memref<8192xf32, #tpu.memory_space<vmem>>, vector<16xf32>,
    %swap3A_947 = arith.constant 7536 : index
    %swap3A_948 = tpu.vector_load %arg5[%swap3A_947] {strides = array<i32>} : memref<8192xf32, #tpu.memory_space<vmem>>, vector<16xf32>,
    tpu.vector_store %arg5[%swap3A_947], %broadcast_in_dim3A_3 {strides = array<i32>} : memref<8192xf32, #tpu.memory_space<vmem>>, vector<16xf32>,
    %swap3A_949 = arith.constant 7552 : index
    %swap3A_950 = tpu.vector_load %arg5[%swap3A_949] {strides = array<i32>} : memref<8192xf32, #tpu.memory_space<vmem>>, vector<16xf32>,
    tpu.vector_store %arg5[%swap3A_949], %broadcast_in_dim3A_3 {strides = array<i32>} : memref<8192xf32, #tpu.memory_space<vmem>>, vector<16xf32>,
    %swap3A_951 = arith.constant 7568 : index
    %swap3A_952 = tpu.vector_load %arg5[%swap3A_951] {strides = array<i32>} : memref<8192xf32, #tpu.memory_space<vmem>>, vector<16xf32>,
    tpu.vector_store %arg5[%swap3A_951], %broadcast_in_dim3A_3 {strides = array<i32>} : memref<8192xf32, #tpu.memory_space<vmem>>, vector<16xf32>,
    %swap3A_953 = arith.constant 7584 : index
    %swap3A_954 = tpu.vector_load %arg5[%swap3A_953] {strides = array<i32>} : memref<8192xf32, #tpu.memory_space<vmem>>, vector<16xf32>,
    tpu.vector_store %arg5[%swap3A_953], %broadcast_in_dim3A_3 {strides = array<i32>} : memref<8192xf32, #tpu.memory_space<vmem>>, vector<16xf32>,
    %swap3A_955 = arith.constant 7600 : index
    %swap3A_956 = tpu.vector_load %arg5[%swap3A_955] {strides = array<i32>} : memref<8192xf32, #tpu.memory_space<vmem>>, vector<16xf32>,
    tpu.vector_store %arg5[%swap3A_955], %broadcast_in_dim3A_3 {strides = array<i32>} : memref<8192xf32, #tpu.memory_space<vmem>>, vector<16xf32>,
    %swap3A_957 = arith.constant 7616 : index
    %swap3A_958 = tpu.vector_load %arg5[%swap3A_957] {strides = array<i32>} : memref<8192xf32, #tpu.memory_space<vmem>>, vector<16xf32>,
    tpu.vector_store %arg5[%swap3A_957], %broadcast_in_dim3A_3 {strides = array<i32>} : memref<8192xf32, #tpu.memory_space<vmem>>, vector<16xf32>,
    %swap3A_959 = arith.constant 7632 : index
    %swap3A_960 = tpu.vector_load %arg5[%swap3A_959] {strides = array<i32>} : memref<8192xf32, #tpu.memory_space<vmem>>, vector<16xf32>,
    tpu.vector_store %arg5[%swap3A_959], %broadcast_in_dim3A_3 {strides = array<i32>} : memref<8192xf32, #tpu.memory_space<vmem>>, vector<16xf32>,
    %swap3A_961 = arith.constant 7648 : index
    %swap3A_962 = tpu.vector_load %arg5[%swap3A_961] {strides = array<i32>} : memref<8192xf32, #tpu.memory_space<vmem>>, vector<16xf32>,
    tpu.vector_store %arg5[%swap3A_961], %broadcast_in_dim3A_3 {strides = array<i32>} : memref<8192xf32, #tpu.memory_space<vmem>>, vector<16xf32>,
    %swap3A_963 = arith.constant 7664 : index
    %swap3A_964 = tpu.vector_load %arg5[%swap3A_963] {strides = array<i32>} : memref<8192xf32, #tpu.memory_space<vmem>>, vector<16xf32>,
    tpu.vector_store %arg5[%swap3A_963], %broadcast_in_dim3A_3 {strides = array<i32>} : memref<8192xf32, #tpu.memory_space<vmem>>, vector<16xf32>,
    %swap3A_965 = arith.constant 7680 : index
    %swap3A_966 = tpu.vector_load %arg5[%swap3A_965] {strides = array<i32>} : memref<8192xf32, #tpu.memory_space<vmem>>, vector<16xf32>,
    tpu.vector_store %arg5[%swap3A_965], %broadcast_in_dim3A_3 {strides = array<i32>} : memref<8192xf32, #tpu.memory_space<vmem>>, vector<16xf32>,
    %swap3A_967 = arith.constant 7696 : index
    %swap3A_968 = tpu.vector_load %arg5[%swap3A_967] {strides = array<i32>} : memref<8192xf32, #tpu.memory_space<vmem>>, vector<16xf32>,
    tpu.vector_store %arg5[%swap3A_967], %broadcast_in_dim3A_3 {strides = array<i32>} : memref<8192xf32, #tpu.memory_space<vmem>>, vector<16xf32>,
    %swap3A_969 = arith.constant 7712 : index
    %swap3A_970 = tpu.vector_load %arg5[%swap3A_969] {strides = array<i32>} : memref<8192xf32, #tpu.memory_space<vmem>>, vector<16xf32>,
    tpu.vector_store %arg5[%swap3A_969], %broadcast_in_dim3A_3 {strides = array<i32>} : memref<8192xf32, #tpu.memory_space<vmem>>, vector<16xf32>,
    %swap3A_971 = arith.constant 7728 : index
    %swap3A_972 = tpu.vector_load %arg5[%swap3A_971] {strides = array<i32>} : memref<8192xf32, #tpu.memory_space<vmem>>, vector<16xf32>,
    tpu.vector_store %arg5[%swap3A_971], %broadcast_in_dim3A_3 {strides = array<i32>} : memref<8192xf32, #tpu.memory_space<vmem>>, vector<16xf32>,
    %swap3A_973 = arith.constant 7744 : index
    %swap3A_974 = tpu.vector_load %arg5[%swap3A_973] {strides = array<i32>} : memref<8192xf32, #tpu.memory_space<vmem>>, vector<16xf32>,
    tpu.vector_store %arg5[%swap3A_973], %broadcast_in_dim3A_3 {strides = array<i32>} : memref<8192xf32, #tpu.memory_space<vmem>>, vector<16xf32>,
    %swap3A_975 = arith.constant 7760 : index
    %swap3A_976 = tpu.vector_load %arg5[%swap3A_975] {strides = array<i32>} : memref<8192xf32, #tpu.memory_space<vmem>>, vector<16xf32>,
    tpu.vector_store %arg5[%swap3A_975], %broadcast_in_dim3A_3 {strides = array<i32>} : memref<8192xf32, #tpu.memory_space<vmem>>, vector<16xf32>,
    %swap3A_977 = arith.constant 7776 : index
    %swap3A_978 = tpu.vector_load %arg5[%swap3A_977] {strides = array<i32>} : memref<8192xf32, #tpu.memory_space<vmem>>, vector<16xf32>,
    tpu.vector_store %arg5[%swap3A_977], %broadcast_in_dim3A_3 {strides = array<i32>} : memref<8192xf32, #tpu.memory_space<vmem>>, vector<16xf32>,
    %swap3A_979 = arith.constant 7792 : index
    %swap3A_980 = tpu.vector_load %arg5[%swap3A_979] {strides = array<i32>} : memref<8192xf32, #tpu.memory_space<vmem>>, vector<16xf32>,
    tpu.vector_store %arg5[%swap3A_979], %broadcast_in_dim3A_3 {strides = array<i32>} : memref<8192xf32, #tpu.memory_space<vmem>>, vector<16xf32>,
    %swap3A_981 = arith.constant 7808 : index
    %swap3A_982 = tpu.vector_load %arg5[%swap3A_981] {strides = array<i32>} : memref<8192xf32, #tpu.memory_space<vmem>>, vector<16xf32>,
    tpu.vector_store %arg5[%swap3A_981], %broadcast_in_dim3A_3 {strides = array<i32>} : memref<8192xf32, #tpu.memory_space<vmem>>, vector<16xf32>,
    %swap3A_983 = arith.constant 7824 : index
    %swap3A_984 = tpu.vector_load %arg5[%swap3A_983] {strides = array<i32>} : memref<8192xf32, #tpu.memory_space<vmem>>, vector<16xf32>,
    tpu.vector_store %arg5[%swap3A_983], %broadcast_in_dim3A_3 {strides = array<i32>} : memref<8192xf32, #tpu.memory_space<vmem>>, vector<16xf32>,
    %swap3A_985 = arith.constant 7840 : index
    %swap3A_986 = tpu.vector_load %arg5[%swap3A_985] {strides = array<i32>} : memref<8192xf32, #tpu.memory_space<vmem>>, vector<16xf32>,
    tpu.vector_store %arg5[%swap3A_985], %broadcast_in_dim3A_3 {strides = array<i32>} : memref<8192xf32, #tpu.memory_space<vmem>>, vector<16xf32>,
    %swap3A_987 = arith.constant 7856 : index
    %swap3A_988 = tpu.vector_load %arg5[%swap3A_987] {strides = array<i32>} : memref<8192xf32, #tpu.memory_space<vmem>>, vector<16xf32>,
    tpu.vector_store %arg5[%swap3A_987], %broadcast_in_dim3A_3 {strides = array<i32>} : memref<8192xf32, #tpu.memory_space<vmem>>, vector<16xf32>,
    %swap3A_989 = arith.constant 7872 : index
    %swap3A_990 = tpu.vector_load %arg5[%swap3A_989] {strides = array<i32>} : memref<8192xf32, #tpu.memory_space<vmem>>, vector<16xf32>,
    tpu.vector_store %arg5[%swap3A_989], %broadcast_in_dim3A_3 {strides = array<i32>} : memref<8192xf32, #tpu.memory_space<vmem>>, vector<16xf32>,
    %swap3A_991 = arith.constant 7888 : index
    %swap3A_992 = tpu.vector_load %arg5[%swap3A_991] {strides = array<i32>} : memref<8192xf32, #tpu.memory_space<vmem>>, vector<16xf32>,
    tpu.vector_store %arg5[%swap3A_991], %broadcast_in_dim3A_3 {strides = array<i32>} : memref<8192xf32, #tpu.memory_space<vmem>>, vector<16xf32>,
    %swap3A_993 = arith.constant 7904 : index
    %swap3A_994 = tpu.vector_load %arg5[%swap3A_993] {strides = array<i32>} : memref<8192xf32, #tpu.memory_space<vmem>>, vector<16xf32>,
    tpu.vector_store %arg5[%swap3A_993], %broadcast_in_dim3A_3 {strides = array<i32>} : memref<8192xf32, #tpu.memory_space<vmem>>, vector<16xf32>,
    %swap3A_995 = arith.constant 7920 : index
    %swap3A_996 = tpu.vector_load %arg5[%swap3A_995] {strides = array<i32>} : memref<8192xf32, #tpu.memory_space<vmem>>, vector<16xf32>,
    tpu.vector_store %arg5[%swap3A_995], %broadcast_in_dim3A_3 {strides = array<i32>} : memref<8192xf32, #tpu.memory_space<vmem>>, vector<16xf32>,
    %swap3A_997 = arith.constant 7936 : index
    %swap3A_998 = tpu.vector_load %arg5[%swap3A_997] {strides = array<i32>} : memref<8192xf32, #tpu.memory_space<vmem>>, vector<16xf32>,
    tpu.vector_store %arg5[%swap3A_997], %broadcast_in_dim3A_3 {strides = array<i32>} : memref<8192xf32, #tpu.memory_space<vmem>>, vector<16xf32>,
    %swap3A_999 = arith.constant 7952 : index
    %swap3A_1000 = tpu.vector_load %arg5[%swap3A_999] {strides = array<i32>} : memref<8192xf32, #tpu.memory_space<vmem>>, vector<16xf32>,
    tpu.vector_store %arg5[%swap3A_999], %broadcast_in_dim3A_3 {strides = array<i32>} : memref<8192xf32, #tpu.memory_space<vmem>>, vector<16xf32>,
    %swap3A_1001 = arith.constant 7968 : index
    %swap3A_1002 = tpu.vector_load %arg5[%swap3A_1001] {strides = array<i32>} : memref<8192xf32, #tpu.memory_space<vmem>>, vector<16xf32>,
    tpu.vector_store %arg5[%swap3A_1001], %broadcast_in_dim3A_3 {strides = array<i32>} : memref<8192xf32, #tpu.memory_space<vmem>>, vector<16xf32>,
    %swap3A_1003 = arith.constant 7984 : index
    %swap3A_1004 = tpu.vector_load %arg5[%swap3A_1003] {strides = array<i32>} : memref<8192xf32, #tpu.memory_space<vmem>>, vector<16xf32>,
    tpu.vector_store %arg5[%swap3A_1003], %broadcast_in_dim3A_3 {strides = array<i32>} : memref<8192xf32, #tpu.memory_space<vmem>>, vector<16xf32>,
    %swap3A_1005 = arith.constant 8000 : index
    %swap3A_1006 = tpu.vector_load %arg5[%swap3A_1005] {strides = array<i32>} : memref<8192xf32, #tpu.memory_space<vmem>>, vector<16xf32>,
    tpu.vector_store %arg5[%swap3A_1005], %broadcast_in_dim3A_3 {strides = array<i32>} : memref<8192xf32, #tpu.memory_space<vmem>>, vector<16xf32>,
    %swap3A_1007 = arith.constant 8016 : index
    %swap3A_1008 = tpu.vector_load %arg5[%swap3A_1007] {strides = array<i32>} : memref<8192xf32, #tpu.memory_space<vmem>>, vector<16xf32>,
    tpu.vector_store %arg5[%swap3A_1007], %broadcast_in_dim3A_3 {strides = array<i32>} : memref<8192xf32, #tpu.memory_space<vmem>>, vector<16xf32>,
    %swap3A_1009 = arith.constant 8032 : index
    %swap3A_1010 = tpu.vector_load %arg5[%swap3A_1009] {strides = array<i32>} : memref<8192xf32, #tpu.memory_space<vmem>>, vector<16xf32>,
    tpu.vector_store %arg5[%swap3A_1009], %broadcast_in_dim3A_3 {strides = array<i32>} : memref<8192xf32, #tpu.memory_space<vmem>>, vector<16xf32>,
    %swap3A_1011 = arith.constant 8048 : index
    %swap3A_1012 = tpu.vector_load %arg5[%swap3A_1011] {strides = array<i32>} : memref<8192xf32, #tpu.memory_space<vmem>>, vector<16xf32>,
    tpu.vector_store %arg5[%swap3A_1011], %broadcast_in_dim3A_3 {strides = array<i32>} : memref<8192xf32, #tpu.memory_space<vmem>>, vector<16xf32>,
    %swap3A_1013 = arith.constant 8064 : index
    %swap3A_1014 = tpu.vector_load %arg5[%swap3A_1013] {strides = array<i32>} : memref<8192xf32, #tpu.memory_space<vmem>>, vector<16xf32>,
    tpu.vector_store %arg5[%swap3A_1013], %broadcast_in_dim3A_3 {strides = array<i32>} : memref<8192xf32, #tpu.memory_space<vmem>>, vector<16xf32>,
    %swap3A_1015 = arith.constant 8080 : index
    %swap3A_1016 = tpu.vector_load %arg5[%swap3A_1015] {strides = array<i32>} : memref<8192xf32, #tpu.memory_space<vmem>>, vector<16xf32>,
    tpu.vector_store %arg5[%swap3A_1015], %broadcast_in_dim3A_3 {strides = array<i32>} : memref<8192xf32, #tpu.memory_space<vmem>>, vector<16xf32>,
    %swap3A_1017 = arith.constant 8096 : index
    %swap3A_1018 = tpu.vector_load %arg5[%swap3A_1017] {strides = array<i32>} : memref<8192xf32, #tpu.memory_space<vmem>>, vector<16xf32>,
    tpu.vector_store %arg5[%swap3A_1017], %broadcast_in_dim3A_3 {strides = array<i32>} : memref<8192xf32, #tpu.memory_space<vmem>>, vector<16xf32>,
    %swap3A_1019 = arith.constant 8112 : index
    %swap3A_1020 = tpu.vector_load %arg5[%swap3A_1019] {strides = array<i32>} : memref<8192xf32, #tpu.memory_space<vmem>>, vector<16xf32>,
    tpu.vector_store %arg5[%swap3A_1019], %broadcast_in_dim3A_3 {strides = array<i32>} : memref<8192xf32, #tpu.memory_space<vmem>>, vector<16xf32>,
    %swap3A_1021 = arith.constant 8128 : index
    %swap3A_1022 = tpu.vector_load %arg5[%swap3A_1021] {strides = array<i32>} : memref<8192xf32, #tpu.memory_space<vmem>>, vector<16xf32>,
    tpu.vector_store %arg5[%swap3A_1021], %broadcast_in_dim3A_3 {strides = array<i32>} : memref<8192xf32, #tpu.memory_space<vmem>>, vector<16xf32>,
    %swap3A_1023 = arith.constant 8144 : index
    %swap3A_1024 = tpu.vector_load %arg5[%swap3A_1023] {strides = array<i32>} : memref<8192xf32, #tpu.memory_space<vmem>>, vector<16xf32>,
    tpu.vector_store %arg5[%swap3A_1023], %broadcast_in_dim3A_3 {strides = array<i32>} : memref<8192xf32, #tpu.memory_space<vmem>>, vector<16xf32>,
    %swap3A_1025 = arith.constant 8160 : index
    %swap3A_1026 = tpu.vector_load %arg5[%swap3A_1025] {strides = array<i32>} : memref<8192xf32, #tpu.memory_space<vmem>>, vector<16xf32>,
    tpu.vector_store %arg5[%swap3A_1025], %broadcast_in_dim3A_3 {strides = array<i32>} : memref<8192xf32, #tpu.memory_space<vmem>>, vector<16xf32>,
    %swap3A_1027 = arith.constant 8176 : index
    %swap3A_1028 = tpu.vector_load %arg5[%swap3A_1027] {strides = array<i32>} : memref<8192xf32, #tpu.memory_space<vmem>>, vector<16xf32>,
    tpu.vector_store %arg5[%swap3A_1027], %broadcast_in_dim3A_3 {strides = array<i32>} : memref<8192xf32, #tpu.memory_space<vmem>>, vector<16xf32>,
    %get3A = arith.constant 0 : index
    %get3A_1029 = tpu.vector_load %arg4[%get3A] {strides = array<i32>} : memref<512xi32, #tpu.memory_space<vmem>>, vector<16xi32>,
    tpu.vector_store_idx %arg5[%get3A_1029], %broadcast_in_dim3A_5 : memref<8192xf32, #tpu.memory_space<vmem>>[vector<16xi32>], vector<16xf32>,
    %get3A_1030 = arith.constant 16 : index
    %get3A_1031 = tpu.vector_load %arg4[%get3A_1030] {strides = array<i32>} : memref<512xi32, #tpu.memory_space<vmem>>, vector<16xi32>,
    tpu.vector_store_idx %arg5[%get3A_1031], %broadcast_in_dim3A_5 : memref<8192xf32, #tpu.memory_space<vmem>>[vector<16xi32>], vector<16xf32>,
    %get3A_1032 = arith.constant 32 : index
    %get3A_1033 = tpu.vector_load %arg4[%get3A_1032] {strides = array<i32>} : memref<512xi32, #tpu.memory_space<vmem>>, vector<16xi32>,
    tpu.vector_store_idx %arg5[%get3A_1033], %broadcast_in_dim3A_5 : memref<8192xf32, #tpu.memory_space<vmem>>[vector<16xi32>], vector<16xf32>,
    %get3A_1034 = arith.constant 48 : index
    %get3A_1035 = tpu.vector_load %arg4[%get3A_1034] {strides = array<i32>} : memref<512xi32, #tpu.memory_space<vmem>>, vector<16xi32>,
    tpu.vector_store_idx %arg5[%get3A_1035], %broadcast_in_dim3A_5 : memref<8192xf32, #tpu.memory_space<vmem>>[vector<16xi32>], vector<16xf32>,
    %get3A_1036 = arith.constant 64 : index
    %get3A_1037 = tpu.vector_load %arg4[%get3A_1036] {strides = array<i32>} : memref<512xi32, #tpu.memory_space<vmem>>, vector<16xi32>,
    tpu.vector_store_idx %arg5[%get3A_1037], %broadcast_in_dim3A_5 : memref<8192xf32, #tpu.memory_space<vmem>>[vector<16xi32>], vector<16xf32>,
    %get3A_1038 = arith.constant 80 : index
    %get3A_1039 = tpu.vector_load %arg4[%get3A_1038] {strides = array<i32>} : memref<512xi32, #tpu.memory_space<vmem>>, vector<16xi32>,
    tpu.vector_store_idx %arg5[%get3A_1039], %broadcast_in_dim3A_5 : memref<8192xf32, #tpu.memory_space<vmem>>[vector<16xi32>], vector<16xf32>,
    %get3A_1040 = arith.constant 96 : index
    %get3A_1041 = tpu.vector_load %arg4[%get3A_1040] {strides = array<i32>} : memref<512xi32, #tpu.memory_space<vmem>>, vector<16xi32>,
    tpu.vector_store_idx %arg5[%get3A_1041], %broadcast_in_dim3A_5 : memref<8192xf32, #tpu.memory_space<vmem>>[vector<16xi32>], vector<16xf32>,
    %get3A_1042 = arith.constant 112 : index
    %get3A_1043 = tpu.vector_load %arg4[%get3A_1042] {strides = array<i32>} : memref<512xi32, #tpu.memory_space<vmem>>, vector<16xi32>,
    tpu.vector_store_idx %arg5[%get3A_1043], %broadcast_in_dim3A_5 : memref<8192xf32, #tpu.memory_space<vmem>>[vector<16xi32>], vector<16xf32>,
    %get3A_1044 = arith.constant 128 : index
    %get3A_1045 = tpu.vector_load %arg4[%get3A_1044] {strides = array<i32>} : memref<512xi32, #tpu.memory_space<vmem>>, vector<16xi32>,
    tpu.vector_store_idx %arg5[%get3A_1045], %broadcast_in_dim3A_5 : memref<8192xf32, #tpu.memory_space<vmem>>[vector<16xi32>], vector<16xf32>,
    %get3A_1046 = arith.constant 144 : index
    %get3A_1047 = tpu.vector_load %arg4[%get3A_1046] {strides = array<i32>} : memref<512xi32, #tpu.memory_space<vmem>>, vector<16xi32>,
    tpu.vector_store_idx %arg5[%get3A_1047], %broadcast_in_dim3A_5 : memref<8192xf32, #tpu.memory_space<vmem>>[vector<16xi32>], vector<16xf32>,
    %get3A_1048 = arith.constant 160 : index
    %get3A_1049 = tpu.vector_load %arg4[%get3A_1048] {strides = array<i32>} : memref<512xi32, #tpu.memory_space<vmem>>, vector<16xi32>,
    tpu.vector_store_idx %arg5[%get3A_1049], %broadcast_in_dim3A_5 : memref<8192xf32, #tpu.memory_space<vmem>>[vector<16xi32>], vector<16xf32>,
    %get3A_1050 = arith.constant 176 : index
    %get3A_1051 = tpu.vector_load %arg4[%get3A_1050] {strides = array<i32>} : memref<512xi32, #tpu.memory_space<vmem>>, vector<16xi32>,
    tpu.vector_store_idx %arg5[%get3A_1051], %broadcast_in_dim3A_5 : memref<8192xf32, #tpu.memory_space<vmem>>[vector<16xi32>], vector<16xf32>,
    %get3A_1052 = arith.constant 192 : index
    %get3A_1053 = tpu.vector_load %arg4[%get3A_1052] {strides = array<i32>} : memref<512xi32, #tpu.memory_space<vmem>>, vector<16xi32>,
    tpu.vector_store_idx %arg5[%get3A_1053], %broadcast_in_dim3A_5 : memref<8192xf32, #tpu.memory_space<vmem>>[vector<16xi32>], vector<16xf32>,
    %get3A_1054 = arith.constant 208 : index
    %get3A_1055 = tpu.vector_load %arg4[%get3A_1054] {strides = array<i32>} : memref<512xi32, #tpu.memory_space<vmem>>, vector<16xi32>,
    tpu.vector_store_idx %arg5[%get3A_1055], %broadcast_in_dim3A_5 : memref<8192xf32, #tpu.memory_space<vmem>>[vector<16xi32>], vector<16xf32>,
    %get3A_1056 = arith.constant 224 : index
    %get3A_1057 = tpu.vector_load %arg4[%get3A_1056] {strides = array<i32>} : memref<512xi32, #tpu.memory_space<vmem>>, vector<16xi32>,
    tpu.vector_store_idx %arg5[%get3A_1057], %broadcast_in_dim3A_5 : memref<8192xf32, #tpu.memory_space<vmem>>[vector<16xi32>], vector<16xf32>,
    %get3A_1058 = arith.constant 240 : index
    %get3A_1059 = tpu.vector_load %arg4[%get3A_1058] {strides = array<i32>} : memref<512xi32, #tpu.memory_space<vmem>>, vector<16xi32>,
    tpu.vector_store_idx %arg5[%get3A_1059], %broadcast_in_dim3A_5 : memref<8192xf32, #tpu.memory_space<vmem>>[vector<16xi32>], vector<16xf32>,
    %get3A_1060 = arith.constant 256 : index
    %get3A_1061 = tpu.vector_load %arg4[%get3A_1060] {strides = array<i32>} : memref<512xi32, #tpu.memory_space<vmem>>, vector<16xi32>,
    tpu.vector_store_idx %arg5[%get3A_1061], %broadcast_in_dim3A_5 : memref<8192xf32, #tpu.memory_space<vmem>>[vector<16xi32>], vector<16xf32>,
    %get3A_1062 = arith.constant 272 : index
    %get3A_1063 = tpu.vector_load %arg4[%get3A_1062] {strides = array<i32>} : memref<512xi32, #tpu.memory_space<vmem>>, vector<16xi32>,
    tpu.vector_store_idx %arg5[%get3A_1063], %broadcast_in_dim3A_5 : memref<8192xf32, #tpu.memory_space<vmem>>[vector<16xi32>], vector<16xf32>,
    %get3A_1064 = arith.constant 288 : index
    %get3A_1065 = tpu.vector_load %arg4[%get3A_1064] {strides = array<i32>} : memref<512xi32, #tpu.memory_space<vmem>>, vector<16xi32>,
    tpu.vector_store_idx %arg5[%get3A_1065], %broadcast_in_dim3A_5 : memref<8192xf32, #tpu.memory_space<vmem>>[vector<16xi32>], vector<16xf32>,
    %get3A_1066 = arith.constant 304 : index
    %get3A_1067 = tpu.vector_load %arg4[%get3A_1066] {strides = array<i32>} : memref<512xi32, #tpu.memory_space<vmem>>, vector<16xi32>,
    tpu.vector_store_idx %arg5[%get3A_1067], %broadcast_in_dim3A_5 : memref<8192xf32, #tpu.memory_space<vmem>>[vector<16xi32>], vector<16xf32>,
    %get3A_1068 = arith.constant 320 : index
    %get3A_1069 = tpu.vector_load %arg4[%get3A_1068] {strides = array<i32>} : memref<512xi32, #tpu.memory_space<vmem>>, vector<16xi32>,
    tpu.vector_store_idx %arg5[%get3A_1069], %broadcast_in_dim3A_5 : memref<8192xf32, #tpu.memory_space<vmem>>[vector<16xi32>], vector<16xf32>,
    %get3A_1070 = arith.constant 336 : index
    %get3A_1071 = tpu.vector_load %arg4[%get3A_1070] {strides = array<i32>} : memref<512xi32, #tpu.memory_space<vmem>>, vector<16xi32>,
    tpu.vector_store_idx %arg5[%get3A_1071], %broadcast_in_dim3A_5 : memref<8192xf32, #tpu.memory_space<vmem>>[vector<16xi32>], vector<16xf32>,
    %get3A_1072 = arith.constant 352 : index
    %get3A_1073 = tpu.vector_load %arg4[%get3A_1072] {strides = array<i32>} : memref<512xi32, #tpu.memory_space<vmem>>, vector<16xi32>,
    tpu.vector_store_idx %arg5[%get3A_1073], %broadcast_in_dim3A_5 : memref<8192xf32, #tpu.memory_space<vmem>>[vector<16xi32>], vector<16xf32>,
    %get3A_1074 = arith.constant 368 : index
    %get3A_1075 = tpu.vector_load %arg4[%get3A_1074] {strides = array<i32>} : memref<512xi32, #tpu.memory_space<vmem>>, vector<16xi32>,
    tpu.vector_store_idx %arg5[%get3A_1075], %broadcast_in_dim3A_5 : memref<8192xf32, #tpu.memory_space<vmem>>[vector<16xi32>], vector<16xf32>,
    %get3A_1076 = arith.constant 384 : index
    %get3A_1077 = tpu.vector_load %arg4[%get3A_1076] {strides = array<i32>} : memref<512xi32, #tpu.memory_space<vmem>>, vector<16xi32>,
    tpu.vector_store_idx %arg5[%get3A_1077], %broadcast_in_dim3A_5 : memref<8192xf32, #tpu.memory_space<vmem>>[vector<16xi32>], vector<16xf32>,
    %get3A_1078 = arith.constant 400 : index
    %get3A_1079 = tpu.vector_load %arg4[%get3A_1078] {strides = array<i32>} : memref<512xi32, #tpu.memory_space<vmem>>, vector<16xi32>,
    tpu.vector_store_idx %arg5[%get3A_1079], %broadcast_in_dim3A_5 : memref<8192xf32, #tpu.memory_space<vmem>>[vector<16xi32>], vector<16xf32>,
    %get3A_1080 = arith.constant 416 : index
    %get3A_1081 = tpu.vector_load %arg4[%get3A_1080] {strides = array<i32>} : memref<512xi32, #tpu.memory_space<vmem>>, vector<16xi32>,
    tpu.vector_store_idx %arg5[%get3A_1081], %broadcast_in_dim3A_5 : memref<8192xf32, #tpu.memory_space<vmem>>[vector<16xi32>], vector<16xf32>,
    %get3A_1082 = arith.constant 432 : index
    %get3A_1083 = tpu.vector_load %arg4[%get3A_1082] {strides = array<i32>} : memref<512xi32, #tpu.memory_space<vmem>>, vector<16xi32>,
    tpu.vector_store_idx %arg5[%get3A_1083], %broadcast_in_dim3A_5 : memref<8192xf32, #tpu.memory_space<vmem>>[vector<16xi32>], vector<16xf32>,
    %get3A_1084 = arith.constant 448 : index
    %get3A_1085 = tpu.vector_load %arg4[%get3A_1084] {strides = array<i32>} : memref<512xi32, #tpu.memory_space<vmem>>, vector<16xi32>,
    tpu.vector_store_idx %arg5[%get3A_1085], %broadcast_in_dim3A_5 : memref<8192xf32, #tpu.memory_space<vmem>>[vector<16xi32>], vector<16xf32>,
    %get3A_1086 = arith.constant 464 : index
    %get3A_1087 = tpu.vector_load %arg4[%get3A_1086] {strides = array<i32>} : memref<512xi32, #tpu.memory_space<vmem>>, vector<16xi32>,
    tpu.vector_store_idx %arg5[%get3A_1087], %broadcast_in_dim3A_5 : memref<8192xf32, #tpu.memory_space<vmem>>[vector<16xi32>], vector<16xf32>,
    %get3A_1088 = arith.constant 480 : index
    %get3A_1089 = tpu.vector_load %arg4[%get3A_1088] {strides = array<i32>} : memref<512xi32, #tpu.memory_space<vmem>>, vector<16xi32>,
    tpu.vector_store_idx %arg5[%get3A_1089], %broadcast_in_dim3A_5 : memref<8192xf32, #tpu.memory_space<vmem>>[vector<16xi32>], vector<16xf32>,
    %get3A_1090 = arith.constant 496 : index
    %get3A_1091 = tpu.vector_load %arg4[%get3A_1090] {strides = array<i32>} : memref<512xi32, #tpu.memory_space<vmem>>, vector<16xi32>,
    tpu.vector_store_idx %arg5[%get3A_1091], %broadcast_in_dim3A_5 : memref<8192xf32, #tpu.memory_space<vmem>>[vector<16xi32>], vector<16xf32>,
    "tpu.region"() ({
      %run_scoped3A = tpu.sem_alloc : memref<!tpu.dma_semaphore, #tpu.memory_space<semaphore_mem>>
      %dma_start3A = arith.constant 0 : i32
      %dma_start3A_1092 = tpu.memref_slice %arg3[%add3A, %dma_start3A] : memref<32x8192xf32, #tpu.memory_space<hbm>> -> memref<1x8192xf32, #tpu.memory_space<hbm>>
      %dma_start3A_1093 = tpu.memref_squeeze %dma_start3A_1092 : memref<1x8192xf32, #tpu.memory_space<hbm>> -> memref<8192xf32, #tpu.memory_space<hbm>>
      %dma_start3A_1094 = arith.constant 0 : i32
      %dma_start3A_1095 = tpu.memref_slice %arg3[%add3A, %dma_start3A_1094] : memref<32x8192xf32, #tpu.memory_space<hbm>> -> memref<1x8192xf32, #tpu.memory_space<hbm>>
      %dma_start3A_1096 = tpu.memref_squeeze %dma_start3A_1095 : memref<1x8192xf32, #tpu.memory_space<hbm>> -> memref<8192xf32, #tpu.memory_space<hbm>>
      tpu.enqueue_dma source(%arg5 : memref<8192xf32, #tpu.memory_space<vmem>>) target(%dma_start3A_1096 : memref<8192xf32, #tpu.memory_space<hbm>>) target_semaphore(%run_scoped3A : memref<!tpu.dma_semaphore, #tpu.memory_space<semaphore_mem>>)
      %dma_wait3A = arith.constant 0 : i32
      %dma_wait3A_1097 = tpu.memref_slice %arg3[%add3A, %dma_wait3A] : memref<32x8192xf32, #tpu.memory_space<hbm>> -> memref<1x8192xf32, #tpu.memory_space<hbm>>
      %dma_wait3A_1098 = tpu.memref_squeeze %dma_wait3A_1097 : memref<1x8192xf32, #tpu.memory_space<hbm>> -> memref<8192xf32, #tpu.memory_space<hbm>>
      %dma_wait3A_1099 = arith.constant 0 : i32
      %dma_wait3A_1100 = tpu.memref_slice %arg3[%add3A, %dma_wait3A_1099] : memref<32x8192xf32, #tpu.memory_space<hbm>> -> memref<1x8192xf32, #tpu.memory_space<hbm>>
      %dma_wait3A_1101 = tpu.memref_squeeze %dma_wait3A_1100 : memref<1x8192xf32, #tpu.memory_space<hbm>> -> memref<8192xf32, #tpu.memory_space<hbm>>
      tpu.wait_dma2 semaphore(%run_scoped3A : memref<!tpu.dma_semaphore, #tpu.memory_space<semaphore_mem>>) src(%arg5 : memref<8192xf32, #tpu.memory_space<vmem>>) dst(%dma_wait3A_1101 : memref<8192xf32, #tpu.memory_space<hbm>>)
      tpu.yield
    }) : () -> ()
    return
  }
}

module attributes {stable_mosaic.version = 14 : i64} {
  func.func @_tc_body(%arg0: i32, %arg1: memref<1x256xf32, #tpu.memory_space<vmem>>, %arg2: memref<2048x256xf32, #tpu.memory_space<vmem>>, %arg3: memref<32x2048xf32, #tpu.memory_space<vmem>>, %arg4: memref<2048x256xf32, #tpu.memory_space<vmem>>) attributes {dimension_semantics = [#tpu.dimension_semantics<arbitrary>], iteration_bounds = array<i64: 4>, scalar_prefetch = 0 : i64, scratch_operands = 0 : i64, tpu.core_type = #tpu.core_type<tc>, window_params = [{pipeline_mode = #tpu.pipeline_mode<synchronous>, transform_indices = @transform_0, window_bounds = array<i64: 1, 256>}, {transform_indices = @transform_1, window_bounds = array<i64: 2048, 256>}, {transform_indices = @transform_2, window_bounds = array<i64: 32, 2048>}, {transform_indices = @transform_3, window_bounds = array<i64: 2048, 256>}]} {
    %get3A = arith.constant 0 : index
    %get3A_0 = arith.constant 0 : index
    %get3A_1 = vector.load %arg2[%get3A, %get3A_0] : memref<2048x256xf32, #tpu.memory_space<vmem>>, vector<2048x256xf32>
    %iota3A = tpu.iota {dimensions = array<i32: 0>} : vector<2048x1xi32>
    %mul3A = arith.constant 2048 : i32
    %mul3A_2 = arith.muli %arg0, %mul3A : i32
    %add3A = vector.broadcast %mul3A_2 : i32 to vector<2048x1xi32>
    %add3A_3 = arith.addi %iota3A, %add3A : vector<2048x1xi32>
    %eq3A = arith.constant 0 : i32
    %eq3A_4 = vector.broadcast %eq3A : i32 to vector<2048x1xi32>
    %eq3A_5 = arith.cmpi eq, %add3A_3, %eq3A_4 : vector<2048x1xi32>
    %get3A_6 = arith.constant 0 : index
    %get3A_7 = arith.constant 0 : index
    %get3A_8 = vector.load %arg1[%get3A_6, %get3A_7] : memref<1x256xf32, #tpu.memory_space<vmem>>, vector<1x256xf32>
    %broadcast_in_dim3A = vector.shape_cast %eq3A_5 : vector<2048x1xi1> to vector<2048x1xi1>
    %broadcast_in_dim3A_9 = vector.broadcast %broadcast_in_dim3A : vector<2048x1xi1> to vector<2048x256xi1>
    %broadcast_in_dim3A_10 = vector.shape_cast %get3A_8 : vector<1x256xf32> to vector<1x256xf32>
    %broadcast_in_dim3A_11 = vector.broadcast %broadcast_in_dim3A_10 : vector<1x256xf32> to vector<2048x256xf32>
    %select_n3A = arith.select %broadcast_in_dim3A_9, %broadcast_in_dim3A_11, %get3A_1 : vector<2048x256xi1>, vector<2048x256xf32>
    %get3A_12 = arith.constant 0 : index
    %get3A_13 = arith.constant 0 : index
    %get3A_14 = vector.load %arg3[%get3A_12, %get3A_13] : memref<32x2048xf32, #tpu.memory_space<vmem>>, vector<32x2048xf32>
    %reduce_sum3A = arith.constant dense<0.000000e+00> : vector<2048xf32>
    %reduce_sum3A_15 = vector.multi_reduction <add>, %get3A_14, %reduce_sum3A [0] : vector<32x2048xf32> to vector<2048xf32>
    %gt3A = arith.constant 0.000000e+00 : f32
    %gt3A_16 = vector.broadcast %gt3A : f32 to vector<2048xf32>
    %gt3A_17 = arith.cmpf ogt, %reduce_sum3A_15, %gt3A_16 : vector<2048xf32>
    %convert_element_type3A = arith.extui %gt3A_17 : vector<2048xi1> to vector<2048xi32>
    %convert_element_type3A_18 = arith.sitofp %convert_element_type3A : vector<2048xi32> to vector<2048xf32>
    %mul3A_19 = arith.mulf %select_n3A, %select_n3A : vector<2048x256xf32>
    %reduce_sum3A_20 = arith.constant dense<0.000000e+00> : vector<2048xf32>
    %reduce_sum3A_21 = vector.multi_reduction <add>, %mul3A_19, %reduce_sum3A_20 [1] : vector<2048x256xf32> to vector<2048xf32>
    %max3A = arith.constant 1.000000e-24 : f32
    %max3A_22 = vector.broadcast %max3A : f32 to vector<2048xf32>
    %max3A_23 = arith.maximumf %reduce_sum3A_21, %max3A_22 : vector<2048xf32>
    %rsqrt3A = math.rsqrt %max3A_23 : vector<2048xf32>
    %mul3A_24 = arith.mulf %convert_element_type3A_18, %rsqrt3A : vector<2048xf32>
    %broadcast_in_dim3A_25 = vector.shape_cast %mul3A_24 : vector<2048xf32> to vector<2048x1xf32>
    %mul3A_26 = vector.broadcast %broadcast_in_dim3A_25 : vector<2048x1xf32> to vector<2048x256xf32>
    %mul3A_27 = arith.mulf %select_n3A, %mul3A_26 : vector<2048x256xf32>
    %swap3A = arith.constant 0 : index
    %swap3A_28 = arith.constant 0 : index
    %swap3A_29 = vector.load %arg4[%swap3A, %swap3A_28] : memref<2048x256xf32, #tpu.memory_space<vmem>>, vector<2048x256xf32>
    tpu.vector_store %arg4[%swap3A, %swap3A_28], %mul3A_27 {strides = array<i32>} : memref<2048x256xf32, #tpu.memory_space<vmem>>, vector<2048x256xf32>,
    return
  }
  func.func @transform_0(%arg0: i32) -> (i32, i32) {
    %c0_i32 = arith.constant 0 : i32
    %c0_i32_0 = arith.constant 0 : i32
    %c0_i32_1 = arith.constant 0 : i32
    return %c0_i32, %c0_i32_0 : i32, i32
  }
  func.func @transform_1(%arg0: i32) -> (i32, i32) {
    %c0_i32 = arith.constant 0 : i32
    %c0_i32_0 = arith.constant 0 : i32
    return %arg0, %c0_i32 : i32, i32
  }
  func.func @transform_2(%arg0: i32) -> (i32, i32) {
    %c0_i32 = arith.constant 0 : i32
    %c0_i32_0 = arith.constant 0 : i32
    return %c0_i32, %arg0 : i32, i32
  }
  func.func @transform_3(%arg0: i32) -> (i32, i32) {
    %c0_i32 = arith.constant 0 : i32
    %c0_i32_0 = arith.constant 0 : i32
    return %arg0, %c0_i32 : i32, i32
  }
}

</mosaic_0001>

<sc_bundles>
// kernel: _impl.4.cloned.1.call-start
scs
__scs_entry_jumppad:
0x0: {  	(pc) =	sbr.rel $0x88, $3  }
0x1: {  	(tag) =	ssettag $0x0;
	lr =	simm.s32 $0x1  }
0x2: {  	[smem:$0x3F9E] =	sst lr;
	_ =	strace $0xD0000000  }
0x3: {  	_ = 	snop  }
0x4: {  	_ = 	snop  }
0x5: {  	_ = 	snop  }
0x6: {  	_ = 	snop  }
0x7: {  	_ = 	snop  }
__scs_overlays_trampoline_lowered:
0x8: {  	[smem:$0x3FAD] =	sst s0  }
0x9: {  	[smem:$0x3FAE] =	sst s1  }
0xa: {  	[smem:$0x3FAF] =	sst s2  }
0xb: {  	[smem:$0x3FB0] =	sst s3  }
0xc: {  	[smem:$0x3FB1] =	sst s4  }
0xd: {  	[smem:$0x3FB2] =	sst s5  }
0xe: {  	[smem:$0x3FB3] =	sst s6  }
0xf: {  	[smem:$0x3FB4] =	sst s7  }
0x10: {  	[smem:$0x3FB5] =	sst s8  }
0x11: {  	[smem:$0x3FB6] =	sst s9;
	s0 =	simm.s32 @!p0 $0x0  }
0x12: {  	s1 =	sld [smem:$0x3F9C];
	s0 =	simm.s32 @p0 $0x1  }
0x13: {  	[smem:$0x3FB7] =	sst s0;
	s0 =	simm.s32 @!p1 $0x0  }
0x14: {  	s2 =	sld [smem:$0x3F9B];
	s0 =	simm.s32 @p1 $0x1  }
0x15: {  	[smem:$0x3FB8] =	sst s0;
	s0 =	simm.s32 @!p2 $0x0  }
0x16: {  	s3 =	sld [smem:$0x3FDB];
	s0 =	simm.s32 @p2 $0x1  }
0x17: {  	s4 =	simm.s32 $0x1BF5;
	[smem:$0x3FBA] =	sst s0  }
0x18: {  	s0 =	sld [smem:$0x3F9D];
	_ =	swait.ge [sflag:s4], $0x0  }
0x19: {  	s7 =	sld [smem:$0x3F9E]  }
0x1a: {  	s8 =	sadd.s32 $0xFFFFE003, lr  }
0x1b: {  	s9 =	sadd.s32 $0xFFFFFEF7, lr;
	s5 =	simm.s32 $0xFFFFFFFF;
	p2 =	slt.u32 s8, $0xFFFFF086  }
0x1c: {  	p1 =	slt.u32 s9, $0xF7A;
	s5 =	simm.s32 @!p2 $0x0  }
0x1d: {  	s5 =	simm.s32 @p1 $0x1;
	p0 =	seq.s32 s7, s2  }
0x1e: {  	s7 =	smul.u32 @!p0 $0xF7A, s2;
	p2 =	seq.s32 @!p0 s5, $0x0  }
0x1f: {  	s9 =	smul.u32 $0xF7A, s1;
	s8 =	simm.s32 @!p0 $0x1BF5;
	p2 =	por !p2, p0  }
0x20: {  	[sflag:s8] =	ssyncset.s32 @!p0 $0xFFFFF086;
	s6 =	sadd.s32 @!p0 s3, s7;
	s7 =	simm.s32 @!p0 $0x108  }
0x21: {  	s3 =	sadd.s32 s3, s9;
	s6 =	sadd.s32 @!p0 $0x88, s6;
	s7 =	simm.s32 @p2 $0x1082  }
0x22: {  	[simem:s7], [sflag:s8] =	dma.local @!p0 [hbm:s6], $0xF7A  }
0x23: {  	s9 =	sor.u32 $0xD0000000, s2;
	s6 =	simm.s32 $0x108;
	_ =	swait.ge @!p0 [sflag:s8], $0x0  }
0x24: {  	s3 =	sadd.s32 $0x88, s3;
	s6 =	simm.s32 @!p1 $0x1082;
	[sflag:s4] =	ssyncset.s32 $0xFFFFF086  }
0x25: {  	[simem:s6], [sflag:s4] =	dma.local [hbm:s3], $0xF7A  }
0x26: {  	[smem:$0x3F9E] =	sst s1;
	(tag) =	ssettag s2;
	_ =	strace s9  }
0x27: {  	s1 =	sld [smem:$0x3FAE]  }
0x28: {  	s2 =	sld [smem:$0x3FAF]  }
0x29: {  	s4 =	sld [smem:$0x3FB1]  }
0x2a: {  	p0 =	seq.s32 s5, $0x0;
	s5 =	sld [smem:$0x3FB2]  }
0x2b: {  	s6 =	sld [smem:$0x3FB3]  }
0x2c: {  	s7 =	sld [smem:$0x3FB4]  }
0x2d: {  	s3 =	simm.s32 $0x108;
	s8 =	sld [smem:$0x3FB5]  }
0x2e: {  	s3 =	simm.s32 @!p0 $0x1082;
	s9 =	sld [smem:$0x3FB6]  }
0x2f: {  	lr =	sadd.s32 s0, s3;
	s0 =	sld [smem:$0x3FAD]  }
0x30: {  	s3 =	sld [smem:$0x3FB0]  }
0x31: {  	[smem:$0x3FB9] =	sst s10  }
0x32: {  	s10 =	sld [smem:$0x3FB7];
	_ =	sdelay $0x3  }
0x33: {  	p0 =	seq.s32 s10, $0x1;
	s10 =	sld [smem:$0x3FB9];
	_ =	sdelay $0x3  }
0x34: {  	[smem:$0x3FB9] =	sst s10  }
0x35: {  	s10 =	sld [smem:$0x3FB8];
	_ =	sdelay $0x3  }
0x36: {  	p1 =	seq.s32 s10, $0x1;
	s10 =	sld [smem:$0x3FB9];
	_ =	sdelay $0x3  }
0x37: {  	[smem:$0x3FB9] =	sst s10  }
0x38: {  	s10 =	sld [smem:$0x3FBA]  }
0x39: {  	_ = 	snop;
	(pc) =	sbr.ind lr, $3  }
0x3a: {  	_ = 	snop  }
0x3b: {  	_ = 	snop  }
0x3c: {  	p2 =	seq.s32 s10, $0x1;
	s10 =	sld [smem:$0x3FB9]  }
0x3d: {  	_ =	shalt  }
0x3e: {  	_ =	shalt  }
0x3f: {  	_ =	shalt  }
0x40: {  	_ =	shalt  }
0x41: {  	_ =	shalt  }
0x42: {  	_ =	shalt  }
0x43: {  	_ =	shalt  }
0x44: {  	_ =	shalt  }
0x45: {  	_ =	shalt  }
0x46: {  	_ =	shalt  }
0x47: {  	_ =	shalt  }
0x48: {  	_ =	shalt  }
0x49: {  	_ =	shalt  }
0x4a: {  	_ =	shalt  }
0x4b: {  	_ =	shalt  }
0x4c: {  	_ =	shalt  }
0x4d: {  	_ =	shalt  }
0x4e: {  	_ =	shalt  }
0x4f: {  	_ =	shalt  }
0x50: {  	_ =	shalt  }
0x51: {  	_ =	shalt  }
0x52: {  	_ =	shalt  }
0x53: {  	_ =	shalt  }
0x54: {  	_ =	shalt  }
0x55: {  	_ =	shalt  }
0x56: {  	_ =	shalt  }
0x57: {  	_ =	shalt  }
0x58: {  	_ =	shalt  }
0x59: {  	_ =	shalt  }
0x5a: {  	_ =	shalt  }
0x5b: {  	_ =	shalt  }
0x5c: {  	_ =	shalt  }
0x5d: {  	_ =	shalt  }
0x5e: {  	_ =	shalt  }
0x5f: {  	_ =	shalt  }
0x60: {  	_ =	shalt  }
0x61: {  	_ =	shalt  }
0x62: {  	_ =	shalt  }
0x63: {  	_ =	shalt  }
0x64: {  	_ =	shalt  }
0x65: {  	_ =	shalt  }
0x66: {  	_ =	shalt  }
0x67: {  	_ =	shalt  }
0x68: {  	_ =	shalt  }
0x69: {  	_ =	shalt  }
0x6a: {  	_ =	shalt  }
0x6b: {  	_ =	shalt  }
0x6c: {  	_ =	shalt  }
0x6d: {  	_ =	shalt  }
0x6e: {  	_ =	shalt  }
0x6f: {  	_ =	shalt  }
0x70: {  	_ =	shalt  }
0x71: {  	_ =	shalt  }
0x72: {  	_ =	shalt  }
0x73: {  	_ =	shalt  }
0x74: {  	_ =	shalt  }
0x75: {  	_ =	shalt  }
0x76: {  	_ =	shalt  }
0x77: {  	_ =	shalt  }
0x78: {  	_ =	shalt  }
0x79: {  	_ =	shalt  }
0x7a: {  	_ =	shalt  }
0x7b: {  	_ =	shalt  }
0x7c: {  	_ =	shalt  }
0x7d: {  	_ =	shalt  }
0x7e: {  	_ =	shalt  }
0x7f: {  	_ =	shalt  }
0x80: {  	_ =	shalt  }
0x81: {  	_ =	shalt  }
0x82: {  	_ =	shalt  }
0x83: {  	_ =	shalt  }
0x84: {  	_ =	shalt  }
0x85: {  	_ =	shalt  }
0x86: {  	_ =	shalt  }
0x87: {  	_ =	shalt  }
.Lfunc_end0:
.L_simem_size_0:
called_computation_lowered:
.L_overlay_start_0:
0x88: {  	s2 =	sld [smem:$0x3FD9]  }
0x89: {  	s3 =	sld [smem:$0x3FFE];
	_ =	sdelay $0x1  }
0x8a: {  	s1 =	srdreg.scid  }
0x8b: {  	s0 =	sand.u32 $0x1, s1  }
0x8c: {  	s18 =	sshll.u32 s0, $0xA;
	s2 =	sadd.s32 s3, s2  }
0x8d: {  	s2 =	sadd.s32 s2, s18  }
0x8e: {  	[smem:$0x3FC5] =	sst s2  }
0x8f: {  	_ = 	snop  }
0x90: {  	s2 =	sld [smem:$0x3FC7]  }
0x91: {  	s19 =	sld [smem:$0x3FD0];
	(tm) =	ssettm $0x1  }
0x92: {  	s4 =	sld [smem:$0x3FFB];
	_ =	sdelay $0x3  }
0x93: {  	_ =	strace s4  }
0x94: {  	s4 =	sld [smem:$0x3FFC];
	_ =	sdelay $0x3  }
0x95: {  	_ =	strace s4  }
0x96: {  	s4 =	sld [smem:$0x3FFD];
	_ =	sdelay $0x3  }
0x97: {  	_ =	strace s4  }
0x98: {  	_ =	strace $0x8FFFFFFF  }
0x99: {  	s20 =	sld [smem:$0x3FDB];
	_ =	sdelay $0x1  }
0x9a: {  	s5 =	simm.s32 $_scs_section_size  }
0x9b: {  	s6 =	simm.s32 $_size__tile_overlayer_lowered;
	s7 =	simm.s32 $_tile_overlayer_lowered  }
0x9c: {  	s23 =	simm.s32 $0x1BFF;
	s22 =	sshll.u32 s7, $0x1;
	s4 =	sadd.s32 s5, s20  }
0x9d: {  	s8 =	simm.s32 $0x0;
	s21 =	sshll.u32 s6, $0x1;
	s6 =	sadd.s32 s22, s4  }
0x9e: {  	[timem:s8], [sflag:s23] =	dma.local [hbm:s6], s21  }
0x9f: {  	_ =	swait.ge [sflag:s23], s21  }
0xa0: {  	s5 =	ssub.s32 $0x0, s21;
	[sflag:s23] =	ssyncset.done $0x0  }
0xa1: {  	[sflag:s23] =	ssyncadd.s32 s5;
	_ =	sdelay $0x1  }
0xa2: {  	s24 =	simm.s32 $0x1B8B  }
0xa3: {  	_ =	swait.ge [sflag:s24], $0x1  }
0xa4: {  	[sflag:s24] =	ssyncset.done $0x0  }
0xa5: {  	s25 =	simm.s32 $0x1B8E;
	[sflag:s24] =	ssyncadd.s32 $0xFFFFFFFF  }
0xa6: {  	s26 =	simm.s32 $execute0_lowered;
	[smem:$0x3FD2] =	sst s25  }
0xa7: {  	s5 =	sshll.u32 s26, $0x1;
	_ =	strace $0x80000046;
	[dreg:$0x1] =	wrdreg $0xFFFFFFFF  }
0xa8: {  	s28 =	simm.s32 $_size_execute0_lowered;
	s4 =	sadd.s32 s4, s5;
	[dreg:$0x0] =	wrdreg $0x0  }
0xa9: {  	s5 =	sshll.u32 s28, $0x1;
	[dreg:$0x2] =	wrdreg s4  }
0xaa: {  	[dreg:$0x3] =	wrdreg s5  }
0xab: {  	[dreg:$0x4] =	wrdreg $0xC0  }
0xac: {  	_ =	task [dreg:s8], $0x5FFFF  }
0xad: {  	[dreg:$0x1] =	wrdreg $0xFFFFFFFF  }
0xae: {  	[dreg:$0x0] =	wrdreg $0x60  }
0xaf: {  	[dreg:$0x2] =	wrdreg s2  }
0xb0: {  	[dreg:$0x3] =	wrdreg s19  }
0xb1: {  	[dreg:$0x4] =	wrdreg $0x9  }
0xb2: {  	_ =	task.clear_ibuf [dreg:s8], $0x5FFFF;
	_ =	strace $0x90000046  }
0xb3: {  	s29 =	simm.s32 $0x9;
	_ =	strace $0x80000048  }
0xb4: {  	_ =	swait.ge [sflag:s29], $0x1  }
0xb5: {  	[sflag:s29] =	ssyncadd.s32 $0xFFFFFFFF  }
0xb6: {  	_ =	strace $0x90000048  }
0xb7: {  	_ =	sfence  }
0xb8: {  	s30 =	sld [smem:$0x0];
	_ =	sdelay $0x2  }
0xb9: {  	s31 =	sshll.u32 s1, $0xD;
	s1 =	sshrl.u32 s1, $0x2  }
0xba: {  	s3 =	sand.u32 $0x4000, s31;
	s1 =	sadd.s32 s1, s30  }
0xbb: {  	s0 =	sor.u32 s3, s0;
	s1 =	sshll.u32 s1, $0x11  }
0xbc: {  	s0 =	sor.u32 s1, s0  }
0xbd: {  	s0 =	sadd.s32 $0x8F2B, s0  }
0xbe: {  	[sflag:s0] =	ssyncadd.remote.s32 $0x1  }
0xbf: {  	_ =	sfence.sel $0xFFFF  }
0xc0: {  	[dreg:$0x0] =	wrdreg $0xFFFFFFFF;
	(pc) =	sbr.abs _section_cstart, $3  }
0xc1: {  	[dreg:$0x1] =	wrdreg $0xFFFFFFFF  }
0xc2: {  	_ =	task.clear_ibuf [dreg:s8], $0x2FFFF;
	_ =	strace $0x9FFFFFFF  }
0xc3: {  	(tm) =	ssettm $0x7FFFFFFF  }
tec
execute0_lowered:
.L_overlay_start_1:
0x0: {  	(tag) =	ssettag $0x1  }
0x1: {  	s3 =	rddreg [dreg:$0x0]  }
0x2: {  	s4 =	rddreg [dreg:$0x1];
	s1 =	srdreg.scid  }
0x3: {  	s0 =	rddreg [dreg:$0x2];
	s2 =	simm.s32 $0x0;
	s9 =	simm.s32 $0x400  }
0x4: {  	s5 =	sand.u32 $0x1, s1;
	[smem:$0x7FF] =	sst s2;
	s1 =	stileid.u32  }
0x5: {  	s6 =	ssub.s32 $0x2, s5;
	_ =	strace $0x80000047;
	s8 =	sshll.u32 s1, $0x1  }
0x6: {  	s31 =	sshll.u32 s1, $0xB;
	s7 =	sshrl.u32 s6, $0x1;
	s5 =	sor.u32 s5, s8  }
0x7: {  	s6 =	ssub.s32 s6, s7;
	s8 =	sshll.u32 s5, $0x6;
	s5 =	sshll.u32 s5, $0x4  }
0x8: {  	s7 =	sand.u32 $0x6000, s31;
	s3 =	sadd.s32 s3, s8;
	s5 =	sand.u32 $0x70, s5  }
0x9: {  	s4 =	sadd.s32 s4, s7;
	s7 =	simm.s32 $0x200;
	s8 =	simm.s32 $0x80  }
0xa: {  	v0 =	vimm.f32 $0.0e+00;
	v1 =	vimm.f32 $1.000000000e+00;
	s4 =	sadd.s32 s5, s4;
	s5 =	smax.u32 s6, $0x1;
	s6 =	simm.s32 $0x1  }
.LBB2_1:
0xb: {  	[tilespmem:s2], [sflag:$0x1] =	stream.linear.gather [hbm4b:s3+s2], $0x200, $0x38;
	[tilespmem:$0x2200] =	vst v63  }
0xc: {  	_ =	swait.ge [sflag:s6], $0x200  }
0xd: {  	[sflag:s6] =	ssyncset.done $0x0  }
0xe: {  	[sflag:s6] =	ssyncadd.s32 $0xFFFFFE00  }
0xf: {  	[tilespmem:$0x200] =	vst v0  }
0x10: {  	[tilespmem:$0x210] =	vst v0  }
0x11: {  	[tilespmem:$0x220] =	vst v0  }
0x12: {  	[tilespmem:$0x230] =	vst v0  }
0x13: {  	[tilespmem:$0x240] =	vst v0  }
0x14: {  	[tilespmem:$0x250] =	vst v0  }
0x15: {  	[tilespmem:$0x260] =	vst v0  }
0x16: {  	[tilespmem:$0x270] =	vst v0  }
0x17: {  	[tilespmem:$0x280] =	vst v0  }
0x18: {  	[tilespmem:$0x290] =	vst v0  }
0x19: {  	[tilespmem:$0x2A0] =	vst v0  }
0x1a: {  	[tilespmem:$0x2B0] =	vst v0  }
0x1b: {  	[tilespmem:$0x2C0] =	vst v0  }
0x1c: {  	[tilespmem:$0x2D0] =	vst v0  }
0x1d: {  	[tilespmem:$0x2E0] =	vst v0  }
0x1e: {  	[tilespmem:$0x2F0] =	vst v0  }
0x1f: {  	[tilespmem:$0x300] =	vst v0  }
0x20: {  	[tilespmem:$0x310] =	vst v0  }
0x21: {  	[tilespmem:$0x320] =	vst v0  }
0x22: {  	[tilespmem:$0x330] =	vst v0  }
0x23: {  	[tilespmem:$0x340] =	vst v0  }
0x24: {  	[tilespmem:$0x350] =	vst v0  }
0x25: {  	[tilespmem:$0x360] =	vst v0  }
0x26: {  	[tilespmem:$0x370] =	vst v0  }
0x27: {  	[tilespmem:$0x380] =	vst v0  }
0x28: {  	[tilespmem:$0x390] =	vst v0  }
0x29: {  	[tilespmem:$0x3A0] =	vst v0  }
0x2a: {  	[tilespmem:$0x3B0] =	vst v0  }
0x2b: {  	[tilespmem:$0x3C0] =	vst v0  }
0x2c: {  	[tilespmem:$0x3D0] =	vst v0  }
0x2d: {  	[tilespmem:$0x3E0] =	vst v0  }
0x2e: {  	[tilespmem:$0x3F0] =	vst v0  }
0x2f: {  	[tilespmem:$0x400] =	vst v0  }
0x30: {  	[tilespmem:$0x410] =	vst v0  }
0x31: {  	[tilespmem:$0x420] =	vst v0  }
0x32: {  	[tilespmem:$0x430] =	vst v0  }
0x33: {  	[tilespmem:$0x440] =	vst v0  }
0x34: {  	[tilespmem:$0x450] =	vst v0  }
0x35: {  	[tilespmem:$0x460] =	vst v0  }
0x36: {  	[tilespmem:$0x470] =	vst v0  }
0x37: {  	[tilespmem:$0x480] =	vst v0  }
0x38: {  	[tilespmem:$0x490] =	vst v0  }
0x39: {  	[tilespmem:$0x4A0] =	vst v0  }
0x3a: {  	[tilespmem:$0x4B0] =	vst v0  }
0x3b: {  	[tilespmem:$0x4C0] =	vst v0  }
0x3c: {  	[tilespmem:$0x4D0] =	vst v0  }
0x3d: {  	[tilespmem:$0x4E0] =	vst v0  }
0x3e: {  	[tilespmem:$0x4F0] =	vst v0  }
0x3f: {  	[tilespmem:$0x500] =	vst v0  }
0x40: {  	[tilespmem:$0x510] =	vst v0  }
0x41: {  	[tilespmem:$0x520] =	vst v0  }
0x42: {  	[tilespmem:$0x530] =	vst v0  }
0x43: {  	[tilespmem:$0x540] =	vst v0  }
0x44: {  	[tilespmem:$0x550] =	vst v0  }
0x45: {  	[tilespmem:$0x560] =	vst v0  }
0x46: {  	[tilespmem:$0x570] =	vst v0  }
0x47: {  	[tilespmem:$0x580] =	vst v0  }
0x48: {  	[tilespmem:$0x590] =	vst v0  }
0x49: {  	[tilespmem:$0x5A0] =	vst v0  }
0x4a: {  	[tilespmem:$0x5B0] =	vst v0  }
0x4b: {  	[tilespmem:$0x5C0] =	vst v0  }
0x4c: {  	[tilespmem:$0x5D0] =	vst v0  }
0x4d: {  	[tilespmem:$0x5E0] =	vst v0  }
0x4e: {  	[tilespmem:$0x5F0] =	vst v0  }
0x4f: {  	[tilespmem:$0x600] =	vst v0  }
0x50: {  	[tilespmem:$0x610] =	vst v0  }
0x51: {  	[tilespmem:$0x620] =	vst v0  }
0x52: {  	[tilespmem:$0x630] =	vst v0  }
0x53: {  	[tilespmem:$0x640] =	vst v0  }
0x54: {  	[tilespmem:$0x650] =	vst v0  }
0x55: {  	[tilespmem:$0x660] =	vst v0  }
0x56: {  	[tilespmem:$0x670] =	vst v0  }
0x57: {  	[tilespmem:$0x680] =	vst v0  }
0x58: {  	[tilespmem:$0x690] =	vst v0  }
0x59: {  	[tilespmem:$0x6A0] =	vst v0  }
0x5a: {  	[tilespmem:$0x6B0] =	vst v0  }
0x5b: {  	[tilespmem:$0x6C0] =	vst v0  }
0x5c: {  	[tilespmem:$0x6D0] =	vst v0  }
0x5d: {  	[tilespmem:$0x6E0] =	vst v0  }
0x5e: {  	[tilespmem:$0x6F0] =	vst v0  }
0x5f: {  	[tilespmem:$0x700] =	vst v0  }
0x60: {  	[tilespmem:$0x710] =	vst v0  }
0x61: {  	[tilespmem:$0x720] =	vst v0  }
0x62: {  	[tilespmem:$0x730] =	vst v0  }
0x63: {  	[tilespmem:$0x740] =	vst v0  }
0x64: {  	[tilespmem:$0x750] =	vst v0  }
0x65: {  	[tilespmem:$0x760] =	vst v0  }
0x66: {  	[tilespmem:$0x770] =	vst v0  }
0x67: {  	[tilespmem:$0x780] =	vst v0  }
0x68: {  	[tilespmem:$0x790] =	vst v0  }
0x69: {  	[tilespmem:$0x7A0] =	vst v0  }
0x6a: {  	[tilespmem:$0x7B0] =	vst v0  }
0x6b: {  	[tilespmem:$0x7C0] =	vst v0  }
0x6c: {  	[tilespmem:$0x7D0] =	vst v0  }
0x6d: {  	[tilespmem:$0x7E0] =	vst v0  }
0x6e: {  	[tilespmem:$0x7F0] =	vst v0  }
0x6f: {  	[tilespmem:$0x800] =	vst v0  }
0x70: {  	[tilespmem:$0x810] =	vst v0  }
0x71: {  	[tilespmem:$0x820] =	vst v0  }
0x72: {  	[tilespmem:$0x830] =	vst v0  }
0x73: {  	[tilespmem:$0x840] =	vst v0  }
0x74: {  	[tilespmem:$0x850] =	vst v0  }
0x75: {  	[tilespmem:$0x860] =	vst v0  }
0x76: {  	[tilespmem:$0x870] =	vst v0  }
0x77: {  	[tilespmem:$0x880] =	vst v0  }
0x78: {  	[tilespmem:$0x890] =	vst v0  }
0x79: {  	[tilespmem:$0x8A0] =	vst v0  }
0x7a: {  	[tilespmem:$0x8B0] =	vst v0  }
0x7b: {  	[tilespmem:$0x8C0] =	vst v0  }
0x7c: {  	[tilespmem:$0x8D0] =	vst v0  }
0x7d: {  	[tilespmem:$0x8E0] =	vst v0  }
0x7e: {  	[tilespmem:$0x8F0] =	vst v0  }
0x7f: {  	[tilespmem:$0x900] =	vst v0  }
0x80: {  	[tilespmem:$0x910] =	vst v0  }
0x81: {  	[tilespmem:$0x920] =	vst v0  }
0x82: {  	[tilespmem:$0x930] =	vst v0  }
0x83: {  	[tilespmem:$0x940] =	vst v0  }
0x84: {  	[tilespmem:$0x950] =	vst v0  }
0x85: {  	[tilespmem:$0x960] =	vst v0  }
0x86: {  	[tilespmem:$0x970] =	vst v0  }
0x87: {  	[tilespmem:$0x980] =	vst v0  }
0x88: {  	[tilespmem:$0x990] =	vst v0  }
0x89: {  	[tilespmem:$0x9A0] =	vst v0  }
0x8a: {  	[tilespmem:$0x9B0] =	vst v0  }
0x8b: {  	[tilespmem:$0x9C0] =	vst v0  }
0x8c: {  	[tilespmem:$0x9D0] =	vst v0  }
0x8d: {  	[tilespmem:$0x9E0] =	vst v0  }
0x8e: {  	[tilespmem:$0x9F0] =	vst v0  }
0x8f: {  	[tilespmem:$0xA00] =	vst v0  }
0x90: {  	[tilespmem:$0xA10] =	vst v0  }
0x91: {  	[tilespmem:$0xA20] =	vst v0  }
0x92: {  	[tilespmem:$0xA30] =	vst v0  }
0x93: {  	[tilespmem:$0xA40] =	vst v0  }
0x94: {  	[tilespmem:$0xA50] =	vst v0  }
0x95: {  	[tilespmem:$0xA60] =	vst v0  }
0x96: {  	[tilespmem:$0xA70] =	vst v0  }
0x97: {  	[tilespmem:$0xA80] =	vst v0  }
0x98: {  	[tilespmem:$0xA90] =	vst v0  }
0x99: {  	[tilespmem:$0xAA0] =	vst v0  }
0x9a: {  	[tilespmem:$0xAB0] =	vst v0  }
0x9b: {  	[tilespmem:$0xAC0] =	vst v0  }
0x9c: {  	[tilespmem:$0xAD0] =	vst v0  }
0x9d: {  	[tilespmem:$0xAE0] =	vst v0  }
0x9e: {  	[tilespmem:$0xAF0] =	vst v0  }
0x9f: {  	[tilespmem:$0xB00] =	vst v0  }
0xa0: {  	[tilespmem:$0xB10] =	vst v0  }
0xa1: {  	[tilespmem:$0xB20] =	vst v0  }
0xa2: {  	[tilespmem:$0xB30] =	vst v0  }
0xa3: {  	[tilespmem:$0xB40] =	vst v0  }
0xa4: {  	[tilespmem:$0xB50] =	vst v0  }
0xa5: {  	[tilespmem:$0xB60] =	vst v0  }
0xa6: {  	[tilespmem:$0xB70] =	vst v0  }
0xa7: {  	[tilespmem:$0xB80] =	vst v0  }
0xa8: {  	[tilespmem:$0xB90] =	vst v0  }
0xa9: {  	[tilespmem:$0xBA0] =	vst v0  }
0xaa: {  	[tilespmem:$0xBB0] =	vst v0  }
0xab: {  	[tilespmem:$0xBC0] =	vst v0  }
0xac: {  	[tilespmem:$0xBD0] =	vst v0  }
0xad: {  	[tilespmem:$0xBE0] =	vst v0  }
0xae: {  	[tilespmem:$0xBF0] =	vst v0  }
0xaf: {  	[tilespmem:$0xC00] =	vst v0  }
0xb0: {  	[tilespmem:$0xC10] =	vst v0  }
0xb1: {  	[tilespmem:$0xC20] =	vst v0  }
0xb2: {  	[tilespmem:$0xC30] =	vst v0  }
0xb3: {  	[tilespmem:$0xC40] =	vst v0  }
0xb4: {  	[tilespmem:$0xC50] =	vst v0  }
0xb5: {  	[tilespmem:$0xC60] =	vst v0  }
0xb6: {  	[tilespmem:$0xC70] =	vst v0  }
0xb7: {  	[tilespmem:$0xC80] =	vst v0  }
0xb8: {  	[tilespmem:$0xC90] =	vst v0  }
0xb9: {  	[tilespmem:$0xCA0] =	vst v0  }
0xba: {  	[tilespmem:$0xCB0] =	vst v0  }
0xbb: {  	[tilespmem:$0xCC0] =	vst v0  }
0xbc: {  	[tilespmem:$0xCD0] =	vst v0  }
0xbd: {  	[tilespmem:$0xCE0] =	vst v0  }
0xbe: {  	[tilespmem:$0xCF0] =	vst v0  }
0xbf: {  	[tilespmem:$0xD00] =	vst v0  }
0xc0: {  	[tilespmem:$0xD10] =	vst v0  }
0xc1: {  	[tilespmem:$0xD20] =	vst v0  }
0xc2: {  	[tilespmem:$0xD30] =	vst v0  }
0xc3: {  	[tilespmem:$0xD40] =	vst v0  }
0xc4: {  	[tilespmem:$0xD50] =	vst v0  }
0xc5: {  	[tilespmem:$0xD60] =	vst v0  }
0xc6: {  	[tilespmem:$0xD70] =	vst v0  }
0xc7: {  	[tilespmem:$0xD80] =	vst v0  }
0xc8: {  	[tilespmem:$0xD90] =	vst v0  }
0xc9: {  	[tilespmem:$0xDA0] =	vst v0  }
0xca: {  	[tilespmem:$0xDB0] =	vst v0  }
0xcb: {  	[tilespmem:$0xDC0] =	vst v0  }
0xcc: {  	[tilespmem:$0xDD0] =	vst v0  }
0xcd: {  	[tilespmem:$0xDE0] =	vst v0  }
0xce: {  	[tilespmem:$0xDF0] =	vst v0  }
0xcf: {  	[tilespmem:$0xE00] =	vst v0  }
0xd0: {  	[tilespmem:$0xE10] =	vst v0  }
0xd1: {  	[tilespmem:$0xE20] =	vst v0  }
0xd2: {  	[tilespmem:$0xE30] =	vst v0  }
0xd3: {  	[tilespmem:$0xE40] =	vst v0  }
0xd4: {  	[tilespmem:$0xE50] =	vst v0  }
0xd5: {  	[tilespmem:$0xE60] =	vst v0  }
0xd6: {  	[tilespmem:$0xE70] =	vst v0  }
0xd7: {  	[tilespmem:$0xE80] =	vst v0  }
0xd8: {  	[tilespmem:$0xE90] =	vst v0  }
0xd9: {  	[tilespmem:$0xEA0] =	vst v0  }
0xda: {  	[tilespmem:$0xEB0] =	vst v0  }
0xdb: {  	[tilespmem:$0xEC0] =	vst v0  }
0xdc: {  	[tilespmem:$0xED0] =	vst v0  }
0xdd: {  	[tilespmem:$0xEE0] =	vst v0  }
0xde: {  	[tilespmem:$0xEF0] =	vst v0  }
0xdf: {  	[tilespmem:$0xF00] =	vst v0  }
0xe0: {  	[tilespmem:$0xF10] =	vst v0  }
0xe1: {  	[tilespmem:$0xF20] =	vst v0  }
0xe2: {  	[tilespmem:$0xF30] =	vst v0  }
0xe3: {  	[tilespmem:$0xF40] =	vst v0  }
0xe4: {  	[tilespmem:$0xF50] =	vst v0  }
0xe5: {  	[tilespmem:$0xF60] =	vst v0  }
0xe6: {  	[tilespmem:$0xF70] =	vst v0  }
0xe7: {  	[tilespmem:$0xF80] =	vst v0  }
0xe8: {  	[tilespmem:$0xF90] =	vst v0  }
0xe9: {  	[tilespmem:$0xFA0] =	vst v0  }
0xea: {  	[tilespmem:$0xFB0] =	vst v0  }
0xeb: {  	[tilespmem:$0xFC0] =	vst v0  }
0xec: {  	[tilespmem:$0xFD0] =	vst v0  }
0xed: {  	[tilespmem:$0xFE0] =	vst v0  }
0xee: {  	[tilespmem:$0xFF0] =	vst v0  }
0xef: {  	[tilespmem:$0x1000] =	vst v0  }
0xf0: {  	[tilespmem:$0x1010] =	vst v0  }
0xf1: {  	[tilespmem:$0x1020] =	vst v0  }
0xf2: {  	[tilespmem:$0x1030] =	vst v0  }
0xf3: {  	[tilespmem:$0x1040] =	vst v0  }
0xf4: {  	[tilespmem:$0x1050] =	vst v0  }
0xf5: {  	[tilespmem:$0x1060] =	vst v0  }
0xf6: {  	[tilespmem:$0x1070] =	vst v0  }
0xf7: {  	[tilespmem:$0x1080] =	vst v0  }
0xf8: {  	[tilespmem:$0x1090] =	vst v0  }
0xf9: {  	[tilespmem:$0x10A0] =	vst v0  }
0xfa: {  	[tilespmem:$0x10B0] =	vst v0  }
0xfb: {  	[tilespmem:$0x10C0] =	vst v0  }
0xfc: {  	[tilespmem:$0x10D0] =	vst v0  }
0xfd: {  	[tilespmem:$0x10E0] =	vst v0  }
0xfe: {  	[tilespmem:$0x10F0] =	vst v0  }
0xff: {  	[tilespmem:$0x1100] =	vst v0  }
0x100: {  	[tilespmem:$0x1110] =	vst v0  }
0x101: {  	[tilespmem:$0x1120] =	vst v0  }
0x102: {  	[tilespmem:$0x1130] =	vst v0  }
0x103: {  	[tilespmem:$0x1140] =	vst v0  }
0x104: {  	[tilespmem:$0x1150] =	vst v0  }
0x105: {  	[tilespmem:$0x1160] =	vst v0  }
0x106: {  	[tilespmem:$0x1170] =	vst v0  }
0x107: {  	[tilespmem:$0x1180] =	vst v0  }
0x108: {  	[tilespmem:$0x1190] =	vst v0  }
0x109: {  	[tilespmem:$0x11A0] =	vst v0  }
0x10a: {  	[tilespmem:$0x11B0] =	vst v0  }
0x10b: {  	[tilespmem:$0x11C0] =	vst v0  }
0x10c: {  	[tilespmem:$0x11D0] =	vst v0  }
0x10d: {  	[tilespmem:$0x11E0] =	vst v0  }
0x10e: {  	[tilespmem:$0x11F0] =	vst v0  }
0x10f: {  	[tilespmem:$0x1200] =	vst v0  }
0x110: {  	[tilespmem:$0x1210] =	vst v0  }
0x111: {  	[tilespmem:$0x1220] =	vst v0  }
0x112: {  	[tilespmem:$0x1230] =	vst v0  }
0x113: {  	[tilespmem:$0x1240] =	vst v0  }
0x114: {  	[tilespmem:$0x1250] =	vst v0  }
0x115: {  	[tilespmem:$0x1260] =	vst v0  }
0x116: {  	[tilespmem:$0x1270] =	vst v0  }
0x117: {  	[tilespmem:$0x1280] =	vst v0  }
0x118: {  	[tilespmem:$0x1290] =	vst v0  }
0x119: {  	[tilespmem:$0x12A0] =	vst v0  }
0x11a: {  	[tilespmem:$0x12B0] =	vst v0  }
0x11b: {  	[tilespmem:$0x12C0] =	vst v0  }
0x11c: {  	[tilespmem:$0x12D0] =	vst v0  }
0x11d: {  	[tilespmem:$0x12E0] =	vst v0  }
0x11e: {  	[tilespmem:$0x12F0] =	vst v0  }
0x11f: {  	[tilespmem:$0x1300] =	vst v0  }
0x120: {  	[tilespmem:$0x1310] =	vst v0  }
0x121: {  	[tilespmem:$0x1320] =	vst v0  }
0x122: {  	[tilespmem:$0x1330] =	vst v0  }
0x123: {  	[tilespmem:$0x1340] =	vst v0  }
0x124: {  	[tilespmem:$0x1350] =	vst v0  }
0x125: {  	[tilespmem:$0x1360] =	vst v0  }
0x126: {  	[tilespmem:$0x1370] =	vst v0  }
0x127: {  	[tilespmem:$0x1380] =	vst v0  }
0x128: {  	[tilespmem:$0x1390] =	vst v0  }
0x129: {  	[tilespmem:$0x13A0] =	vst v0  }
0x12a: {  	[tilespmem:$0x13B0] =	vst v0  }
0x12b: {  	[tilespmem:$0x13C0] =	vst v0  }
0x12c: {  	[tilespmem:$0x13D0] =	vst v0  }
0x12d: {  	[tilespmem:$0x13E0] =	vst v0  }
0x12e: {  	[tilespmem:$0x13F0] =	vst v0  }
0x12f: {  	[tilespmem:$0x1400] =	vst v0  }
0x130: {  	[tilespmem:$0x1410] =	vst v0  }
0x131: {  	[tilespmem:$0x1420] =	vst v0  }
0x132: {  	[tilespmem:$0x1430] =	vst v0  }
0x133: {  	[tilespmem:$0x1440] =	vst v0  }
0x134: {  	[tilespmem:$0x1450] =	vst v0  }
0x135: {  	[tilespmem:$0x1460] =	vst v0  }
0x136: {  	[tilespmem:$0x1470] =	vst v0  }
0x137: {  	[tilespmem:$0x1480] =	vst v0  }
0x138: {  	[tilespmem:$0x1490] =	vst v0  }
0x139: {  	[tilespmem:$0x14A0] =	vst v0  }
0x13a: {  	[tilespmem:$0x14B0] =	vst v0  }
0x13b: {  	[tilespmem:$0x14C0] =	vst v0  }
0x13c: {  	[tilespmem:$0x14D0] =	vst v0  }
0x13d: {  	[tilespmem:$0x14E0] =	vst v0  }
0x13e: {  	[tilespmem:$0x14F0] =	vst v0  }
0x13f: {  	[tilespmem:$0x1500] =	vst v0  }
0x140: {  	[tilespmem:$0x1510] =	vst v0  }
0x141: {  	[tilespmem:$0x1520] =	vst v0  }
0x142: {  	[tilespmem:$0x1530] =	vst v0  }
0x143: {  	[tilespmem:$0x1540] =	vst v0  }
0x144: {  	[tilespmem:$0x1550] =	vst v0  }
0x145: {  	[tilespmem:$0x1560] =	vst v0  }
0x146: {  	[tilespmem:$0x1570] =	vst v0  }
0x147: {  	[tilespmem:$0x1580] =	vst v0  }
0x148: {  	[tilespmem:$0x1590] =	vst v0  }
0x149: {  	[tilespmem:$0x15A0] =	vst v0  }
0x14a: {  	[tilespmem:$0x15B0] =	vst v0  }
0x14b: {  	[tilespmem:$0x15C0] =	vst v0  }
0x14c: {  	[tilespmem:$0x15D0] =	vst v0  }
0x14d: {  	[tilespmem:$0x15E0] =	vst v0  }
0x14e: {  	[tilespmem:$0x15F0] =	vst v0  }
0x14f: {  	[tilespmem:$0x1600] =	vst v0  }
0x150: {  	[tilespmem:$0x1610] =	vst v0  }
0x151: {  	[tilespmem:$0x1620] =	vst v0  }
0x152: {  	[tilespmem:$0x1630] =	vst v0  }
0x153: {  	[tilespmem:$0x1640] =	vst v0  }
0x154: {  	[tilespmem:$0x1650] =	vst v0  }
0x155: {  	[tilespmem:$0x1660] =	vst v0  }
0x156: {  	[tilespmem:$0x1670] =	vst v0  }
0x157: {  	[tilespmem:$0x1680] =	vst v0  }
0x158: {  	[tilespmem:$0x1690] =	vst v0  }
0x159: {  	[tilespmem:$0x16A0] =	vst v0  }
0x15a: {  	[tilespmem:$0x16B0] =	vst v0  }
0x15b: {  	[tilespmem:$0x16C0] =	vst v0  }
0x15c: {  	[tilespmem:$0x16D0] =	vst v0  }
0x15d: {  	[tilespmem:$0x16E0] =	vst v0  }
0x15e: {  	[tilespmem:$0x16F0] =	vst v0  }
0x15f: {  	[tilespmem:$0x1700] =	vst v0  }
0x160: {  	[tilespmem:$0x1710] =	vst v0  }
0x161: {  	[tilespmem:$0x1720] =	vst v0  }
0x162: {  	[tilespmem:$0x1730] =	vst v0  }
0x163: {  	[tilespmem:$0x1740] =	vst v0  }
0x164: {  	[tilespmem:$0x2170] =	vst v0  }
0x165: {  	[tilespmem:$0x1760] =	vst v0  }
0x166: {  	[tilespmem:$0x1770] =	vst v0  }
0x167: {  	[tilespmem:$0x1780] =	vst v0  }
0x168: {  	[tilespmem:$0x1790] =	vst v0  }
0x169: {  	[tilespmem:$0x17A0] =	vst v0  }
0x16a: {  	[tilespmem:$0x17B0] =	vst v0  }
0x16b: {  	[tilespmem:$0x17C0] =	vst v0  }
0x16c: {  	[tilespmem:$0x17D0] =	vst v0  }
0x16d: {  	[tilespmem:$0x17E0] =	vst v0  }
0x16e: {  	[tilespmem:$0x17F0] =	vst v0  }
0x16f: {  	[tilespmem:$0x1800] =	vst v0  }
0x170: {  	[tilespmem:$0x1810] =	vst v0  }
0x171: {  	[tilespmem:$0x1820] =	vst v0  }
0x172: {  	[tilespmem:$0x1830] =	vst v0  }
0x173: {  	[tilespmem:$0x1840] =	vst v0  }
0x174: {  	[tilespmem:$0x1850] =	vst v0  }
0x175: {  	[tilespmem:$0x1860] =	vst v0  }
0x176: {  	[tilespmem:$0x1870] =	vst v0  }
0x177: {  	[tilespmem:$0x1880] =	vst v0  }
0x178: {  	[tilespmem:$0x1890] =	vst v0  }
0x179: {  	[tilespmem:$0x18A0] =	vst v0  }
0x17a: {  	[tilespmem:$0x18B0] =	vst v0  }
0x17b: {  	[tilespmem:$0x18C0] =	vst v0  }
0x17c: {  	[tilespmem:$0x18D0] =	vst v0  }
0x17d: {  	[tilespmem:$0x18E0] =	vst v0  }
0x17e: {  	[tilespmem:$0x18F0] =	vst v0  }
0x17f: {  	[tilespmem:$0x1900] =	vst v0  }
0x180: {  	[tilespmem:$0x1910] =	vst v0  }
0x181: {  	[tilespmem:$0x1920] =	vst v0  }
0x182: {  	[tilespmem:$0x1930] =	vst v0  }
0x183: {  	[tilespmem:$0x1940] =	vst v0  }
0x184: {  	[tilespmem:$0x1950] =	vst v0  }
0x185: {  	[tilespmem:$0x1960] =	vst v0  }
0x186: {  	[tilespmem:$0x1970] =	vst v0  }
0x187: {  	[tilespmem:$0x1980] =	vst v0  }
0x188: {  	[tilespmem:$0x1990] =	vst v0  }
0x189: {  	[tilespmem:$0x19A0] =	vst v0  }
0x18a: {  	[tilespmem:$0x19B0] =	vst v0  }
0x18b: {  	[tilespmem:$0x19C0] =	vst v0  }
0x18c: {  	[tilespmem:$0x19D0] =	vst v0  }
0x18d: {  	[tilespmem:$0x19E0] =	vst v0  }
0x18e: {  	[tilespmem:$0x19F0] =	vst v0  }
0x18f: {  	[tilespmem:$0x1A00] =	vst v0  }
0x190: {  	[tilespmem:$0x1A10] =	vst v0  }
0x191: {  	[tilespmem:$0x1A20] =	vst v0  }
0x192: {  	[tilespmem:$0x1A30] =	vst v0  }
0x193: {  	[tilespmem:$0x1A40] =	vst v0  }
0x194: {  	[tilespmem:$0x1A50] =	vst v0  }
0x195: {  	[tilespmem:$0x1A60] =	vst v0  }
0x196: {  	[tilespmem:$0x1A70] =	vst v0  }
0x197: {  	[tilespmem:$0x1A80] =	vst v0  }
0x198: {  	[tilespmem:$0x1A90] =	vst v0  }
0x199: {  	[tilespmem:$0x1AA0] =	vst v0  }
0x19a: {  	[tilespmem:$0x1AB0] =	vst v0  }
0x19b: {  	[tilespmem:$0x1AC0] =	vst v0  }
0x19c: {  	[tilespmem:$0x1AD0] =	vst v0  }
0x19d: {  	[tilespmem:$0x1AE0] =	vst v0  }
0x19e: {  	[tilespmem:$0x1AF0] =	vst v0  }
0x19f: {  	[tilespmem:$0x1B00] =	vst v0  }
0x1a0: {  	[tilespmem:$0x1B10] =	vst v0  }
0x1a1: {  	[tilespmem:$0x1B20] =	vst v0  }
0x1a2: {  	[tilespmem:$0x1B30] =	vst v0  }
0x1a3: {  	[tilespmem:$0x1B40] =	vst v0  }
0x1a4: {  	[tilespmem:$0x1B50] =	vst v0  }
0x1a5: {  	[tilespmem:$0x1B60] =	vst v0  }
0x1a6: {  	[tilespmem:$0x1B70] =	vst v0  }
0x1a7: {  	[tilespmem:$0x1B80] =	vst v0  }
0x1a8: {  	[tilespmem:$0x1B90] =	vst v0  }
0x1a9: {  	[tilespmem:$0x1BA0] =	vst v0  }
0x1aa: {  	[tilespmem:$0x1BB0] =	vst v0  }
0x1ab: {  	[tilespmem:$0x1BC0] =	vst v0  }
0x1ac: {  	[tilespmem:$0x1BD0] =	vst v0  }
0x1ad: {  	[tilespmem:$0x1BE0] =	vst v0  }
0x1ae: {  	[tilespmem:$0x1BF0] =	vst v0  }
0x1af: {  	[tilespmem:$0x1C00] =	vst v0  }
0x1b0: {  	[tilespmem:$0x1C10] =	vst v0  }
0x1b1: {  	[tilespmem:$0x1C20] =	vst v0  }
0x1b2: {  	[tilespmem:$0x1C30] =	vst v0  }
0x1b3: {  	[tilespmem:$0x1C40] =	vst v0  }
0x1b4: {  	[tilespmem:$0x1C50] =	vst v0  }
0x1b5: {  	[tilespmem:$0x1C60] =	vst v0  }
0x1b6: {  	[tilespmem:$0x1C70] =	vst v0  }
0x1b7: {  	[tilespmem:$0x1C80] =	vst v0  }
0x1b8: {  	[tilespmem:$0x1C90] =	vst v0  }
0x1b9: {  	[tilespmem:$0x1CA0] =	vst v0  }
0x1ba: {  	[tilespmem:$0x1CB0] =	vst v0  }
0x1bb: {  	[tilespmem:$0x1CC0] =	vst v0  }
0x1bc: {  	[tilespmem:$0x1CD0] =	vst v0  }
0x1bd: {  	[tilespmem:$0x1CE0] =	vst v0  }
0x1be: {  	[tilespmem:$0x1CF0] =	vst v0  }
0x1bf: {  	[tilespmem:$0x1D00] =	vst v0  }
0x1c0: {  	[tilespmem:$0x1D10] =	vst v0  }
0x1c1: {  	[tilespmem:$0x1D20] =	vst v0  }
0x1c2: {  	[tilespmem:$0x1D30] =	vst v0  }
0x1c3: {  	[tilespmem:$0x1D40] =	vst v0  }
0x1c4: {  	[tilespmem:$0x1D50] =	vst v0  }
0x1c5: {  	[tilespmem:$0x1D60] =	vst v0  }
0x1c6: {  	[tilespmem:$0x1D70] =	vst v0  }
0x1c7: {  	[tilespmem:$0x1D80] =	vst v0  }
0x1c8: {  	[tilespmem:$0x1D90] =	vst v0  }
0x1c9: {  	[tilespmem:$0x1DA0] =	vst v0  }
0x1ca: {  	[tilespmem:$0x1DB0] =	vst v0  }
0x1cb: {  	[tilespmem:$0x1DC0] =	vst v0  }
0x1cc: {  	[tilespmem:$0x1DD0] =	vst v0  }
0x1cd: {  	[tilespmem:$0x1DE0] =	vst v0  }
0x1ce: {  	[tilespmem:$0x1DF0] =	vst v0  }
0x1cf: {  	[tilespmem:$0x1E00] =	vst v0  }
0x1d0: {  	[tilespmem:$0x1E10] =	vst v0  }
0x1d1: {  	[tilespmem:$0x1E20] =	vst v0  }
0x1d2: {  	[tilespmem:$0x1E30] =	vst v0  }
0x1d3: {  	[tilespmem:$0x1E40] =	vst v0  }
0x1d4: {  	[tilespmem:$0x1E50] =	vst v0  }
0x1d5: {  	[tilespmem:$0x1E60] =	vst v0  }
0x1d6: {  	[tilespmem:$0x1E70] =	vst v0  }
0x1d7: {  	[tilespmem:$0x1E80] =	vst v0  }
0x1d8: {  	[tilespmem:$0x1E90] =	vst v0  }
0x1d9: {  	[tilespmem:$0x1EA0] =	vst v0  }
0x1da: {  	[tilespmem:$0x1EB0] =	vst v0  }
0x1db: {  	[tilespmem:$0x1EC0] =	vst v0  }
0x1dc: {  	[tilespmem:$0x1ED0] =	vst v0  }
0x1dd: {  	[tilespmem:$0x1EE0] =	vst v0  }
0x1de: {  	[tilespmem:$0x1EF0] =	vst v0  }
0x1df: {  	[tilespmem:$0x1F00] =	vst v0  }
0x1e0: {  	[tilespmem:$0x1F10] =	vst v0  }
0x1e1: {  	[tilespmem:$0x1F20] =	vst v0  }
0x1e2: {  	[tilespmem:$0x1F30] =	vst v0  }
0x1e3: {  	[tilespmem:$0x1F40] =	vst v0  }
0x1e4: {  	[tilespmem:$0x1F50] =	vst v0  }
0x1e5: {  	[tilespmem:$0x1F60] =	vst v0  }
0x1e6: {  	[tilespmem:$0x1F70] =	vst v0  }
0x1e7: {  	[tilespmem:$0x1F80] =	vst v0  }
0x1e8: {  	[tilespmem:$0x1F90] =	vst v0  }
0x1e9: {  	[tilespmem:$0x1FA0] =	vst v0  }
0x1ea: {  	[tilespmem:$0x1FB0] =	vst v0  }
0x1eb: {  	[tilespmem:$0x1FC0] =	vst v0  }
0x1ec: {  	[tilespmem:$0x1FD0] =	vst v0  }
0x1ed: {  	[tilespmem:$0x1FE0] =	vst v0  }
0x1ee: {  	[tilespmem:$0x1FF0] =	vst v0  }
0x1ef: {  	[tilespmem:$0x2000] =	vst v0  }
0x1f0: {  	[tilespmem:$0x2010] =	vst v0  }
0x1f1: {  	[tilespmem:$0x2020] =	vst v0  }
0x1f2: {  	[tilespmem:$0x2030] =	vst v0  }
0x1f3: {  	[tilespmem:$0x2040] =	vst v0  }
0x1f4: {  	[tilespmem:$0x2050] =	vst v0  }
0x1f5: {  	[tilespmem:$0x2060] =	vst v0  }
0x1f6: {  	[tilespmem:$0x2070] =	vst v0  }
0x1f7: {  	[tilespmem:$0x2080] =	vst v0  }
0x1f8: {  	[tilespmem:$0x2090] =	vst v0  }
0x1f9: {  	[tilespmem:$0x20A0] =	vst v0  }
0x1fa: {  	[tilespmem:$0x20B0] =	vst v0  }
0x1fb: {  	[tilespmem:$0x20C0] =	vst v0  }
0x1fc: {  	[tilespmem:$0x20D0] =	vst v0  }
0x1fd: {  	[tilespmem:$0x20E0] =	vst v0  }
0x1fe: {  	[tilespmem:$0x20F0] =	vst v0  }
0x1ff: {  	[tilespmem:$0x2100] =	vst v0  }
0x200: {  	[tilespmem:$0x2110] =	vst v0  }
0x201: {  	[tilespmem:$0x2120] =	vst v0  }
0x202: {  	[tilespmem:$0x2130] =	vst v0  }
0x203: {  	[tilespmem:$0x2140] =	vst v0  }
0x204: {  	[tilespmem:$0x2150] =	vst v0  }
0x205: {  	[tilespmem:$0x2160] =	vst v0  }
0x206: {  	[tilespmem:$0x2180] =	vst v0  }
0x207: {  	v2 =	vld [tilespmem:$0x0];
	[tilespmem:$0x2190] =	vst v0  }
0x208: {  	[tilespmem:$0x21A0] =	vst v0  }
0x209: {  	[tilespmem:$0x21B0] =	vst v0  }
0x20a: {  	[tilespmem:$0x21C0] =	vst v0  }
0x20b: {  	[tilespmem:$0x21D0] =	vst v0  }
0x20c: {  	[tilespmem:$0x21E0] =	vst v0  }
0x20d: {  	[tilespmem:$0x1750] =	vst v0  }
0x20e: {  	[tilespmem:$0x21F0] =	vst v0  }
0x20f: {  	[tilespmem:v2+s7+$0x0] =	vst.idx.msk $0xffff, v1  }
0x210: {  	v2 =	vld [tilespmem:$0x10];
	_ =	sdelay $0x7  }
0x211: {  	[tilespmem:v2+s7+$0x0] =	vst.idx.msk $0xffff, v1  }
0x212: {  	v2 =	vld [tilespmem:$0x20];
	_ =	sdelay $0x7  }
0x213: {  	[tilespmem:v2+s7+$0x0] =	vst.idx.msk $0xffff, v1  }
0x214: {  	v2 =	vld [tilespmem:$0x30];
	_ =	sdelay $0x7  }
0x215: {  	[tilespmem:v2+s7+$0x0] =	vst.idx.msk $0xffff, v1  }
0x216: {  	v2 =	vld [tilespmem:$0x40];
	_ =	sdelay $0x7  }
0x217: {  	[tilespmem:v2+s7+$0x0] =	vst.idx.msk $0xffff, v1  }
0x218: {  	v2 =	vld [tilespmem:$0x50];
	_ =	sdelay $0x7  }
0x219: {  	[tilespmem:v2+s7+$0x0] =	vst.idx.msk $0xffff, v1  }
0x21a: {  	v2 =	vld [tilespmem:$0x60];
	_ =	sdelay $0x7  }
0x21b: {  	[tilespmem:v2+s7+$0x0] =	vst.idx.msk $0xffff, v1  }
0x21c: {  	v2 =	vld [tilespmem:$0x70];
	_ =	sdelay $0x7  }
0x21d: {  	[tilespmem:v2+s7+$0x0] =	vst.idx.msk $0xffff, v1  }
0x21e: {  	v2 =	vld [tilespmem:$0x80];
	_ =	sdelay $0x7  }
0x21f: {  	[tilespmem:v2+s7+$0x0] =	vst.idx.msk $0xffff, v1  }
0x220: {  	v2 =	vld [tilespmem:$0x90];
	_ =	sdelay $0x7  }
0x221: {  	[tilespmem:v2+s7+$0x0] =	vst.idx.msk $0xffff, v1  }
0x222: {  	v2 =	vld [tilespmem:$0xA0];
	_ =	sdelay $0x7  }
0x223: {  	[tilespmem:v2+s7+$0x0] =	vst.idx.msk $0xffff, v1  }
0x224: {  	v2 =	vld [tilespmem:$0xB0];
	_ =	sdelay $0x7  }
0x225: {  	[tilespmem:v2+s7+$0x0] =	vst.idx.msk $0xffff, v1  }
0x226: {  	v2 =	vld [tilespmem:$0xC0];
	_ =	sdelay $0x7  }
0x227: {  	[tilespmem:v2+s7+$0x0] =	vst.idx.msk $0xffff, v1  }
0x228: {  	v2 =	vld [tilespmem:$0xD0];
	_ =	sdelay $0x7  }
0x229: {  	[tilespmem:v2+s7+$0x0] =	vst.idx.msk $0xffff, v1  }
0x22a: {  	v2 =	vld [tilespmem:$0xE0];
	_ =	sdelay $0x7  }
0x22b: {  	[tilespmem:v2+s7+$0x0] =	vst.idx.msk $0xffff, v1  }
0x22c: {  	v2 =	vld [tilespmem:$0xF0];
	_ =	sdelay $0x7  }
0x22d: {  	[tilespmem:v2+s7+$0x0] =	vst.idx.msk $0xffff, v1  }
0x22e: {  	v2 =	vld [tilespmem:$0x100];
	_ =	sdelay $0x7  }
0x22f: {  	[tilespmem:v2+s7+$0x0] =	vst.idx.msk $0xffff, v1  }
0x230: {  	v2 =	vld [tilespmem:$0x110];
	_ =	sdelay $0x7  }
0x231: {  	[tilespmem:v2+s7+$0x0] =	vst.idx.msk $0xffff, v1  }
0x232: {  	v2 =	vld [tilespmem:$0x120];
	_ =	sdelay $0x7  }
0x233: {  	[tilespmem:v2+s7+$0x0] =	vst.idx.msk $0xffff, v1  }
0x234: {  	v2 =	vld [tilespmem:$0x130];
	_ =	sdelay $0x7  }
0x235: {  	[tilespmem:v2+s7+$0x0] =	vst.idx.msk $0xffff, v1  }
0x236: {  	v2 =	vld [tilespmem:$0x140];
	_ =	sdelay $0x7  }
0x237: {  	[tilespmem:v2+s7+$0x0] =	vst.idx.msk $0xffff, v1  }
0x238: {  	v2 =	vld [tilespmem:$0x150];
	_ =	sdelay $0x7  }
0x239: {  	[tilespmem:v2+s7+$0x0] =	vst.idx.msk $0xffff, v1  }
0x23a: {  	v2 =	vld [tilespmem:$0x160];
	_ =	sdelay $0x7  }
0x23b: {  	[tilespmem:v2+s7+$0x0] =	vst.idx.msk $0xffff, v1  }
0x23c: {  	v2 =	vld [tilespmem:$0x170];
	_ =	sdelay $0x7  }
0x23d: {  	[tilespmem:v2+s7+$0x0] =	vst.idx.msk $0xffff, v1  }
0x23e: {  	v2 =	vld [tilespmem:$0x180];
	_ =	sdelay $0x7  }
0x23f: {  	[tilespmem:v2+s7+$0x0] =	vst.idx.msk $0xffff, v1  }
0x240: {  	v2 =	vld [tilespmem:$0x190];
	_ =	sdelay $0x7  }
0x241: {  	[tilespmem:v2+s7+$0x0] =	vst.idx.msk $0xffff, v1  }
0x242: {  	v2 =	vld [tilespmem:$0x1A0];
	_ =	sdelay $0x7  }
0x243: {  	[tilespmem:v2+s7+$0x0] =	vst.idx.msk $0xffff, v1  }
0x244: {  	v2 =	vld [tilespmem:$0x1B0];
	_ =	sdelay $0x7  }
0x245: {  	[tilespmem:v2+s7+$0x0] =	vst.idx.msk $0xffff, v1  }
0x246: {  	v2 =	vld [tilespmem:$0x1C0];
	_ =	sdelay $0x7  }
0x247: {  	[tilespmem:v2+s7+$0x0] =	vst.idx.msk $0xffff, v1  }
0x248: {  	v2 =	vld [tilespmem:$0x1D0];
	_ =	sdelay $0x7  }
0x249: {  	[tilespmem:v2+s7+$0x0] =	vst.idx.msk $0xffff, v1  }
0x24a: {  	v2 =	vld [tilespmem:$0x1E0];
	_ =	sdelay $0x7  }
0x24b: {  	[tilespmem:v2+s7+$0x0] =	vst.idx.msk $0xffff, v1  }
0x24c: {  	v2 =	vld [tilespmem:$0x1F0];
	_ =	sdelay $0x6  }
0x24d: {  	p0 =	sne.s32 s5, $0x1  }
.Ltmp0:
0x24e: {  	[tilespmem:v2+s7+$0x0] =	vst.idx.msk $0xffff, v1;
	(pc) =	sbr.rel @p0 .LBB2_1-.Ltmp0, $4  }
0x24f: {  	[hbm4b:s4+s8] =	stream.strided.scatter [tilespmem:s7], [sflag:$0x1], $0x2000, s9, s8, $0x38;
	[tilespmem:$0x2200] =	vst v63  }
0x250: {  	_ =	swait.ge [sflag:s6], $0x2000  }
0x251: {  	[sflag:s6] =	ssyncset.done $0x0  }
0x252: {  	s5 =	sadd.s32 $0xFFFFFFFF, s5;
	[sflag:s6] =	ssyncadd.s32 $0xFFFFE000  }
0x253: {  	_ =	sfence.sel $0x180000  }
0x254: {  	[bflag:$0x0] =	sbarrier.arrive $0xFFFF  }
0x255: {  	p0 =	sne.s32 s1, $0x0;
	_ =	strace $0x90000047  }
0x256: {  	s0 =	sadd.s32 @!p0 $0x100000, s0;
	[bflag:$0x2] =	sbarrier.arrive $0xFFFF  }
0x257: {  	[sflag:s0] =	ssyncadd.tile.s32 @!p0 $0x1;
	_ =	shalt  }
.Lfunc_end2:
_tile_overlayer_lowered:
.L_overlay_start_2:
0x258: {  	(tag) =	ssettag $0x2  }
0x259: {  	s0 =	rddreg [dreg:$0x0];
	s2 =	stileid.u32  }
0x25a: {  	s1 =	rddreg [dreg:$0x1];
	p0 =	sne.s32 s2, $0x0  }
0x25b: {  	s3 =	rddreg [dreg:$0x2];
	[bflag:$0x3] =	sbarrier.arrive $0xFFFF;
	s2 =	simm.s32 @!p0 $0x1C01  }
0x25c: {  	[timem:s3], [sflag:s2] =	dma.local @!p0 [hbm:s0], s1  }
0x25d: {  	s0 =	simm.s32 @!p0 $0x1  }
0x25e: {  	_ =	swait.ge @!p0 [sflag:s0], s1  }
0x25f: {  	s1 =	ssub.s32 @!p0 $0x0, s1;
	[sflag:s0] =	ssyncset.done @!p0 $0x0  }
0x260: {  	[sflag:s0] =	ssyncadd.s32 @!p0 s1  }
0x261: {  	[bflag:$0x3] =	sbarrier.arrive $0xFFFF  }
0x262: {  	_ =	shalt  }

</sc_bundles>
